<compile_context>
chip_gen: v7x
topology: tpu7x:2x2x1
jax: 0.10.2.dev20260603
libtpu: 0.0.44.dev20260713+nightly
codegen_flags: <defaults>
</compile_context>

<pallas_src>
import functools
import math

import jax
import jax.numpy as jnp
from jax import lax
from jax.experimental import pallas as pl
from jax.experimental.pallas import tpu as pltpu
from jax.experimental.pallas import tpu_sc as plsc

_EB = 64
_NWORK = 32
_ROWPAD = 512
_DUMP = 128
_NBUF = 4
_AGGMAX = 10368
_ZCH = 24


def _rup(a, b):
    return (a + b - 1) // b * b


@functools.partial(jax.jit, static_argnames=("out_rows",))
def _sc_segsum(table, gidx, sidx, *, out_rows):
    nb = gidx.shape[0] - _NBUF
    assert nb % (_NWORK * _NBUF * 2) == 0
    nb_per = nb // _NWORK
    ngrp = nb_per // _NBUF
    assert ngrp % 2 == 0
    aggr = _AGGMAX
    assert out_rows + _DUMP <= aggr
    rows_per16 = aggr // 16
    assert rows_per16 % _ZCH == 0
    orow = out_rows // 16

    mesh = plsc.VectorSubcoreMesh(core_axis_name="c", subcore_axis_name="s")

    @functools.partial(
        pl.kernel,
        mesh=mesh,
        out_type=jax.ShapeDtypeStruct((2, out_rows, 128), jnp.float32),
        scratch_types=[
            pltpu.VMEM_SHARED((aggr, 128), jnp.float32),
            [pltpu.VMEM((_NBUF, _EB), jnp.int32) for _ in range(2)],
            [pltpu.VMEM((_NBUF, _EB), jnp.int32) for _ in range(2)],
            [pltpu.VMEM((_EB, 128), jnp.float32) for _ in range(_NBUF)],
            pltpu.VMEM((_ZCH, 128), jnp.float32),
            [pltpu.SemaphoreType.DMA for _ in range(_NBUF)],
            [pltpu.SemaphoreType.DMA for _ in range(_NBUF)],
            [pltpu.SemaphoreType.DMA for _ in range(2)],
        ],
    )
    def k(table_h, gidx_h, sidx_h, out_h, agg_s, gi_v, si_v, rows_v, z_v,
          gsem, ssem, isem):
        c = lax.axis_index("c")
        s = lax.axis_index("s")
        wid = c * 16 + s

        zero16 = jnp.zeros((16,), jnp.float32)
        for i in range(_ZCH):
            for j in range(8):
                z_v[i, pl.ds(j * 16, 16)] = zero16
        zbase = s * rows_per16

        def zbody(i, carry):
            pltpu.sync_copy(z_v, agg_s.at[pl.ds(zbase + i * _ZCH, _ZCH)])
            return carry

        lax.fori_loop(0, rows_per16 // _ZCH, zbody, 0)
        plsc.subcore_barrier()

        base = wid * nb_per

        def _wait_idx(h):
            pltpu.make_async_copy(gidx_h.at[pl.ds(0, _NBUF)], gi_v[h],
                                  isem[h]).wait()
            pltpu.make_async_copy(sidx_h.at[pl.ds(0, _NBUF)], si_v[h],
                                  isem[h]).wait()

        def _fetch_idx(g, h):
            off = base + g * _NBUF
            pltpu.async_copy(gidx_h.at[pl.ds(off, _NBUF)], gi_v[h], isem[h])
            pltpu.async_copy(sidx_h.at[pl.ds(off, _NBUF)], si_v[h], isem[h])

        def _wait_scat(b, h):
            pltpu.make_async_copy(rows_v[b], agg_s.at[si_v[h].at[b]],
                                  ssem[b]).wait()

        _fetch_idx(0, 0)

        def body(m, carry):
            for half in range(2):
                g = 2 * m + half
                _wait_idx(half)
                for b in range(_NBUF):
                    @pl.when(g > 0)
                    def _(b=b, half=half):
                        _wait_scat(b, 1 - half)
                    pltpu.async_copy(table_h.at[gi_v[half].at[b]], rows_v[b],
                                     gsem[b])
                _fetch_idx(g + 1, 1 - half)
                for b in range(_NBUF):
                    pltpu.make_async_copy(table_h.at[gi_v[half].at[b]],
                                          rows_v[b], gsem[b]).wait()
                    pltpu.async_copy(rows_v[b], agg_s.at[si_v[half].at[b]],
                                     ssem[b], add=True)
            return carry

        lax.fori_loop(0, ngrp // 2, body, 0)
        for b in range(_NBUF):
            _wait_scat(b, 1)
        _wait_idx(0)
        plsc.subcore_barrier()

        pltpu.sync_copy(
            agg_s.at[pl.ds(s * orow, orow)],
            out_h.at[c, pl.ds(s * orow, orow)],
        )

    return k(table, gidx, sidx)


def _gelu(h):
    return 0.5 * h * (1.0 + lax.erf(h / math.sqrt(2.0)))


def _mlp_body(n_valid, blk, ngroups, *refs):
    pps = refs[:ngroups]
    w1s = refs[ngroups:2 * ngroups]
    b1, w2, b2, w3, b3, gamma, beta, out = refs[2 * ngroups:]
    acc = None
    for g in range(ngroups):
        xg = pps[g][0] + pps[g][1]
        part = jnp.dot(xg, w1s[g][...], preferred_element_type=jnp.float32)
        acc = part if acc is None else acc + part
    h = acc + b1[...]
    h = _gelu(h)
    h = jnp.dot(h, w2[...], preferred_element_type=jnp.float32) + b2[...]
    h = _gelu(h)
    h = jnp.dot(h, w3[...], preferred_element_type=jnp.float32) + b3[...]
    mu = jnp.mean(h, axis=-1, keepdims=True)
    var = jnp.mean((h - mu) ** 2, axis=-1, keepdims=True)
    y = (h - mu) / jnp.sqrt(var + 1e-5) * gamma[...] + beta[...]
    rid = pl.program_id(0) * blk + lax.broadcasted_iota(jnp.int32, (blk, 1), 0)
    out[...] = jnp.where(rid < n_valid, y, 0.0)


def _mlp(pps, w1s, b1, w2, b2, w3, b3, gamma, beta, n_valid):
    n_pad = pps[0].shape[1]
    blk = 512
    grid = (n_pad // blk,)
    g = len(pps)
    in_specs = (
        [pl.BlockSpec((2, blk, 128), lambda i: (0, i, 0)) for _ in range(g)]
        + [pl.BlockSpec((128, 128), lambda i: (0, 0)) for _ in range(g)]
        + [pl.BlockSpec((1, 128), lambda i: (0, 0)),
           pl.BlockSpec((128, 128), lambda i: (0, 0)),
           pl.BlockSpec((1, 128), lambda i: (0, 0)),
           pl.BlockSpec((128, 128), lambda i: (0, 0)),
           pl.BlockSpec((1, 128), lambda i: (0, 0)),
           pl.BlockSpec((1, 128), lambda i: (0, 0)),
           pl.BlockSpec((1, 128), lambda i: (0, 0))]
    )
    return pl.pallas_call(
        functools.partial(_mlp_body, n_valid, blk, g),
        grid=grid,
        in_specs=in_specs,
        out_specs=pl.BlockSpec((blk, 128), lambda i: (i, 0)),
        out_shape=jax.ShapeDtypeStruct((n_pad, 128), jnp.float32),
    )(*pps, *w1s, b1, w2, b2, w3, b3, gamma, beta)


def _scale_body(x_ref, s_ref, o_ref):
    o_ref[...] = x_ref[...] * s_ref[...]


def _scale_rows(x_pad, s_bcast):
    n_pad = x_pad.shape[0]
    blk = 512
    return pl.pallas_call(
        _scale_body,
        grid=(n_pad // blk,),
        in_specs=[pl.BlockSpec((blk, 128), lambda i: (i, 0)),
                  pl.BlockSpec((blk, 128), lambda i: (i, 0))],
        out_specs=pl.BlockSpec((blk, 128), lambda i: (i, 0)),
        out_shape=jax.ShapeDtypeStruct((n_pad, 128), jnp.float32),
    )(x_pad, s_bcast)


def _prep_params(p):
    w1, b1, w2, b2, w3, b3, gamma, beta = p
    return (w1.T, b1.reshape(1, -1), w2.T, b2.reshape(1, -1), w3.T,
            b3.reshape(1, -1), gamma.reshape(1, -1), beta.reshape(1, -1))


def _edge_blocks(gidx, sidx, zrow, dump_base):
    m = gidx.shape[0]
    cap = _rup(m, _NWORK * _EB * _NBUF * 2)
    pad = cap - m
    gidx = jnp.concatenate([gidx, jnp.full((pad,), zrow, jnp.int32)])
    sidx = jnp.concatenate(
        [sidx, dump_base + (jnp.arange(pad, dtype=jnp.int32) % _DUMP)])
    gtail = jnp.full((_NBUF, _EB), zrow, jnp.int32)
    stail = jnp.full((_NBUF, _EB), dump_base, jnp.int32)
    gb = jnp.concatenate([gidx.reshape(cap // _EB, _EB), gtail])
    sb = jnp.concatenate([sidx.reshape(cap // _EB, _EB), stail])
    return gb, sb


def kernel(x, edge_index, pool_ws, down_params, up_params):
    n0, cdim = x.shape
    e = edge_index.shape[1]
    depth = len(pool_ws)
    senders = edge_index[0]
    receivers = edge_index[1]

    n_pad0 = _rup(n0, _ROWPAD)
    x_pad = jnp.pad(x, ((0, n_pad0 - n0), (0, 0)))

    cur_x = x_pad
    cur_n = n0
    s_cur, r_cur = senders, receivers
    valid_cur = jnp.ones((e,), jnp.bool_)

    xs_pad = [x_pad]
    ns = [n0]
    edges_lvl = [(senders, receivers, valid_cur)]
    newidx_lvl = []

    for i in range(depth):
        w = pool_ws[i]
        score = jnp.tanh((cur_x[:cur_n] @ w) / jnp.linalg.norm(w))
        k = int(math.ceil(0.5 * cur_n))
        vals, perm = lax.top_k(score, k)
        k_pad = _rup(k, _ROWPAD)
        new_idx = jnp.full((cur_n,), -1, jnp.int32).at[perm].set(
            jnp.arange(k, dtype=jnp.int32))

        scale = jnp.zeros((cur_x.shape[0],), jnp.float32).at[perm].set(vals)
        table = _scale_rows(cur_x, jnp.broadcast_to(scale[:, None],
                                                    (cur_x.shape[0], 128)))

        s_new = jnp.take(new_idx, s_cur)
        r_new = jnp.take(new_idx, r_cur)
        valid_new = (s_new >= 0) & (r_new >= 0) & valid_cur

        v2 = jnp.concatenate([valid_new, valid_new])
        g_old = jnp.concatenate([s_cur, r_cur])
        sc_new = jnp.concatenate([r_new, s_new])
        gidx = jnp.where(v2, g_old, jnp.int32(cur_n))
        dump = k_pad + (jnp.arange(2 * e, dtype=jnp.int32) % _DUMP)
        sidx = jnp.where(v2, sc_new, dump)
        gb, sb = _edge_blocks(gidx, sidx, cur_n, k_pad)
        parts = _sc_segsum(table, gb, sb, out_rows=k_pad)

        dp = _prep_params(down_params[i])
        cur_x = _mlp([parts], [dp[0]], *dp[1:], n_valid=k)

        s_store = jnp.where(valid_new, s_new, 0)
        r_store = jnp.where(valid_new, r_new, 0)
        newidx_lvl.append(new_idx)
        cur_n = k
        s_cur, r_cur, valid_cur = s_store, r_store, valid_new
        if i < depth - 1:
            xs_pad.append(cur_x)
            ns.append(k)
            edges_lvl.append((s_store, r_store, valid_new))

    for i in range(depth):
        j = depth - 1 - i
        res = xs_pad[j]
        n_j = ns[j]
        n_j_pad = res.shape[0]
        s_j, r_j, valid_j = edges_lvl[j]
        inv = newidx_lvl[j]
        child_n = cur_n

        v2 = jnp.concatenate([valid_j, valid_j])
        g_res = jnp.concatenate([s_j, r_j])
        sc_j = jnp.concatenate([r_j, s_j])
        dump = n_j_pad + (jnp.arange(2 * e, dtype=jnp.int32) % _DUMP)
        gidx_res = jnp.where(v2, g_res, jnp.int32(n_j))
        sidx = jnp.where(v2, sc_j, dump)

        up_ids = jnp.take(inv, g_res)
        vu = v2 & (up_ids >= 0)
        gidx_up = jnp.where(vu, up_ids, jnp.int32(child_n))

        gb_r, sb = _edge_blocks(gidx_res, sidx, n_j, n_j_pad)
        gb_u, _ = _edge_blocks(gidx_up, sidx, child_n, n_j_pad)

        parts_res = _sc_segsum(res, gb_r, sb, out_rows=n_j_pad)
        parts_up = _sc_segsum(cur_x, gb_u, sb, out_rows=n_j_pad)

        up = _prep_params(up_params[i])
        w1 = up[0]
        cur_x = _mlp([parts_res, parts_up], [w1[:cdim], w1[cdim:]],
                     *up[1:], n_valid=n_j)
        cur_n = n_j

    return cur_x[:n0]

# --- scband reference (transcript-rebuilt; emitter-appended) ---
"""Pipeline reference for scband-mesh-graph-unet2-90400471646659 (READ-ONLY COPY).

The authoritative reference and input builder live on the scoring server;
editing this copy changes nothing except your own understanding.
"""

import jax, jax.numpy as jnp
import numpy as np
import math

N = 10000
E = 320000
C = 128
DEPTH = 3
RATIO = 0.5

def _linear_params(key, fan_in, fan_out):
    k1, k2 = jax.random.split(key)
    bound = 1.0 / math.sqrt(fan_in)
    W = jax.random.uniform(k1, (fan_out, fan_in), minval=-bound, maxval=bound, dtype=jnp.float32)
    b = jax.random.uniform(k2, (fan_out,), minval=-bound, maxval=bound, dtype=jnp.float32)
    return W, b

def _n2n_params(key, cin, hid, cout):
    k1, k2, k3 = jax.random.split(key, 3)
    W1, b1 = _linear_params(k1, cin, hid)
    W2, b2 = _linear_params(k2, hid, hid)
    W3, b3 = _linear_params(k3, hid, cout)
    gamma = jnp.ones((cout,), jnp.float32)
    beta = jnp.zeros((cout,), jnp.float32)
    return (W1, b1, W2, b2, W3, b3, gamma, beta)

def _node_to_node(x, senders, receivers, emask, params, num_nodes):
    W1, b1, W2, b2, W3, b3, gamma, beta = params
    s2 = jnp.concatenate([senders, receivers], axis=0)
    r2 = jnp.concatenate([receivers, senders], axis=0)
    m2 = jnp.concatenate([emask, emask], axis=0)
    msgs = jnp.take(x, s2, axis=0) * m2[:, None]
    agg = jax.ops.segment_sum(msgs, r2, num_segments=num_nodes)
    h = jax.nn.gelu(agg @ W1.T + b1, approximate=False)
    h = jax.nn.gelu(h @ W2.T + b2, approximate=False)
    h = h @ W3.T + b3
    mu = jnp.mean(h, axis=-1, keepdims=True)
    var = jnp.var(h, axis=-1, keepdims=True)
    return (h - mu) / jnp.sqrt(var + 1e-5) * gamma + beta

def _topk_pool(x, senders, receivers, emask, w, ratio):
    n = x.shape[0]
    score = jnp.tanh((x @ w) / jnp.linalg.norm(w))
    k = int(math.ceil(ratio * n))
    vals, perm = jax.lax.top_k(score, k)
    x_new = jnp.take(x, perm, axis=0) * vals[:, None]
    new_idx = jnp.full((n,), -1, dtype=jnp.int32).at[perm].set(jnp.arange(k, dtype=jnp.int32))
    s_new = jnp.take(new_idx, senders)
    r_new = jnp.take(new_idx, receivers)
    valid = (s_new >= 0) & (r_new >= 0) & (emask > 0)
    s_new = jnp.where(valid, s_new, 0)
    r_new = jnp.where(valid, r_new, 0)
    return x_new, s_new, r_new, valid.astype(x.dtype), perm, k

def _forward(x, edge_index, pool_ws, down_params, up_params):
    senders = edge_index[0]
    receivers = edge_index[1]
    emask = jnp.ones((senders.shape[0],), x.dtype)
    xs = [x]
    edges = [(senders, receivers, emask)]
    perms = []
    for i in range(DEPTH):
        x, senders, receivers, emask, perm, k = _topk_pool(x, senders, receivers, emask, pool_ws[i], RATIO)
        x = _node_to_node(x, senders, receivers, emask, down_params[i], k)
        if i < DEPTH - 1:
            xs.append(x)
            edges.append((senders, receivers, emask))
        perms.append(perm)
    for i in range(DEPTH):
        j = DEPTH - 1 - i
        res = xs[j]
        senders, receivers, emask = edges[j]
        perm = perms[j]
        up = jnp.zeros_like(res).at[perm].set(x)
        x = jnp.concatenate([res, up], axis=-1)
        x = _node_to_node(x, senders, receivers, emask, up_params[i], res.shape[0])
    return x

def setup_inputs(seed: int = 0):
    key = jax.random.key(seed)
    ks = jax.random.split(key, 12)
    x = jax.random.normal(ks[0], (N, C), dtype=jnp.float32)
    edge_index = jax.random.randint(ks[1], (2, E), 0, N, dtype=jnp.int32)
    bound = 1.0 / math.sqrt(C)
    pool_ws = [jax.random.uniform(ks[2 + i], (C,), minval=-bound, maxval=bound, dtype=jnp.float32) for i in range(DEPTH)]
    down_params = [_n2n_params(ks[5 + i], C, C, C) for i in range(DEPTH)]
    up_params = [_n2n_params(ks[8 + i], 2 * C, C, C) for i in range(DEPTH)]
    return {"x": x, "edge_index": edge_index, "pool_ws": pool_ws, "down_params": down_params, "up_params": up_params}

def reference(x, edge_index, pool_ws, down_params, up_params):
    return _forward(x, edge_index, pool_ws, down_params, up_params)

if __name__ == "__main__":
    import jax
    _d = setup_inputs()
    print(jax.jit(kernel)(*tuple(_d.values())))

</pallas_src>

<mosaic_0001>
#map = affine_map<(d0, d1) -> (0, 0)>
#map1 = affine_map<(d0, d1) -> (0, 0, 0)>
module attributes {stable_mosaic.version = 14 : i64} {
  func.func @k(%arg0: i32, %arg1: i32, %arg2: memref<10240x128xf32, #tpu.memory_space<hbm>>, %arg3: memref<10244x64xi32, #tpu.memory_space<hbm>>, %arg4: memref<10244x64xi32, #tpu.memory_space<hbm>>, %arg5: memref<2x5120x128xf32, #tpu.memory_space<hbm>>, %arg6: memref<10368x128xf32, #tpu.memory_space<vmem_shared>>, %arg7: memref<4x64xi32, #tpu.memory_space<vmem>>, %arg8: memref<4x64xi32, #tpu.memory_space<vmem>>, %arg9: memref<4x64xi32, #tpu.memory_space<vmem>>, %arg10: memref<4x64xi32, #tpu.memory_space<vmem>>, %arg11: memref<64x128xf32, #tpu.memory_space<vmem>>, %arg12: memref<64x128xf32, #tpu.memory_space<vmem>>, %arg13: memref<64x128xf32, #tpu.memory_space<vmem>>, %arg14: memref<64x128xf32, #tpu.memory_space<vmem>>, %arg15: memref<24x128xf32, #tpu.memory_space<vmem>>, %arg16: memref<!tpu.dma_semaphore, #tpu.memory_space<semaphore_mem>>, %arg17: memref<!tpu.dma_semaphore, #tpu.memory_space<semaphore_mem>>, %arg18: memref<!tpu.dma_semaphore, #tpu.memory_space<semaphore_mem>>, %arg19: memref<!tpu.dma_semaphore, #tpu.memory_space<semaphore_mem>>, %arg20: memref<!tpu.dma_semaphore, #tpu.memory_space<semaphore_mem>>, %arg21: memref<!tpu.dma_semaphore, #tpu.memory_space<semaphore_mem>>, %arg22: memref<!tpu.dma_semaphore, #tpu.memory_space<semaphore_mem>>, %arg23: memref<!tpu.dma_semaphore, #tpu.memory_space<semaphore_mem>>, %arg24: memref<!tpu.dma_semaphore, #tpu.memory_space<semaphore_mem>>, %arg25: memref<!tpu.dma_semaphore, #tpu.memory_space<semaphore_mem>>) attributes {dimension_semantics = [#tpu.dimension_semantics<core_parallel>, #tpu.dimension_semantics<subcore_parallel>], iteration_bounds = array<i64: 2, 16>, scalar_prefetch = 0 : i64, scratch_operands = 20 : i64, tpu.core_type = #tpu.core_type<sc_vector_subcore>, window_params = [{transform_indices = #map}, {transform_indices = #map}, {transform_indices = #map}, {transform_indices = #map1}]} {
    %mul3A = arith.constant 16 : i32
    %mul3A_0 = arith.muli %arg0, %mul3A : i32
    %add3A = arith.addi %mul3A_0, %arg1 : i32
    %broadcast_in_dim3A = arith.constant 0.000000e+00 : f32
    %broadcast_in_dim3A_1 = vector.broadcast %broadcast_in_dim3A : f32 to vector<16xf32>
    %swap3A = arith.constant 0 : i32
    %swap3A_2 = arith.index_cast %swap3A : i32 to index
    %swap3A_3 = arith.constant 0 : index
    %swap3A_4 = tpu.vector_load %arg15[%swap3A_2, %swap3A_3] {strides = array<i32>} : memref<24x128xf32, #tpu.memory_space<vmem>>, vector<1x16xf32>,
    %swap3A_5 = vector.shape_cast %swap3A_4 : vector<1x16xf32> to vector<16xf32>
    %swap3A_6 = vector.shape_cast %broadcast_in_dim3A_1 : vector<16xf32> to vector<1x16xf32>
    tpu.vector_store %arg15[%swap3A_2, %swap3A_3], %swap3A_6 {strides = array<i32>} : memref<24x128xf32, #tpu.memory_space<vmem>>, vector<1x16xf32>,
    %swap3A_7 = arith.constant 0 : i32
    %swap3A_8 = arith.index_cast %swap3A_7 : i32 to index
    %swap3A_9 = arith.constant 16 : index
    %swap3A_10 = tpu.vector_load %arg15[%swap3A_8, %swap3A_9] {strides = array<i32>} : memref<24x128xf32, #tpu.memory_space<vmem>>, vector<1x16xf32>,
    %swap3A_11 = vector.shape_cast %swap3A_10 : vector<1x16xf32> to vector<16xf32>
    %swap3A_12 = vector.shape_cast %broadcast_in_dim3A_1 : vector<16xf32> to vector<1x16xf32>
    tpu.vector_store %arg15[%swap3A_8, %swap3A_9], %swap3A_12 {strides = array<i32>} : memref<24x128xf32, #tpu.memory_space<vmem>>, vector<1x16xf32>,
    %swap3A_13 = arith.constant 0 : i32
    %swap3A_14 = arith.index_cast %swap3A_13 : i32 to index
    %swap3A_15 = arith.constant 32 : index
    %swap3A_16 = tpu.vector_load %arg15[%swap3A_14, %swap3A_15] {strides = array<i32>} : memref<24x128xf32, #tpu.memory_space<vmem>>, vector<1x16xf32>,
    %swap3A_17 = vector.shape_cast %swap3A_16 : vector<1x16xf32> to vector<16xf32>
    %swap3A_18 = vector.shape_cast %broadcast_in_dim3A_1 : vector<16xf32> to vector<1x16xf32>
    tpu.vector_store %arg15[%swap3A_14, %swap3A_15], %swap3A_18 {strides = array<i32>} : memref<24x128xf32, #tpu.memory_space<vmem>>, vector<1x16xf32>,
    %swap3A_19 = arith.constant 0 : i32
    %swap3A_20 = arith.index_cast %swap3A_19 : i32 to index
    %swap3A_21 = arith.constant 48 : index
    %swap3A_22 = tpu.vector_load %arg15[%swap3A_20, %swap3A_21] {strides = array<i32>} : memref<24x128xf32, #tpu.memory_space<vmem>>, vector<1x16xf32>,
    %swap3A_23 = vector.shape_cast %swap3A_22 : vector<1x16xf32> to vector<16xf32>
    %swap3A_24 = vector.shape_cast %broadcast_in_dim3A_1 : vector<16xf32> to vector<1x16xf32>
    tpu.vector_store %arg15[%swap3A_20, %swap3A_21], %swap3A_24 {strides = array<i32>} : memref<24x128xf32, #tpu.memory_space<vmem>>, vector<1x16xf32>,
    %swap3A_25 = arith.constant 0 : i32
    %swap3A_26 = arith.index_cast %swap3A_25 : i32 to index
    %swap3A_27 = arith.constant 64 : index
    %swap3A_28 = tpu.vector_load %arg15[%swap3A_26, %swap3A_27] {strides = array<i32>} : memref<24x128xf32, #tpu.memory_space<vmem>>, vector<1x16xf32>,
    %swap3A_29 = vector.shape_cast %swap3A_28 : vector<1x16xf32> to vector<16xf32>
    %swap3A_30 = vector.shape_cast %broadcast_in_dim3A_1 : vector<16xf32> to vector<1x16xf32>
    tpu.vector_store %arg15[%swap3A_26, %swap3A_27], %swap3A_30 {strides = array<i32>} : memref<24x128xf32, #tpu.memory_space<vmem>>, vector<1x16xf32>,
    %swap3A_31 = arith.constant 0 : i32
    %swap3A_32 = arith.index_cast %swap3A_31 : i32 to index
    %swap3A_33 = arith.constant 80 : index
    %swap3A_34 = tpu.vector_load %arg15[%swap3A_32, %swap3A_33] {strides = array<i32>} : memref<24x128xf32, #tpu.memory_space<vmem>>, vector<1x16xf32>,
    %swap3A_35 = vector.shape_cast %swap3A_34 : vector<1x16xf32> to vector<16xf32>
    %swap3A_36 = vector.shape_cast %broadcast_in_dim3A_1 : vector<16xf32> to vector<1x16xf32>
    tpu.vector_store %arg15[%swap3A_32, %swap3A_33], %swap3A_36 {strides = array<i32>} : memref<24x128xf32, #tpu.memory_space<vmem>>, vector<1x16xf32>,
    %swap3A_37 = arith.constant 0 : i32
    %swap3A_38 = arith.index_cast %swap3A_37 : i32 to index
    %swap3A_39 = arith.constant 96 : index
    %swap3A_40 = tpu.vector_load %arg15[%swap3A_38, %swap3A_39] {strides = array<i32>} : memref<24x128xf32, #tpu.memory_space<vmem>>, vector<1x16xf32>,
    %swap3A_41 = vector.shape_cast %swap3A_40 : vector<1x16xf32> to vector<16xf32>
    %swap3A_42 = vector.shape_cast %broadcast_in_dim3A_1 : vector<16xf32> to vector<1x16xf32>
    tpu.vector_store %arg15[%swap3A_38, %swap3A_39], %swap3A_42 {strides = array<i32>} : memref<24x128xf32, #tpu.memory_space<vmem>>, vector<1x16xf32>,
    %swap3A_43 = arith.constant 0 : i32
    %swap3A_44 = arith.index_cast %swap3A_43 : i32 to index
    %swap3A_45 = arith.constant 112 : index
    %swap3A_46 = tpu.vector_load %arg15[%swap3A_44, %swap3A_45] {strides = array<i32>} : memref<24x128xf32, #tpu.memory_space<vmem>>, vector<1x16xf32>,
    %swap3A_47 = vector.shape_cast %swap3A_46 : vector<1x16xf32> to vector<16xf32>
    %swap3A_48 = vector.shape_cast %broadcast_in_dim3A_1 : vector<16xf32> to vector<1x16xf32>
    tpu.vector_store %arg15[%swap3A_44, %swap3A_45], %swap3A_48 {strides = array<i32>} : memref<24x128xf32, #tpu.memory_space<vmem>>, vector<1x16xf32>,
    %swap3A_49 = arith.constant 1 : i32
    %swap3A_50 = arith.index_cast %swap3A_49 : i32 to index
    %swap3A_51 = arith.constant 0 : index
    %swap3A_52 = tpu.vector_load %arg15[%swap3A_50, %swap3A_51] {strides = array<i32>} : memref<24x128xf32, #tpu.memory_space<vmem>>, vector<1x16xf32>,
    %swap3A_53 = vector.shape_cast %swap3A_52 : vector<1x16xf32> to vector<16xf32>
    %swap3A_54 = vector.shape_cast %broadcast_in_dim3A_1 : vector<16xf32> to vector<1x16xf32>
    tpu.vector_store %arg15[%swap3A_50, %swap3A_51], %swap3A_54 {strides = array<i32>} : memref<24x128xf32, #tpu.memory_space<vmem>>, vector<1x16xf32>,
    %swap3A_55 = arith.constant 1 : i32
    %swap3A_56 = arith.index_cast %swap3A_55 : i32 to index
    %swap3A_57 = arith.constant 16 : index
    %swap3A_58 = tpu.vector_load %arg15[%swap3A_56, %swap3A_57] {strides = array<i32>} : memref<24x128xf32, #tpu.memory_space<vmem>>, vector<1x16xf32>,
    %swap3A_59 = vector.shape_cast %swap3A_58 : vector<1x16xf32> to vector<16xf32>
    %swap3A_60 = vector.shape_cast %broadcast_in_dim3A_1 : vector<16xf32> to vector<1x16xf32>
    tpu.vector_store %arg15[%swap3A_56, %swap3A_57], %swap3A_60 {strides = array<i32>} : memref<24x128xf32, #tpu.memory_space<vmem>>, vector<1x16xf32>,
    %swap3A_61 = arith.constant 1 : i32
    %swap3A_62 = arith.index_cast %swap3A_61 : i32 to index
    %swap3A_63 = arith.constant 32 : index
    %swap3A_64 = tpu.vector_load %arg15[%swap3A_62, %swap3A_63] {strides = array<i32>} : memref<24x128xf32, #tpu.memory_space<vmem>>, vector<1x16xf32>,
    %swap3A_65 = vector.shape_cast %swap3A_64 : vector<1x16xf32> to vector<16xf32>
    %swap3A_66 = vector.shape_cast %broadcast_in_dim3A_1 : vector<16xf32> to vector<1x16xf32>
    tpu.vector_store %arg15[%swap3A_62, %swap3A_63], %swap3A_66 {strides = array<i32>} : memref<24x128xf32, #tpu.memory_space<vmem>>, vector<1x16xf32>,
    %swap3A_67 = arith.constant 1 : i32
    %swap3A_68 = arith.index_cast %swap3A_67 : i32 to index
    %swap3A_69 = arith.constant 48 : index
    %swap3A_70 = tpu.vector_load %arg15[%swap3A_68, %swap3A_69] {strides = array<i32>} : memref<24x128xf32, #tpu.memory_space<vmem>>, vector<1x16xf32>,
    %swap3A_71 = vector.shape_cast %swap3A_70 : vector<1x16xf32> to vector<16xf32>
    %swap3A_72 = vector.shape_cast %broadcast_in_dim3A_1 : vector<16xf32> to vector<1x16xf32>
    tpu.vector_store %arg15[%swap3A_68, %swap3A_69], %swap3A_72 {strides = array<i32>} : memref<24x128xf32, #tpu.memory_space<vmem>>, vector<1x16xf32>,
    %swap3A_73 = arith.constant 1 : i32
    %swap3A_74 = arith.index_cast %swap3A_73 : i32 to index
    %swap3A_75 = arith.constant 64 : index
    %swap3A_76 = tpu.vector_load %arg15[%swap3A_74, %swap3A_75] {strides = array<i32>} : memref<24x128xf32, #tpu.memory_space<vmem>>, vector<1x16xf32>,
    %swap3A_77 = vector.shape_cast %swap3A_76 : vector<1x16xf32> to vector<16xf32>
    %swap3A_78 = vector.shape_cast %broadcast_in_dim3A_1 : vector<16xf32> to vector<1x16xf32>
    tpu.vector_store %arg15[%swap3A_74, %swap3A_75], %swap3A_78 {strides = array<i32>} : memref<24x128xf32, #tpu.memory_space<vmem>>, vector<1x16xf32>,
    %swap3A_79 = arith.constant 1 : i32
    %swap3A_80 = arith.index_cast %swap3A_79 : i32 to index
    %swap3A_81 = arith.constant 80 : index
    %swap3A_82 = tpu.vector_load %arg15[%swap3A_80, %swap3A_81] {strides = array<i32>} : memref<24x128xf32, #tpu.memory_space<vmem>>, vector<1x16xf32>,
    %swap3A_83 = vector.shape_cast %swap3A_82 : vector<1x16xf32> to vector<16xf32>
    %swap3A_84 = vector.shape_cast %broadcast_in_dim3A_1 : vector<16xf32> to vector<1x16xf32>
    tpu.vector_store %arg15[%swap3A_80, %swap3A_81], %swap3A_84 {strides = array<i32>} : memref<24x128xf32, #tpu.memory_space<vmem>>, vector<1x16xf32>,
    %swap3A_85 = arith.constant 1 : i32
    %swap3A_86 = arith.index_cast %swap3A_85 : i32 to index
    %swap3A_87 = arith.constant 96 : index
    %swap3A_88 = tpu.vector_load %arg15[%swap3A_86, %swap3A_87] {strides = array<i32>} : memref<24x128xf32, #tpu.memory_space<vmem>>, vector<1x16xf32>,
    %swap3A_89 = vector.shape_cast %swap3A_88 : vector<1x16xf32> to vector<16xf32>
    %swap3A_90 = vector.shape_cast %broadcast_in_dim3A_1 : vector<16xf32> to vector<1x16xf32>
    tpu.vector_store %arg15[%swap3A_86, %swap3A_87], %swap3A_90 {strides = array<i32>} : memref<24x128xf32, #tpu.memory_space<vmem>>, vector<1x16xf32>,
    %swap3A_91 = arith.constant 1 : i32
    %swap3A_92 = arith.index_cast %swap3A_91 : i32 to index
    %swap3A_93 = arith.constant 112 : index
    %swap3A_94 = tpu.vector_load %arg15[%swap3A_92, %swap3A_93] {strides = array<i32>} : memref<24x128xf32, #tpu.memory_space<vmem>>, vector<1x16xf32>,
    %swap3A_95 = vector.shape_cast %swap3A_94 : vector<1x16xf32> to vector<16xf32>
    %swap3A_96 = vector.shape_cast %broadcast_in_dim3A_1 : vector<16xf32> to vector<1x16xf32>
    tpu.vector_store %arg15[%swap3A_92, %swap3A_93], %swap3A_96 {strides = array<i32>} : memref<24x128xf32, #tpu.memory_space<vmem>>, vector<1x16xf32>,
    %swap3A_97 = arith.constant 2 : i32
    %swap3A_98 = arith.index_cast %swap3A_97 : i32 to index
    %swap3A_99 = arith.constant 0 : index
    %swap3A_100 = tpu.vector_load %arg15[%swap3A_98, %swap3A_99] {strides = array<i32>} : memref<24x128xf32, #tpu.memory_space<vmem>>, vector<1x16xf32>,
    %swap3A_101 = vector.shape_cast %swap3A_100 : vector<1x16xf32> to vector<16xf32>
    %swap3A_102 = vector.shape_cast %broadcast_in_dim3A_1 : vector<16xf32> to vector<1x16xf32>
    tpu.vector_store %arg15[%swap3A_98, %swap3A_99], %swap3A_102 {strides = array<i32>} : memref<24x128xf32, #tpu.memory_space<vmem>>, vector<1x16xf32>,
    %swap3A_103 = arith.constant 2 : i32
    %swap3A_104 = arith.index_cast %swap3A_103 : i32 to index
    %swap3A_105 = arith.constant 16 : index
    %swap3A_106 = tpu.vector_load %arg15[%swap3A_104, %swap3A_105] {strides = array<i32>} : memref<24x128xf32, #tpu.memory_space<vmem>>, vector<1x16xf32>,
    %swap3A_107 = vector.shape_cast %swap3A_106 : vector<1x16xf32> to vector<16xf32>
    %swap3A_108 = vector.shape_cast %broadcast_in_dim3A_1 : vector<16xf32> to vector<1x16xf32>
    tpu.vector_store %arg15[%swap3A_104, %swap3A_105], %swap3A_108 {strides = array<i32>} : memref<24x128xf32, #tpu.memory_space<vmem>>, vector<1x16xf32>,
    %swap3A_109 = arith.constant 2 : i32
    %swap3A_110 = arith.index_cast %swap3A_109 : i32 to index
    %swap3A_111 = arith.constant 32 : index
    %swap3A_112 = tpu.vector_load %arg15[%swap3A_110, %swap3A_111] {strides = array<i32>} : memref<24x128xf32, #tpu.memory_space<vmem>>, vector<1x16xf32>,
    %swap3A_113 = vector.shape_cast %swap3A_112 : vector<1x16xf32> to vector<16xf32>
    %swap3A_114 = vector.shape_cast %broadcast_in_dim3A_1 : vector<16xf32> to vector<1x16xf32>
    tpu.vector_store %arg15[%swap3A_110, %swap3A_111], %swap3A_114 {strides = array<i32>} : memref<24x128xf32, #tpu.memory_space<vmem>>, vector<1x16xf32>,
    %swap3A_115 = arith.constant 2 : i32
    %swap3A_116 = arith.index_cast %swap3A_115 : i32 to index
    %swap3A_117 = arith.constant 48 : index
    %swap3A_118 = tpu.vector_load %arg15[%swap3A_116, %swap3A_117] {strides = array<i32>} : memref<24x128xf32, #tpu.memory_space<vmem>>, vector<1x16xf32>,
    %swap3A_119 = vector.shape_cast %swap3A_118 : vector<1x16xf32> to vector<16xf32>
    %swap3A_120 = vector.shape_cast %broadcast_in_dim3A_1 : vector<16xf32> to vector<1x16xf32>
    tpu.vector_store %arg15[%swap3A_116, %swap3A_117], %swap3A_120 {strides = array<i32>} : memref<24x128xf32, #tpu.memory_space<vmem>>, vector<1x16xf32>,
    %swap3A_121 = arith.constant 2 : i32
    %swap3A_122 = arith.index_cast %swap3A_121 : i32 to index
    %swap3A_123 = arith.constant 64 : index
    %swap3A_124 = tpu.vector_load %arg15[%swap3A_122, %swap3A_123] {strides = array<i32>} : memref<24x128xf32, #tpu.memory_space<vmem>>, vector<1x16xf32>,
    %swap3A_125 = vector.shape_cast %swap3A_124 : vector<1x16xf32> to vector<16xf32>
    %swap3A_126 = vector.shape_cast %broadcast_in_dim3A_1 : vector<16xf32> to vector<1x16xf32>
    tpu.vector_store %arg15[%swap3A_122, %swap3A_123], %swap3A_126 {strides = array<i32>} : memref<24x128xf32, #tpu.memory_space<vmem>>, vector<1x16xf32>,
    %swap3A_127 = arith.constant 2 : i32
    %swap3A_128 = arith.index_cast %swap3A_127 : i32 to index
    %swap3A_129 = arith.constant 80 : index
    %swap3A_130 = tpu.vector_load %arg15[%swap3A_128, %swap3A_129] {strides = array<i32>} : memref<24x128xf32, #tpu.memory_space<vmem>>, vector<1x16xf32>,
    %swap3A_131 = vector.shape_cast %swap3A_130 : vector<1x16xf32> to vector<16xf32>
    %swap3A_132 = vector.shape_cast %broadcast_in_dim3A_1 : vector<16xf32> to vector<1x16xf32>
    tpu.vector_store %arg15[%swap3A_128, %swap3A_129], %swap3A_132 {strides = array<i32>} : memref<24x128xf32, #tpu.memory_space<vmem>>, vector<1x16xf32>,
    %swap3A_133 = arith.constant 2 : i32
    %swap3A_134 = arith.index_cast %swap3A_133 : i32 to index
    %swap3A_135 = arith.constant 96 : index
    %swap3A_136 = tpu.vector_load %arg15[%swap3A_134, %swap3A_135] {strides = array<i32>} : memref<24x128xf32, #tpu.memory_space<vmem>>, vector<1x16xf32>,
    %swap3A_137 = vector.shape_cast %swap3A_136 : vector<1x16xf32> to vector<16xf32>
    %swap3A_138 = vector.shape_cast %broadcast_in_dim3A_1 : vector<16xf32> to vector<1x16xf32>
    tpu.vector_store %arg15[%swap3A_134, %swap3A_135], %swap3A_138 {strides = array<i32>} : memref<24x128xf32, #tpu.memory_space<vmem>>, vector<1x16xf32>,
    %swap3A_139 = arith.constant 2 : i32
    %swap3A_140 = arith.index_cast %swap3A_139 : i32 to index
    %swap3A_141 = arith.constant 112 : index
    %swap3A_142 = tpu.vector_load %arg15[%swap3A_140, %swap3A_141] {strides = array<i32>} : memref<24x128xf32, #tpu.memory_space<vmem>>, vector<1x16xf32>,
    %swap3A_143 = vector.shape_cast %swap3A_142 : vector<1x16xf32> to vector<16xf32>
    %swap3A_144 = vector.shape_cast %broadcast_in_dim3A_1 : vector<16xf32> to vector<1x16xf32>
    tpu.vector_store %arg15[%swap3A_140, %swap3A_141], %swap3A_144 {strides = array<i32>} : memref<24x128xf32, #tpu.memory_space<vmem>>, vector<1x16xf32>,
    %swap3A_145 = arith.constant 3 : i32
    %swap3A_146 = arith.index_cast %swap3A_145 : i32 to index
    %swap3A_147 = arith.constant 0 : index
    %swap3A_148 = tpu.vector_load %arg15[%swap3A_146, %swap3A_147] {strides = array<i32>} : memref<24x128xf32, #tpu.memory_space<vmem>>, vector<1x16xf32>,
    %swap3A_149 = vector.shape_cast %swap3A_148 : vector<1x16xf32> to vector<16xf32>
    %swap3A_150 = vector.shape_cast %broadcast_in_dim3A_1 : vector<16xf32> to vector<1x16xf32>
    tpu.vector_store %arg15[%swap3A_146, %swap3A_147], %swap3A_150 {strides = array<i32>} : memref<24x128xf32, #tpu.memory_space<vmem>>, vector<1x16xf32>,
    %swap3A_151 = arith.constant 3 : i32
    %swap3A_152 = arith.index_cast %swap3A_151 : i32 to index
    %swap3A_153 = arith.constant 16 : index
    %swap3A_154 = tpu.vector_load %arg15[%swap3A_152, %swap3A_153] {strides = array<i32>} : memref<24x128xf32, #tpu.memory_space<vmem>>, vector<1x16xf32>,
    %swap3A_155 = vector.shape_cast %swap3A_154 : vector<1x16xf32> to vector<16xf32>
    %swap3A_156 = vector.shape_cast %broadcast_in_dim3A_1 : vector<16xf32> to vector<1x16xf32>
    tpu.vector_store %arg15[%swap3A_152, %swap3A_153], %swap3A_156 {strides = array<i32>} : memref<24x128xf32, #tpu.memory_space<vmem>>, vector<1x16xf32>,
    %swap3A_157 = arith.constant 3 : i32
    %swap3A_158 = arith.index_cast %swap3A_157 : i32 to index
    %swap3A_159 = arith.constant 32 : index
    %swap3A_160 = tpu.vector_load %arg15[%swap3A_158, %swap3A_159] {strides = array<i32>} : memref<24x128xf32, #tpu.memory_space<vmem>>, vector<1x16xf32>,
    %swap3A_161 = vector.shape_cast %swap3A_160 : vector<1x16xf32> to vector<16xf32>
    %swap3A_162 = vector.shape_cast %broadcast_in_dim3A_1 : vector<16xf32> to vector<1x16xf32>
    tpu.vector_store %arg15[%swap3A_158, %swap3A_159], %swap3A_162 {strides = array<i32>} : memref<24x128xf32, #tpu.memory_space<vmem>>, vector<1x16xf32>,
    %swap3A_163 = arith.constant 3 : i32
    %swap3A_164 = arith.index_cast %swap3A_163 : i32 to index
    %swap3A_165 = arith.constant 48 : index
    %swap3A_166 = tpu.vector_load %arg15[%swap3A_164, %swap3A_165] {strides = array<i32>} : memref<24x128xf32, #tpu.memory_space<vmem>>, vector<1x16xf32>,
    %swap3A_167 = vector.shape_cast %swap3A_166 : vector<1x16xf32> to vector<16xf32>
    %swap3A_168 = vector.shape_cast %broadcast_in_dim3A_1 : vector<16xf32> to vector<1x16xf32>
    tpu.vector_store %arg15[%swap3A_164, %swap3A_165], %swap3A_168 {strides = array<i32>} : memref<24x128xf32, #tpu.memory_space<vmem>>, vector<1x16xf32>,
    %swap3A_169 = arith.constant 3 : i32
    %swap3A_170 = arith.index_cast %swap3A_169 : i32 to index
    %swap3A_171 = arith.constant 64 : index
    %swap3A_172 = tpu.vector_load %arg15[%swap3A_170, %swap3A_171] {strides = array<i32>} : memref<24x128xf32, #tpu.memory_space<vmem>>, vector<1x16xf32>,
    %swap3A_173 = vector.shape_cast %swap3A_172 : vector<1x16xf32> to vector<16xf32>
    %swap3A_174 = vector.shape_cast %broadcast_in_dim3A_1 : vector<16xf32> to vector<1x16xf32>
    tpu.vector_store %arg15[%swap3A_170, %swap3A_171], %swap3A_174 {strides = array<i32>} : memref<24x128xf32, #tpu.memory_space<vmem>>, vector<1x16xf32>,
    %swap3A_175 = arith.constant 3 : i32
    %swap3A_176 = arith.index_cast %swap3A_175 : i32 to index
    %swap3A_177 = arith.constant 80 : index
    %swap3A_178 = tpu.vector_load %arg15[%swap3A_176, %swap3A_177] {strides = array<i32>} : memref<24x128xf32, #tpu.memory_space<vmem>>, vector<1x16xf32>,
    %swap3A_179 = vector.shape_cast %swap3A_178 : vector<1x16xf32> to vector<16xf32>
    %swap3A_180 = vector.shape_cast %broadcast_in_dim3A_1 : vector<16xf32> to vector<1x16xf32>
    tpu.vector_store %arg15[%swap3A_176, %swap3A_177], %swap3A_180 {strides = array<i32>} : memref<24x128xf32, #tpu.memory_space<vmem>>, vector<1x16xf32>,
    %swap3A_181 = arith.constant 3 : i32
    %swap3A_182 = arith.index_cast %swap3A_181 : i32 to index
    %swap3A_183 = arith.constant 96 : index
    %swap3A_184 = tpu.vector_load %arg15[%swap3A_182, %swap3A_183] {strides = array<i32>} : memref<24x128xf32, #tpu.memory_space<vmem>>, vector<1x16xf32>,
    %swap3A_185 = vector.shape_cast %swap3A_184 : vector<1x16xf32> to vector<16xf32>
    %swap3A_186 = vector.shape_cast %broadcast_in_dim3A_1 : vector<16xf32> to vector<1x16xf32>
    tpu.vector_store %arg15[%swap3A_182, %swap3A_183], %swap3A_186 {strides = array<i32>} : memref<24x128xf32, #tpu.memory_space<vmem>>, vector<1x16xf32>,
    %swap3A_187 = arith.constant 3 : i32
    %swap3A_188 = arith.index_cast %swap3A_187 : i32 to index
    %swap3A_189 = arith.constant 112 : index
    %swap3A_190 = tpu.vector_load %arg15[%swap3A_188, %swap3A_189] {strides = array<i32>} : memref<24x128xf32, #tpu.memory_space<vmem>>, vector<1x16xf32>,
    %swap3A_191 = vector.shape_cast %swap3A_190 : vector<1x16xf32> to vector<16xf32>
    %swap3A_192 = vector.shape_cast %broadcast_in_dim3A_1 : vector<16xf32> to vector<1x16xf32>
    tpu.vector_store %arg15[%swap3A_188, %swap3A_189], %swap3A_192 {strides = array<i32>} : memref<24x128xf32, #tpu.memory_space<vmem>>, vector<1x16xf32>,
    %swap3A_193 = arith.constant 4 : i32
    %swap3A_194 = arith.index_cast %swap3A_193 : i32 to index
    %swap3A_195 = arith.constant 0 : index
    %swap3A_196 = tpu.vector_load %arg15[%swap3A_194, %swap3A_195] {strides = array<i32>} : memref<24x128xf32, #tpu.memory_space<vmem>>, vector<1x16xf32>,
    %swap3A_197 = vector.shape_cast %swap3A_196 : vector<1x16xf32> to vector<16xf32>
    %swap3A_198 = vector.shape_cast %broadcast_in_dim3A_1 : vector<16xf32> to vector<1x16xf32>
    tpu.vector_store %arg15[%swap3A_194, %swap3A_195], %swap3A_198 {strides = array<i32>} : memref<24x128xf32, #tpu.memory_space<vmem>>, vector<1x16xf32>,
    %swap3A_199 = arith.constant 4 : i32
    %swap3A_200 = arith.index_cast %swap3A_199 : i32 to index
    %swap3A_201 = arith.constant 16 : index
    %swap3A_202 = tpu.vector_load %arg15[%swap3A_200, %swap3A_201] {strides = array<i32>} : memref<24x128xf32, #tpu.memory_space<vmem>>, vector<1x16xf32>,
    %swap3A_203 = vector.shape_cast %swap3A_202 : vector<1x16xf32> to vector<16xf32>
    %swap3A_204 = vector.shape_cast %broadcast_in_dim3A_1 : vector<16xf32> to vector<1x16xf32>
    tpu.vector_store %arg15[%swap3A_200, %swap3A_201], %swap3A_204 {strides = array<i32>} : memref<24x128xf32, #tpu.memory_space<vmem>>, vector<1x16xf32>,
    %swap3A_205 = arith.constant 4 : i32
    %swap3A_206 = arith.index_cast %swap3A_205 : i32 to index
    %swap3A_207 = arith.constant 32 : index
    %swap3A_208 = tpu.vector_load %arg15[%swap3A_206, %swap3A_207] {strides = array<i32>} : memref<24x128xf32, #tpu.memory_space<vmem>>, vector<1x16xf32>,
    %swap3A_209 = vector.shape_cast %swap3A_208 : vector<1x16xf32> to vector<16xf32>
    %swap3A_210 = vector.shape_cast %broadcast_in_dim3A_1 : vector<16xf32> to vector<1x16xf32>
    tpu.vector_store %arg15[%swap3A_206, %swap3A_207], %swap3A_210 {strides = array<i32>} : memref<24x128xf32, #tpu.memory_space<vmem>>, vector<1x16xf32>,
    %swap3A_211 = arith.constant 4 : i32
    %swap3A_212 = arith.index_cast %swap3A_211 : i32 to index
    %swap3A_213 = arith.constant 48 : index
    %swap3A_214 = tpu.vector_load %arg15[%swap3A_212, %swap3A_213] {strides = array<i32>} : memref<24x128xf32, #tpu.memory_space<vmem>>, vector<1x16xf32>,
    %swap3A_215 = vector.shape_cast %swap3A_214 : vector<1x16xf32> to vector<16xf32>
    %swap3A_216 = vector.shape_cast %broadcast_in_dim3A_1 : vector<16xf32> to vector<1x16xf32>
    tpu.vector_store %arg15[%swap3A_212, %swap3A_213], %swap3A_216 {strides = array<i32>} : memref<24x128xf32, #tpu.memory_space<vmem>>, vector<1x16xf32>,
    %swap3A_217 = arith.constant 4 : i32
    %swap3A_218 = arith.index_cast %swap3A_217 : i32 to index
    %swap3A_219 = arith.constant 64 : index
    %swap3A_220 = tpu.vector_load %arg15[%swap3A_218, %swap3A_219] {strides = array<i32>} : memref<24x128xf32, #tpu.memory_space<vmem>>, vector<1x16xf32>,
    %swap3A_221 = vector.shape_cast %swap3A_220 : vector<1x16xf32> to vector<16xf32>
    %swap3A_222 = vector.shape_cast %broadcast_in_dim3A_1 : vector<16xf32> to vector<1x16xf32>
    tpu.vector_store %arg15[%swap3A_218, %swap3A_219], %swap3A_222 {strides = array<i32>} : memref<24x128xf32, #tpu.memory_space<vmem>>, vector<1x16xf32>,
    %swap3A_223 = arith.constant 4 : i32
    %swap3A_224 = arith.index_cast %swap3A_223 : i32 to index
    %swap3A_225 = arith.constant 80 : index
    %swap3A_226 = tpu.vector_load %arg15[%swap3A_224, %swap3A_225] {strides = array<i32>} : memref<24x128xf32, #tpu.memory_space<vmem>>, vector<1x16xf32>,
    %swap3A_227 = vector.shape_cast %swap3A_226 : vector<1x16xf32> to vector<16xf32>
    %swap3A_228 = vector.shape_cast %broadcast_in_dim3A_1 : vector<16xf32> to vector<1x16xf32>
    tpu.vector_store %arg15[%swap3A_224, %swap3A_225], %swap3A_228 {strides = array<i32>} : memref<24x128xf32, #tpu.memory_space<vmem>>, vector<1x16xf32>,
    %swap3A_229 = arith.constant 4 : i32
    %swap3A_230 = arith.index_cast %swap3A_229 : i32 to index
    %swap3A_231 = arith.constant 96 : index
    %swap3A_232 = tpu.vector_load %arg15[%swap3A_230, %swap3A_231] {strides = array<i32>} : memref<24x128xf32, #tpu.memory_space<vmem>>, vector<1x16xf32>,
    %swap3A_233 = vector.shape_cast %swap3A_232 : vector<1x16xf32> to vector<16xf32>
    %swap3A_234 = vector.shape_cast %broadcast_in_dim3A_1 : vector<16xf32> to vector<1x16xf32>
    tpu.vector_store %arg15[%swap3A_230, %swap3A_231], %swap3A_234 {strides = array<i32>} : memref<24x128xf32, #tpu.memory_space<vmem>>, vector<1x16xf32>,
    %swap3A_235 = arith.constant 4 : i32
    %swap3A_236 = arith.index_cast %swap3A_235 : i32 to index
    %swap3A_237 = arith.constant 112 : index
    %swap3A_238 = tpu.vector_load %arg15[%swap3A_236, %swap3A_237] {strides = array<i32>} : memref<24x128xf32, #tpu.memory_space<vmem>>, vector<1x16xf32>,
    %swap3A_239 = vector.shape_cast %swap3A_238 : vector<1x16xf32> to vector<16xf32>
    %swap3A_240 = vector.shape_cast %broadcast_in_dim3A_1 : vector<16xf32> to vector<1x16xf32>
    tpu.vector_store %arg15[%swap3A_236, %swap3A_237], %swap3A_240 {strides = array<i32>} : memref<24x128xf32, #tpu.memory_space<vmem>>, vector<1x16xf32>,
    %swap3A_241 = arith.constant 5 : i32
    %swap3A_242 = arith.index_cast %swap3A_241 : i32 to index
    %swap3A_243 = arith.constant 0 : index
    %swap3A_244 = tpu.vector_load %arg15[%swap3A_242, %swap3A_243] {strides = array<i32>} : memref<24x128xf32, #tpu.memory_space<vmem>>, vector<1x16xf32>,
    %swap3A_245 = vector.shape_cast %swap3A_244 : vector<1x16xf32> to vector<16xf32>
    %swap3A_246 = vector.shape_cast %broadcast_in_dim3A_1 : vector<16xf32> to vector<1x16xf32>
    tpu.vector_store %arg15[%swap3A_242, %swap3A_243], %swap3A_246 {strides = array<i32>} : memref<24x128xf32, #tpu.memory_space<vmem>>, vector<1x16xf32>,
    %swap3A_247 = arith.constant 5 : i32
    %swap3A_248 = arith.index_cast %swap3A_247 : i32 to index
    %swap3A_249 = arith.constant 16 : index
    %swap3A_250 = tpu.vector_load %arg15[%swap3A_248, %swap3A_249] {strides = array<i32>} : memref<24x128xf32, #tpu.memory_space<vmem>>, vector<1x16xf32>,
    %swap3A_251 = vector.shape_cast %swap3A_250 : vector<1x16xf32> to vector<16xf32>
    %swap3A_252 = vector.shape_cast %broadcast_in_dim3A_1 : vector<16xf32> to vector<1x16xf32>
    tpu.vector_store %arg15[%swap3A_248, %swap3A_249], %swap3A_252 {strides = array<i32>} : memref<24x128xf32, #tpu.memory_space<vmem>>, vector<1x16xf32>,
    %swap3A_253 = arith.constant 5 : i32
    %swap3A_254 = arith.index_cast %swap3A_253 : i32 to index
    %swap3A_255 = arith.constant 32 : index
    %swap3A_256 = tpu.vector_load %arg15[%swap3A_254, %swap3A_255] {strides = array<i32>} : memref<24x128xf32, #tpu.memory_space<vmem>>, vector<1x16xf32>,
    %swap3A_257 = vector.shape_cast %swap3A_256 : vector<1x16xf32> to vector<16xf32>
    %swap3A_258 = vector.shape_cast %broadcast_in_dim3A_1 : vector<16xf32> to vector<1x16xf32>
    tpu.vector_store %arg15[%swap3A_254, %swap3A_255], %swap3A_258 {strides = array<i32>} : memref<24x128xf32, #tpu.memory_space<vmem>>, vector<1x16xf32>,
    %swap3A_259 = arith.constant 5 : i32
    %swap3A_260 = arith.index_cast %swap3A_259 : i32 to index
    %swap3A_261 = arith.constant 48 : index
    %swap3A_262 = tpu.vector_load %arg15[%swap3A_260, %swap3A_261] {strides = array<i32>} : memref<24x128xf32, #tpu.memory_space<vmem>>, vector<1x16xf32>,
    %swap3A_263 = vector.shape_cast %swap3A_262 : vector<1x16xf32> to vector<16xf32>
    %swap3A_264 = vector.shape_cast %broadcast_in_dim3A_1 : vector<16xf32> to vector<1x16xf32>
    tpu.vector_store %arg15[%swap3A_260, %swap3A_261], %swap3A_264 {strides = array<i32>} : memref<24x128xf32, #tpu.memory_space<vmem>>, vector<1x16xf32>,
    %swap3A_265 = arith.constant 5 : i32
    %swap3A_266 = arith.index_cast %swap3A_265 : i32 to index
    %swap3A_267 = arith.constant 64 : index
    %swap3A_268 = tpu.vector_load %arg15[%swap3A_266, %swap3A_267] {strides = array<i32>} : memref<24x128xf32, #tpu.memory_space<vmem>>, vector<1x16xf32>,
    %swap3A_269 = vector.shape_cast %swap3A_268 : vector<1x16xf32> to vector<16xf32>
    %swap3A_270 = vector.shape_cast %broadcast_in_dim3A_1 : vector<16xf32> to vector<1x16xf32>
    tpu.vector_store %arg15[%swap3A_266, %swap3A_267], %swap3A_270 {strides = array<i32>} : memref<24x128xf32, #tpu.memory_space<vmem>>, vector<1x16xf32>,
    %swap3A_271 = arith.constant 5 : i32
    %swap3A_272 = arith.index_cast %swap3A_271 : i32 to index
    %swap3A_273 = arith.constant 80 : index
    %swap3A_274 = tpu.vector_load %arg15[%swap3A_272, %swap3A_273] {strides = array<i32>} : memref<24x128xf32, #tpu.memory_space<vmem>>, vector<1x16xf32>,
    %swap3A_275 = vector.shape_cast %swap3A_274 : vector<1x16xf32> to vector<16xf32>
    %swap3A_276 = vector.shape_cast %broadcast_in_dim3A_1 : vector<16xf32> to vector<1x16xf32>
    tpu.vector_store %arg15[%swap3A_272, %swap3A_273], %swap3A_276 {strides = array<i32>} : memref<24x128xf32, #tpu.memory_space<vmem>>, vector<1x16xf32>,
    %swap3A_277 = arith.constant 5 : i32
    %swap3A_278 = arith.index_cast %swap3A_277 : i32 to index
    %swap3A_279 = arith.constant 96 : index
    %swap3A_280 = tpu.vector_load %arg15[%swap3A_278, %swap3A_279] {strides = array<i32>} : memref<24x128xf32, #tpu.memory_space<vmem>>, vector<1x16xf32>,
    %swap3A_281 = vector.shape_cast %swap3A_280 : vector<1x16xf32> to vector<16xf32>
    %swap3A_282 = vector.shape_cast %broadcast_in_dim3A_1 : vector<16xf32> to vector<1x16xf32>
    tpu.vector_store %arg15[%swap3A_278, %swap3A_279], %swap3A_282 {strides = array<i32>} : memref<24x128xf32, #tpu.memory_space<vmem>>, vector<1x16xf32>,
    %swap3A_283 = arith.constant 5 : i32
    %swap3A_284 = arith.index_cast %swap3A_283 : i32 to index
    %swap3A_285 = arith.constant 112 : index
    %swap3A_286 = tpu.vector_load %arg15[%swap3A_284, %swap3A_285] {strides = array<i32>} : memref<24x128xf32, #tpu.memory_space<vmem>>, vector<1x16xf32>,
    %swap3A_287 = vector.shape_cast %swap3A_286 : vector<1x16xf32> to vector<16xf32>
    %swap3A_288 = vector.shape_cast %broadcast_in_dim3A_1 : vector<16xf32> to vector<1x16xf32>
    tpu.vector_store %arg15[%swap3A_284, %swap3A_285], %swap3A_288 {strides = array<i32>} : memref<24x128xf32, #tpu.memory_space<vmem>>, vector<1x16xf32>,
    %swap3A_289 = arith.constant 6 : i32
    %swap3A_290 = arith.index_cast %swap3A_289 : i32 to index
    %swap3A_291 = arith.constant 0 : index
    %swap3A_292 = tpu.vector_load %arg15[%swap3A_290, %swap3A_291] {strides = array<i32>} : memref<24x128xf32, #tpu.memory_space<vmem>>, vector<1x16xf32>,
    %swap3A_293 = vector.shape_cast %swap3A_292 : vector<1x16xf32> to vector<16xf32>
    %swap3A_294 = vector.shape_cast %broadcast_in_dim3A_1 : vector<16xf32> to vector<1x16xf32>
    tpu.vector_store %arg15[%swap3A_290, %swap3A_291], %swap3A_294 {strides = array<i32>} : memref<24x128xf32, #tpu.memory_space<vmem>>, vector<1x16xf32>,
    %swap3A_295 = arith.constant 6 : i32
    %swap3A_296 = arith.index_cast %swap3A_295 : i32 to index
    %swap3A_297 = arith.constant 16 : index
    %swap3A_298 = tpu.vector_load %arg15[%swap3A_296, %swap3A_297] {strides = array<i32>} : memref<24x128xf32, #tpu.memory_space<vmem>>, vector<1x16xf32>,
    %swap3A_299 = vector.shape_cast %swap3A_298 : vector<1x16xf32> to vector<16xf32>
    %swap3A_300 = vector.shape_cast %broadcast_in_dim3A_1 : vector<16xf32> to vector<1x16xf32>
    tpu.vector_store %arg15[%swap3A_296, %swap3A_297], %swap3A_300 {strides = array<i32>} : memref<24x128xf32, #tpu.memory_space<vmem>>, vector<1x16xf32>,
    %swap3A_301 = arith.constant 6 : i32
    %swap3A_302 = arith.index_cast %swap3A_301 : i32 to index
    %swap3A_303 = arith.constant 32 : index
    %swap3A_304 = tpu.vector_load %arg15[%swap3A_302, %swap3A_303] {strides = array<i32>} : memref<24x128xf32, #tpu.memory_space<vmem>>, vector<1x16xf32>,
    %swap3A_305 = vector.shape_cast %swap3A_304 : vector<1x16xf32> to vector<16xf32>
    %swap3A_306 = vector.shape_cast %broadcast_in_dim3A_1 : vector<16xf32> to vector<1x16xf32>
    tpu.vector_store %arg15[%swap3A_302, %swap3A_303], %swap3A_306 {strides = array<i32>} : memref<24x128xf32, #tpu.memory_space<vmem>>, vector<1x16xf32>,
    %swap3A_307 = arith.constant 6 : i32
    %swap3A_308 = arith.index_cast %swap3A_307 : i32 to index
    %swap3A_309 = arith.constant 48 : index
    %swap3A_310 = tpu.vector_load %arg15[%swap3A_308, %swap3A_309] {strides = array<i32>} : memref<24x128xf32, #tpu.memory_space<vmem>>, vector<1x16xf32>,
    %swap3A_311 = vector.shape_cast %swap3A_310 : vector<1x16xf32> to vector<16xf32>
    %swap3A_312 = vector.shape_cast %broadcast_in_dim3A_1 : vector<16xf32> to vector<1x16xf32>
    tpu.vector_store %arg15[%swap3A_308, %swap3A_309], %swap3A_312 {strides = array<i32>} : memref<24x128xf32, #tpu.memory_space<vmem>>, vector<1x16xf32>,
    %swap3A_313 = arith.constant 6 : i32
    %swap3A_314 = arith.index_cast %swap3A_313 : i32 to index
    %swap3A_315 = arith.constant 64 : index
    %swap3A_316 = tpu.vector_load %arg15[%swap3A_314, %swap3A_315] {strides = array<i32>} : memref<24x128xf32, #tpu.memory_space<vmem>>, vector<1x16xf32>,
    %swap3A_317 = vector.shape_cast %swap3A_316 : vector<1x16xf32> to vector<16xf32>
    %swap3A_318 = vector.shape_cast %broadcast_in_dim3A_1 : vector<16xf32> to vector<1x16xf32>
    tpu.vector_store %arg15[%swap3A_314, %swap3A_315], %swap3A_318 {strides = array<i32>} : memref<24x128xf32, #tpu.memory_space<vmem>>, vector<1x16xf32>,
    %swap3A_319 = arith.constant 6 : i32
    %swap3A_320 = arith.index_cast %swap3A_319 : i32 to index
    %swap3A_321 = arith.constant 80 : index
    %swap3A_322 = tpu.vector_load %arg15[%swap3A_320, %swap3A_321] {strides = array<i32>} : memref<24x128xf32, #tpu.memory_space<vmem>>, vector<1x16xf32>,
    %swap3A_323 = vector.shape_cast %swap3A_322 : vector<1x16xf32> to vector<16xf32>
    %swap3A_324 = vector.shape_cast %broadcast_in_dim3A_1 : vector<16xf32> to vector<1x16xf32>
    tpu.vector_store %arg15[%swap3A_320, %swap3A_321], %swap3A_324 {strides = array<i32>} : memref<24x128xf32, #tpu.memory_space<vmem>>, vector<1x16xf32>,
    %swap3A_325 = arith.constant 6 : i32
    %swap3A_326 = arith.index_cast %swap3A_325 : i32 to index
    %swap3A_327 = arith.constant 96 : index
    %swap3A_328 = tpu.vector_load %arg15[%swap3A_326, %swap3A_327] {strides = array<i32>} : memref<24x128xf32, #tpu.memory_space<vmem>>, vector<1x16xf32>,
    %swap3A_329 = vector.shape_cast %swap3A_328 : vector<1x16xf32> to vector<16xf32>
    %swap3A_330 = vector.shape_cast %broadcast_in_dim3A_1 : vector<16xf32> to vector<1x16xf32>
    tpu.vector_store %arg15[%swap3A_326, %swap3A_327], %swap3A_330 {strides = array<i32>} : memref<24x128xf32, #tpu.memory_space<vmem>>, vector<1x16xf32>,
    %swap3A_331 = arith.constant 6 : i32
    %swap3A_332 = arith.index_cast %swap3A_331 : i32 to index
    %swap3A_333 = arith.constant 112 : index
    %swap3A_334 = tpu.vector_load %arg15[%swap3A_332, %swap3A_333] {strides = array<i32>} : memref<24x128xf32, #tpu.memory_space<vmem>>, vector<1x16xf32>,
    %swap3A_335 = vector.shape_cast %swap3A_334 : vector<1x16xf32> to vector<16xf32>
    %swap3A_336 = vector.shape_cast %broadcast_in_dim3A_1 : vector<16xf32> to vector<1x16xf32>
    tpu.vector_store %arg15[%swap3A_332, %swap3A_333], %swap3A_336 {strides = array<i32>} : memref<24x128xf32, #tpu.memory_space<vmem>>, vector<1x16xf32>,
    %swap3A_337 = arith.constant 7 : i32
    %swap3A_338 = arith.index_cast %swap3A_337 : i32 to index
    %swap3A_339 = arith.constant 0 : index
    %swap3A_340 = tpu.vector_load %arg15[%swap3A_338, %swap3A_339] {strides = array<i32>} : memref<24x128xf32, #tpu.memory_space<vmem>>, vector<1x16xf32>,
    %swap3A_341 = vector.shape_cast %swap3A_340 : vector<1x16xf32> to vector<16xf32>
    %swap3A_342 = vector.shape_cast %broadcast_in_dim3A_1 : vector<16xf32> to vector<1x16xf32>
    tpu.vector_store %arg15[%swap3A_338, %swap3A_339], %swap3A_342 {strides = array<i32>} : memref<24x128xf32, #tpu.memory_space<vmem>>, vector<1x16xf32>,
    %swap3A_343 = arith.constant 7 : i32
    %swap3A_344 = arith.index_cast %swap3A_343 : i32 to index
    %swap3A_345 = arith.constant 16 : index
    %swap3A_346 = tpu.vector_load %arg15[%swap3A_344, %swap3A_345] {strides = array<i32>} : memref<24x128xf32, #tpu.memory_space<vmem>>, vector<1x16xf32>,
    %swap3A_347 = vector.shape_cast %swap3A_346 : vector<1x16xf32> to vector<16xf32>
    %swap3A_348 = vector.shape_cast %broadcast_in_dim3A_1 : vector<16xf32> to vector<1x16xf32>
    tpu.vector_store %arg15[%swap3A_344, %swap3A_345], %swap3A_348 {strides = array<i32>} : memref<24x128xf32, #tpu.memory_space<vmem>>, vector<1x16xf32>,
    %swap3A_349 = arith.constant 7 : i32
    %swap3A_350 = arith.index_cast %swap3A_349 : i32 to index
    %swap3A_351 = arith.constant 32 : index
    %swap3A_352 = tpu.vector_load %arg15[%swap3A_350, %swap3A_351] {strides = array<i32>} : memref<24x128xf32, #tpu.memory_space<vmem>>, vector<1x16xf32>,
    %swap3A_353 = vector.shape_cast %swap3A_352 : vector<1x16xf32> to vector<16xf32>
    %swap3A_354 = vector.shape_cast %broadcast_in_dim3A_1 : vector<16xf32> to vector<1x16xf32>
    tpu.vector_store %arg15[%swap3A_350, %swap3A_351], %swap3A_354 {strides = array<i32>} : memref<24x128xf32, #tpu.memory_space<vmem>>, vector<1x16xf32>,
    %swap3A_355 = arith.constant 7 : i32
    %swap3A_356 = arith.index_cast %swap3A_355 : i32 to index
    %swap3A_357 = arith.constant 48 : index
    %swap3A_358 = tpu.vector_load %arg15[%swap3A_356, %swap3A_357] {strides = array<i32>} : memref<24x128xf32, #tpu.memory_space<vmem>>, vector<1x16xf32>,
    %swap3A_359 = vector.shape_cast %swap3A_358 : vector<1x16xf32> to vector<16xf32>
    %swap3A_360 = vector.shape_cast %broadcast_in_dim3A_1 : vector<16xf32> to vector<1x16xf32>
    tpu.vector_store %arg15[%swap3A_356, %swap3A_357], %swap3A_360 {strides = array<i32>} : memref<24x128xf32, #tpu.memory_space<vmem>>, vector<1x16xf32>,
    %swap3A_361 = arith.constant 7 : i32
    %swap3A_362 = arith.index_cast %swap3A_361 : i32 to index
    %swap3A_363 = arith.constant 64 : index
    %swap3A_364 = tpu.vector_load %arg15[%swap3A_362, %swap3A_363] {strides = array<i32>} : memref<24x128xf32, #tpu.memory_space<vmem>>, vector<1x16xf32>,
    %swap3A_365 = vector.shape_cast %swap3A_364 : vector<1x16xf32> to vector<16xf32>
    %swap3A_366 = vector.shape_cast %broadcast_in_dim3A_1 : vector<16xf32> to vector<1x16xf32>
    tpu.vector_store %arg15[%swap3A_362, %swap3A_363], %swap3A_366 {strides = array<i32>} : memref<24x128xf32, #tpu.memory_space<vmem>>, vector<1x16xf32>,
    %swap3A_367 = arith.constant 7 : i32
    %swap3A_368 = arith.index_cast %swap3A_367 : i32 to index
    %swap3A_369 = arith.constant 80 : index
    %swap3A_370 = tpu.vector_load %arg15[%swap3A_368, %swap3A_369] {strides = array<i32>} : memref<24x128xf32, #tpu.memory_space<vmem>>, vector<1x16xf32>,
    %swap3A_371 = vector.shape_cast %swap3A_370 : vector<1x16xf32> to vector<16xf32>
    %swap3A_372 = vector.shape_cast %broadcast_in_dim3A_1 : vector<16xf32> to vector<1x16xf32>
    tpu.vector_store %arg15[%swap3A_368, %swap3A_369], %swap3A_372 {strides = array<i32>} : memref<24x128xf32, #tpu.memory_space<vmem>>, vector<1x16xf32>,
    %swap3A_373 = arith.constant 7 : i32
    %swap3A_374 = arith.index_cast %swap3A_373 : i32 to index
    %swap3A_375 = arith.constant 96 : index
    %swap3A_376 = tpu.vector_load %arg15[%swap3A_374, %swap3A_375] {strides = array<i32>} : memref<24x128xf32, #tpu.memory_space<vmem>>, vector<1x16xf32>,
    %swap3A_377 = vector.shape_cast %swap3A_376 : vector<1x16xf32> to vector<16xf32>
    %swap3A_378 = vector.shape_cast %broadcast_in_dim3A_1 : vector<16xf32> to vector<1x16xf32>
    tpu.vector_store %arg15[%swap3A_374, %swap3A_375], %swap3A_378 {strides = array<i32>} : memref<24x128xf32, #tpu.memory_space<vmem>>, vector<1x16xf32>,
    %swap3A_379 = arith.constant 7 : i32
    %swap3A_380 = arith.index_cast %swap3A_379 : i32 to index
    %swap3A_381 = arith.constant 112 : index
    %swap3A_382 = tpu.vector_load %arg15[%swap3A_380, %swap3A_381] {strides = array<i32>} : memref<24x128xf32, #tpu.memory_space<vmem>>, vector<1x16xf32>,
    %swap3A_383 = vector.shape_cast %swap3A_382 : vector<1x16xf32> to vector<16xf32>
    %swap3A_384 = vector.shape_cast %broadcast_in_dim3A_1 : vector<16xf32> to vector<1x16xf32>
    tpu.vector_store %arg15[%swap3A_380, %swap3A_381], %swap3A_384 {strides = array<i32>} : memref<24x128xf32, #tpu.memory_space<vmem>>, vector<1x16xf32>,
    %swap3A_385 = arith.constant 8 : i32
    %swap3A_386 = arith.index_cast %swap3A_385 : i32 to index
    %swap3A_387 = arith.constant 0 : index
    %swap3A_388 = tpu.vector_load %arg15[%swap3A_386, %swap3A_387] {strides = array<i32>} : memref<24x128xf32, #tpu.memory_space<vmem>>, vector<1x16xf32>,
    %swap3A_389 = vector.shape_cast %swap3A_388 : vector<1x16xf32> to vector<16xf32>
    %swap3A_390 = vector.shape_cast %broadcast_in_dim3A_1 : vector<16xf32> to vector<1x16xf32>
    tpu.vector_store %arg15[%swap3A_386, %swap3A_387], %swap3A_390 {strides = array<i32>} : memref<24x128xf32, #tpu.memory_space<vmem>>, vector<1x16xf32>,
    %swap3A_391 = arith.constant 8 : i32
    %swap3A_392 = arith.index_cast %swap3A_391 : i32 to index
    %swap3A_393 = arith.constant 16 : index
    %swap3A_394 = tpu.vector_load %arg15[%swap3A_392, %swap3A_393] {strides = array<i32>} : memref<24x128xf32, #tpu.memory_space<vmem>>, vector<1x16xf32>,
    %swap3A_395 = vector.shape_cast %swap3A_394 : vector<1x16xf32> to vector<16xf32>
    %swap3A_396 = vector.shape_cast %broadcast_in_dim3A_1 : vector<16xf32> to vector<1x16xf32>
    tpu.vector_store %arg15[%swap3A_392, %swap3A_393], %swap3A_396 {strides = array<i32>} : memref<24x128xf32, #tpu.memory_space<vmem>>, vector<1x16xf32>,
    %swap3A_397 = arith.constant 8 : i32
    %swap3A_398 = arith.index_cast %swap3A_397 : i32 to index
    %swap3A_399 = arith.constant 32 : index
    %swap3A_400 = tpu.vector_load %arg15[%swap3A_398, %swap3A_399] {strides = array<i32>} : memref<24x128xf32, #tpu.memory_space<vmem>>, vector<1x16xf32>,
    %swap3A_401 = vector.shape_cast %swap3A_400 : vector<1x16xf32> to vector<16xf32>
    %swap3A_402 = vector.shape_cast %broadcast_in_dim3A_1 : vector<16xf32> to vector<1x16xf32>
    tpu.vector_store %arg15[%swap3A_398, %swap3A_399], %swap3A_402 {strides = array<i32>} : memref<24x128xf32, #tpu.memory_space<vmem>>, vector<1x16xf32>,
    %swap3A_403 = arith.constant 8 : i32
    %swap3A_404 = arith.index_cast %swap3A_403 : i32 to index
    %swap3A_405 = arith.constant 48 : index
    %swap3A_406 = tpu.vector_load %arg15[%swap3A_404, %swap3A_405] {strides = array<i32>} : memref<24x128xf32, #tpu.memory_space<vmem>>, vector<1x16xf32>,
    %swap3A_407 = vector.shape_cast %swap3A_406 : vector<1x16xf32> to vector<16xf32>
    %swap3A_408 = vector.shape_cast %broadcast_in_dim3A_1 : vector<16xf32> to vector<1x16xf32>
    tpu.vector_store %arg15[%swap3A_404, %swap3A_405], %swap3A_408 {strides = array<i32>} : memref<24x128xf32, #tpu.memory_space<vmem>>, vector<1x16xf32>,
    %swap3A_409 = arith.constant 8 : i32
    %swap3A_410 = arith.index_cast %swap3A_409 : i32 to index
    %swap3A_411 = arith.constant 64 : index
    %swap3A_412 = tpu.vector_load %arg15[%swap3A_410, %swap3A_411] {strides = array<i32>} : memref<24x128xf32, #tpu.memory_space<vmem>>, vector<1x16xf32>,
    %swap3A_413 = vector.shape_cast %swap3A_412 : vector<1x16xf32> to vector<16xf32>
    %swap3A_414 = vector.shape_cast %broadcast_in_dim3A_1 : vector<16xf32> to vector<1x16xf32>
    tpu.vector_store %arg15[%swap3A_410, %swap3A_411], %swap3A_414 {strides = array<i32>} : memref<24x128xf32, #tpu.memory_space<vmem>>, vector<1x16xf32>,
    %swap3A_415 = arith.constant 8 : i32
    %swap3A_416 = arith.index_cast %swap3A_415 : i32 to index
    %swap3A_417 = arith.constant 80 : index
    %swap3A_418 = tpu.vector_load %arg15[%swap3A_416, %swap3A_417] {strides = array<i32>} : memref<24x128xf32, #tpu.memory_space<vmem>>, vector<1x16xf32>,
    %swap3A_419 = vector.shape_cast %swap3A_418 : vector<1x16xf32> to vector<16xf32>
    %swap3A_420 = vector.shape_cast %broadcast_in_dim3A_1 : vector<16xf32> to vector<1x16xf32>
    tpu.vector_store %arg15[%swap3A_416, %swap3A_417], %swap3A_420 {strides = array<i32>} : memref<24x128xf32, #tpu.memory_space<vmem>>, vector<1x16xf32>,
    %swap3A_421 = arith.constant 8 : i32
    %swap3A_422 = arith.index_cast %swap3A_421 : i32 to index
    %swap3A_423 = arith.constant 96 : index
    %swap3A_424 = tpu.vector_load %arg15[%swap3A_422, %swap3A_423] {strides = array<i32>} : memref<24x128xf32, #tpu.memory_space<vmem>>, vector<1x16xf32>,
    %swap3A_425 = vector.shape_cast %swap3A_424 : vector<1x16xf32> to vector<16xf32>
    %swap3A_426 = vector.shape_cast %broadcast_in_dim3A_1 : vector<16xf32> to vector<1x16xf32>
    tpu.vector_store %arg15[%swap3A_422, %swap3A_423], %swap3A_426 {strides = array<i32>} : memref<24x128xf32, #tpu.memory_space<vmem>>, vector<1x16xf32>,
    %swap3A_427 = arith.constant 8 : i32
    %swap3A_428 = arith.index_cast %swap3A_427 : i32 to index
    %swap3A_429 = arith.constant 112 : index
    %swap3A_430 = tpu.vector_load %arg15[%swap3A_428, %swap3A_429] {strides = array<i32>} : memref<24x128xf32, #tpu.memory_space<vmem>>, vector<1x16xf32>,
    %swap3A_431 = vector.shape_cast %swap3A_430 : vector<1x16xf32> to vector<16xf32>
    %swap3A_432 = vector.shape_cast %broadcast_in_dim3A_1 : vector<16xf32> to vector<1x16xf32>
    tpu.vector_store %arg15[%swap3A_428, %swap3A_429], %swap3A_432 {strides = array<i32>} : memref<24x128xf32, #tpu.memory_space<vmem>>, vector<1x16xf32>,
    %swap3A_433 = arith.constant 9 : i32
    %swap3A_434 = arith.index_cast %swap3A_433 : i32 to index
    %swap3A_435 = arith.constant 0 : index
    %swap3A_436 = tpu.vector_load %arg15[%swap3A_434, %swap3A_435] {strides = array<i32>} : memref<24x128xf32, #tpu.memory_space<vmem>>, vector<1x16xf32>,
    %swap3A_437 = vector.shape_cast %swap3A_436 : vector<1x16xf32> to vector<16xf32>
    %swap3A_438 = vector.shape_cast %broadcast_in_dim3A_1 : vector<16xf32> to vector<1x16xf32>
    tpu.vector_store %arg15[%swap3A_434, %swap3A_435], %swap3A_438 {strides = array<i32>} : memref<24x128xf32, #tpu.memory_space<vmem>>, vector<1x16xf32>,
    %swap3A_439 = arith.constant 9 : i32
    %swap3A_440 = arith.index_cast %swap3A_439 : i32 to index
    %swap3A_441 = arith.constant 16 : index
    %swap3A_442 = tpu.vector_load %arg15[%swap3A_440, %swap3A_441] {strides = array<i32>} : memref<24x128xf32, #tpu.memory_space<vmem>>, vector<1x16xf32>,
    %swap3A_443 = vector.shape_cast %swap3A_442 : vector<1x16xf32> to vector<16xf32>
    %swap3A_444 = vector.shape_cast %broadcast_in_dim3A_1 : vector<16xf32> to vector<1x16xf32>
    tpu.vector_store %arg15[%swap3A_440, %swap3A_441], %swap3A_444 {strides = array<i32>} : memref<24x128xf32, #tpu.memory_space<vmem>>, vector<1x16xf32>,
    %swap3A_445 = arith.constant 9 : i32
    %swap3A_446 = arith.index_cast %swap3A_445 : i32 to index
    %swap3A_447 = arith.constant 32 : index
    %swap3A_448 = tpu.vector_load %arg15[%swap3A_446, %swap3A_447] {strides = array<i32>} : memref<24x128xf32, #tpu.memory_space<vmem>>, vector<1x16xf32>,
    %swap3A_449 = vector.shape_cast %swap3A_448 : vector<1x16xf32> to vector<16xf32>
    %swap3A_450 = vector.shape_cast %broadcast_in_dim3A_1 : vector<16xf32> to vector<1x16xf32>
    tpu.vector_store %arg15[%swap3A_446, %swap3A_447], %swap3A_450 {strides = array<i32>} : memref<24x128xf32, #tpu.memory_space<vmem>>, vector<1x16xf32>,
    %swap3A_451 = arith.constant 9 : i32
    %swap3A_452 = arith.index_cast %swap3A_451 : i32 to index
    %swap3A_453 = arith.constant 48 : index
    %swap3A_454 = tpu.vector_load %arg15[%swap3A_452, %swap3A_453] {strides = array<i32>} : memref<24x128xf32, #tpu.memory_space<vmem>>, vector<1x16xf32>,
    %swap3A_455 = vector.shape_cast %swap3A_454 : vector<1x16xf32> to vector<16xf32>
    %swap3A_456 = vector.shape_cast %broadcast_in_dim3A_1 : vector<16xf32> to vector<1x16xf32>
    tpu.vector_store %arg15[%swap3A_452, %swap3A_453], %swap3A_456 {strides = array<i32>} : memref<24x128xf32, #tpu.memory_space<vmem>>, vector<1x16xf32>,
    %swap3A_457 = arith.constant 9 : i32
    %swap3A_458 = arith.index_cast %swap3A_457 : i32 to index
    %swap3A_459 = arith.constant 64 : index
    %swap3A_460 = tpu.vector_load %arg15[%swap3A_458, %swap3A_459] {strides = array<i32>} : memref<24x128xf32, #tpu.memory_space<vmem>>, vector<1x16xf32>,
    %swap3A_461 = vector.shape_cast %swap3A_460 : vector<1x16xf32> to vector<16xf32>
    %swap3A_462 = vector.shape_cast %broadcast_in_dim3A_1 : vector<16xf32> to vector<1x16xf32>
    tpu.vector_store %arg15[%swap3A_458, %swap3A_459], %swap3A_462 {strides = array<i32>} : memref<24x128xf32, #tpu.memory_space<vmem>>, vector<1x16xf32>,
    %swap3A_463 = arith.constant 9 : i32
    %swap3A_464 = arith.index_cast %swap3A_463 : i32 to index
    %swap3A_465 = arith.constant 80 : index
    %swap3A_466 = tpu.vector_load %arg15[%swap3A_464, %swap3A_465] {strides = array<i32>} : memref<24x128xf32, #tpu.memory_space<vmem>>, vector<1x16xf32>,
    %swap3A_467 = vector.shape_cast %swap3A_466 : vector<1x16xf32> to vector<16xf32>
    %swap3A_468 = vector.shape_cast %broadcast_in_dim3A_1 : vector<16xf32> to vector<1x16xf32>
    tpu.vector_store %arg15[%swap3A_464, %swap3A_465], %swap3A_468 {strides = array<i32>} : memref<24x128xf32, #tpu.memory_space<vmem>>, vector<1x16xf32>,
    %swap3A_469 = arith.constant 9 : i32
    %swap3A_470 = arith.index_cast %swap3A_469 : i32 to index
    %swap3A_471 = arith.constant 96 : index
    %swap3A_472 = tpu.vector_load %arg15[%swap3A_470, %swap3A_471] {strides = array<i32>} : memref<24x128xf32, #tpu.memory_space<vmem>>, vector<1x16xf32>,
    %swap3A_473 = vector.shape_cast %swap3A_472 : vector<1x16xf32> to vector<16xf32>
    %swap3A_474 = vector.shape_cast %broadcast_in_dim3A_1 : vector<16xf32> to vector<1x16xf32>
    tpu.vector_store %arg15[%swap3A_470, %swap3A_471], %swap3A_474 {strides = array<i32>} : memref<24x128xf32, #tpu.memory_space<vmem>>, vector<1x16xf32>,
    %swap3A_475 = arith.constant 9 : i32
    %swap3A_476 = arith.index_cast %swap3A_475 : i32 to index
    %swap3A_477 = arith.constant 112 : index
    %swap3A_478 = tpu.vector_load %arg15[%swap3A_476, %swap3A_477] {strides = array<i32>} : memref<24x128xf32, #tpu.memory_space<vmem>>, vector<1x16xf32>,
    %swap3A_479 = vector.shape_cast %swap3A_478 : vector<1x16xf32> to vector<16xf32>
    %swap3A_480 = vector.shape_cast %broadcast_in_dim3A_1 : vector<16xf32> to vector<1x16xf32>
    tpu.vector_store %arg15[%swap3A_476, %swap3A_477], %swap3A_480 {strides = array<i32>} : memref<24x128xf32, #tpu.memory_space<vmem>>, vector<1x16xf32>,
    %swap3A_481 = arith.constant 10 : i32
    %swap3A_482 = arith.index_cast %swap3A_481 : i32 to index
    %swap3A_483 = arith.constant 0 : index
    %swap3A_484 = tpu.vector_load %arg15[%swap3A_482, %swap3A_483] {strides = array<i32>} : memref<24x128xf32, #tpu.memory_space<vmem>>, vector<1x16xf32>,
    %swap3A_485 = vector.shape_cast %swap3A_484 : vector<1x16xf32> to vector<16xf32>
    %swap3A_486 = vector.shape_cast %broadcast_in_dim3A_1 : vector<16xf32> to vector<1x16xf32>
    tpu.vector_store %arg15[%swap3A_482, %swap3A_483], %swap3A_486 {strides = array<i32>} : memref<24x128xf32, #tpu.memory_space<vmem>>, vector<1x16xf32>,
    %swap3A_487 = arith.constant 10 : i32
    %swap3A_488 = arith.index_cast %swap3A_487 : i32 to index
    %swap3A_489 = arith.constant 16 : index
    %swap3A_490 = tpu.vector_load %arg15[%swap3A_488, %swap3A_489] {strides = array<i32>} : memref<24x128xf32, #tpu.memory_space<vmem>>, vector<1x16xf32>,
    %swap3A_491 = vector.shape_cast %swap3A_490 : vector<1x16xf32> to vector<16xf32>
    %swap3A_492 = vector.shape_cast %broadcast_in_dim3A_1 : vector<16xf32> to vector<1x16xf32>
    tpu.vector_store %arg15[%swap3A_488, %swap3A_489], %swap3A_492 {strides = array<i32>} : memref<24x128xf32, #tpu.memory_space<vmem>>, vector<1x16xf32>,
    %swap3A_493 = arith.constant 10 : i32
    %swap3A_494 = arith.index_cast %swap3A_493 : i32 to index
    %swap3A_495 = arith.constant 32 : index
    %swap3A_496 = tpu.vector_load %arg15[%swap3A_494, %swap3A_495] {strides = array<i32>} : memref<24x128xf32, #tpu.memory_space<vmem>>, vector<1x16xf32>,
    %swap3A_497 = vector.shape_cast %swap3A_496 : vector<1x16xf32> to vector<16xf32>
    %swap3A_498 = vector.shape_cast %broadcast_in_dim3A_1 : vector<16xf32> to vector<1x16xf32>
    tpu.vector_store %arg15[%swap3A_494, %swap3A_495], %swap3A_498 {strides = array<i32>} : memref<24x128xf32, #tpu.memory_space<vmem>>, vector<1x16xf32>,
    %swap3A_499 = arith.constant 10 : i32
    %swap3A_500 = arith.index_cast %swap3A_499 : i32 to index
    %swap3A_501 = arith.constant 48 : index
    %swap3A_502 = tpu.vector_load %arg15[%swap3A_500, %swap3A_501] {strides = array<i32>} : memref<24x128xf32, #tpu.memory_space<vmem>>, vector<1x16xf32>,
    %swap3A_503 = vector.shape_cast %swap3A_502 : vector<1x16xf32> to vector<16xf32>
    %swap3A_504 = vector.shape_cast %broadcast_in_dim3A_1 : vector<16xf32> to vector<1x16xf32>
    tpu.vector_store %arg15[%swap3A_500, %swap3A_501], %swap3A_504 {strides = array<i32>} : memref<24x128xf32, #tpu.memory_space<vmem>>, vector<1x16xf32>,
    %swap3A_505 = arith.constant 10 : i32
    %swap3A_506 = arith.index_cast %swap3A_505 : i32 to index
    %swap3A_507 = arith.constant 64 : index
    %swap3A_508 = tpu.vector_load %arg15[%swap3A_506, %swap3A_507] {strides = array<i32>} : memref<24x128xf32, #tpu.memory_space<vmem>>, vector<1x16xf32>,
    %swap3A_509 = vector.shape_cast %swap3A_508 : vector<1x16xf32> to vector<16xf32>
    %swap3A_510 = vector.shape_cast %broadcast_in_dim3A_1 : vector<16xf32> to vector<1x16xf32>
    tpu.vector_store %arg15[%swap3A_506, %swap3A_507], %swap3A_510 {strides = array<i32>} : memref<24x128xf32, #tpu.memory_space<vmem>>, vector<1x16xf32>,
    %swap3A_511 = arith.constant 10 : i32
    %swap3A_512 = arith.index_cast %swap3A_511 : i32 to index
    %swap3A_513 = arith.constant 80 : index
    %swap3A_514 = tpu.vector_load %arg15[%swap3A_512, %swap3A_513] {strides = array<i32>} : memref<24x128xf32, #tpu.memory_space<vmem>>, vector<1x16xf32>,
    %swap3A_515 = vector.shape_cast %swap3A_514 : vector<1x16xf32> to vector<16xf32>
    %swap3A_516 = vector.shape_cast %broadcast_in_dim3A_1 : vector<16xf32> to vector<1x16xf32>
    tpu.vector_store %arg15[%swap3A_512, %swap3A_513], %swap3A_516 {strides = array<i32>} : memref<24x128xf32, #tpu.memory_space<vmem>>, vector<1x16xf32>,
    %swap3A_517 = arith.constant 10 : i32
    %swap3A_518 = arith.index_cast %swap3A_517 : i32 to index
    %swap3A_519 = arith.constant 96 : index
    %swap3A_520 = tpu.vector_load %arg15[%swap3A_518, %swap3A_519] {strides = array<i32>} : memref<24x128xf32, #tpu.memory_space<vmem>>, vector<1x16xf32>,
    %swap3A_521 = vector.shape_cast %swap3A_520 : vector<1x16xf32> to vector<16xf32>
    %swap3A_522 = vector.shape_cast %broadcast_in_dim3A_1 : vector<16xf32> to vector<1x16xf32>
    tpu.vector_store %arg15[%swap3A_518, %swap3A_519], %swap3A_522 {strides = array<i32>} : memref<24x128xf32, #tpu.memory_space<vmem>>, vector<1x16xf32>,
    %swap3A_523 = arith.constant 10 : i32
    %swap3A_524 = arith.index_cast %swap3A_523 : i32 to index
    %swap3A_525 = arith.constant 112 : index
    %swap3A_526 = tpu.vector_load %arg15[%swap3A_524, %swap3A_525] {strides = array<i32>} : memref<24x128xf32, #tpu.memory_space<vmem>>, vector<1x16xf32>,
    %swap3A_527 = vector.shape_cast %swap3A_526 : vector<1x16xf32> to vector<16xf32>
    %swap3A_528 = vector.shape_cast %broadcast_in_dim3A_1 : vector<16xf32> to vector<1x16xf32>
    tpu.vector_store %arg15[%swap3A_524, %swap3A_525], %swap3A_528 {strides = array<i32>} : memref<24x128xf32, #tpu.memory_space<vmem>>, vector<1x16xf32>,
    %swap3A_529 = arith.constant 11 : i32
    %swap3A_530 = arith.index_cast %swap3A_529 : i32 to index
    %swap3A_531 = arith.constant 0 : index
    %swap3A_532 = tpu.vector_load %arg15[%swap3A_530, %swap3A_531] {strides = array<i32>} : memref<24x128xf32, #tpu.memory_space<vmem>>, vector<1x16xf32>,
    %swap3A_533 = vector.shape_cast %swap3A_532 : vector<1x16xf32> to vector<16xf32>
    %swap3A_534 = vector.shape_cast %broadcast_in_dim3A_1 : vector<16xf32> to vector<1x16xf32>
    tpu.vector_store %arg15[%swap3A_530, %swap3A_531], %swap3A_534 {strides = array<i32>} : memref<24x128xf32, #tpu.memory_space<vmem>>, vector<1x16xf32>,
    %swap3A_535 = arith.constant 11 : i32
    %swap3A_536 = arith.index_cast %swap3A_535 : i32 to index
    %swap3A_537 = arith.constant 16 : index
    %swap3A_538 = tpu.vector_load %arg15[%swap3A_536, %swap3A_537] {strides = array<i32>} : memref<24x128xf32, #tpu.memory_space<vmem>>, vector<1x16xf32>,
    %swap3A_539 = vector.shape_cast %swap3A_538 : vector<1x16xf32> to vector<16xf32>
    %swap3A_540 = vector.shape_cast %broadcast_in_dim3A_1 : vector<16xf32> to vector<1x16xf32>
    tpu.vector_store %arg15[%swap3A_536, %swap3A_537], %swap3A_540 {strides = array<i32>} : memref<24x128xf32, #tpu.memory_space<vmem>>, vector<1x16xf32>,
    %swap3A_541 = arith.constant 11 : i32
    %swap3A_542 = arith.index_cast %swap3A_541 : i32 to index
    %swap3A_543 = arith.constant 32 : index
    %swap3A_544 = tpu.vector_load %arg15[%swap3A_542, %swap3A_543] {strides = array<i32>} : memref<24x128xf32, #tpu.memory_space<vmem>>, vector<1x16xf32>,
    %swap3A_545 = vector.shape_cast %swap3A_544 : vector<1x16xf32> to vector<16xf32>
    %swap3A_546 = vector.shape_cast %broadcast_in_dim3A_1 : vector<16xf32> to vector<1x16xf32>
    tpu.vector_store %arg15[%swap3A_542, %swap3A_543], %swap3A_546 {strides = array<i32>} : memref<24x128xf32, #tpu.memory_space<vmem>>, vector<1x16xf32>,
    %swap3A_547 = arith.constant 11 : i32
    %swap3A_548 = arith.index_cast %swap3A_547 : i32 to index
    %swap3A_549 = arith.constant 48 : index
    %swap3A_550 = tpu.vector_load %arg15[%swap3A_548, %swap3A_549] {strides = array<i32>} : memref<24x128xf32, #tpu.memory_space<vmem>>, vector<1x16xf32>,
    %swap3A_551 = vector.shape_cast %swap3A_550 : vector<1x16xf32> to vector<16xf32>
    %swap3A_552 = vector.shape_cast %broadcast_in_dim3A_1 : vector<16xf32> to vector<1x16xf32>
    tpu.vector_store %arg15[%swap3A_548, %swap3A_549], %swap3A_552 {strides = array<i32>} : memref<24x128xf32, #tpu.memory_space<vmem>>, vector<1x16xf32>,
    %swap3A_553 = arith.constant 11 : i32
    %swap3A_554 = arith.index_cast %swap3A_553 : i32 to index
    %swap3A_555 = arith.constant 64 : index
    %swap3A_556 = tpu.vector_load %arg15[%swap3A_554, %swap3A_555] {strides = array<i32>} : memref<24x128xf32, #tpu.memory_space<vmem>>, vector<1x16xf32>,
    %swap3A_557 = vector.shape_cast %swap3A_556 : vector<1x16xf32> to vector<16xf32>
    %swap3A_558 = vector.shape_cast %broadcast_in_dim3A_1 : vector<16xf32> to vector<1x16xf32>
    tpu.vector_store %arg15[%swap3A_554, %swap3A_555], %swap3A_558 {strides = array<i32>} : memref<24x128xf32, #tpu.memory_space<vmem>>, vector<1x16xf32>,
    %swap3A_559 = arith.constant 11 : i32
    %swap3A_560 = arith.index_cast %swap3A_559 : i32 to index
    %swap3A_561 = arith.constant 80 : index
    %swap3A_562 = tpu.vector_load %arg15[%swap3A_560, %swap3A_561] {strides = array<i32>} : memref<24x128xf32, #tpu.memory_space<vmem>>, vector<1x16xf32>,
    %swap3A_563 = vector.shape_cast %swap3A_562 : vector<1x16xf32> to vector<16xf32>
    %swap3A_564 = vector.shape_cast %broadcast_in_dim3A_1 : vector<16xf32> to vector<1x16xf32>
    tpu.vector_store %arg15[%swap3A_560, %swap3A_561], %swap3A_564 {strides = array<i32>} : memref<24x128xf32, #tpu.memory_space<vmem>>, vector<1x16xf32>,
    %swap3A_565 = arith.constant 11 : i32
    %swap3A_566 = arith.index_cast %swap3A_565 : i32 to index
    %swap3A_567 = arith.constant 96 : index
    %swap3A_568 = tpu.vector_load %arg15[%swap3A_566, %swap3A_567] {strides = array<i32>} : memref<24x128xf32, #tpu.memory_space<vmem>>, vector<1x16xf32>,
    %swap3A_569 = vector.shape_cast %swap3A_568 : vector<1x16xf32> to vector<16xf32>
    %swap3A_570 = vector.shape_cast %broadcast_in_dim3A_1 : vector<16xf32> to vector<1x16xf32>
    tpu.vector_store %arg15[%swap3A_566, %swap3A_567], %swap3A_570 {strides = array<i32>} : memref<24x128xf32, #tpu.memory_space<vmem>>, vector<1x16xf32>,
    %swap3A_571 = arith.constant 11 : i32
    %swap3A_572 = arith.index_cast %swap3A_571 : i32 to index
    %swap3A_573 = arith.constant 112 : index
    %swap3A_574 = tpu.vector_load %arg15[%swap3A_572, %swap3A_573] {strides = array<i32>} : memref<24x128xf32, #tpu.memory_space<vmem>>, vector<1x16xf32>,
    %swap3A_575 = vector.shape_cast %swap3A_574 : vector<1x16xf32> to vector<16xf32>
    %swap3A_576 = vector.shape_cast %broadcast_in_dim3A_1 : vector<16xf32> to vector<1x16xf32>
    tpu.vector_store %arg15[%swap3A_572, %swap3A_573], %swap3A_576 {strides = array<i32>} : memref<24x128xf32, #tpu.memory_space<vmem>>, vector<1x16xf32>,
    %swap3A_577 = arith.constant 12 : i32
    %swap3A_578 = arith.index_cast %swap3A_577 : i32 to index
    %swap3A_579 = arith.constant 0 : index
    %swap3A_580 = tpu.vector_load %arg15[%swap3A_578, %swap3A_579] {strides = array<i32>} : memref<24x128xf32, #tpu.memory_space<vmem>>, vector<1x16xf32>,
    %swap3A_581 = vector.shape_cast %swap3A_580 : vector<1x16xf32> to vector<16xf32>
    %swap3A_582 = vector.shape_cast %broadcast_in_dim3A_1 : vector<16xf32> to vector<1x16xf32>
    tpu.vector_store %arg15[%swap3A_578, %swap3A_579], %swap3A_582 {strides = array<i32>} : memref<24x128xf32, #tpu.memory_space<vmem>>, vector<1x16xf32>,
    %swap3A_583 = arith.constant 12 : i32
    %swap3A_584 = arith.index_cast %swap3A_583 : i32 to index
    %swap3A_585 = arith.constant 16 : index
    %swap3A_586 = tpu.vector_load %arg15[%swap3A_584, %swap3A_585] {strides = array<i32>} : memref<24x128xf32, #tpu.memory_space<vmem>>, vector<1x16xf32>,
    %swap3A_587 = vector.shape_cast %swap3A_586 : vector<1x16xf32> to vector<16xf32>
    %swap3A_588 = vector.shape_cast %broadcast_in_dim3A_1 : vector<16xf32> to vector<1x16xf32>
    tpu.vector_store %arg15[%swap3A_584, %swap3A_585], %swap3A_588 {strides = array<i32>} : memref<24x128xf32, #tpu.memory_space<vmem>>, vector<1x16xf32>,
    %swap3A_589 = arith.constant 12 : i32
    %swap3A_590 = arith.index_cast %swap3A_589 : i32 to index
    %swap3A_591 = arith.constant 32 : index
    %swap3A_592 = tpu.vector_load %arg15[%swap3A_590, %swap3A_591] {strides = array<i32>} : memref<24x128xf32, #tpu.memory_space<vmem>>, vector<1x16xf32>,
    %swap3A_593 = vector.shape_cast %swap3A_592 : vector<1x16xf32> to vector<16xf32>
    %swap3A_594 = vector.shape_cast %broadcast_in_dim3A_1 : vector<16xf32> to vector<1x16xf32>
    tpu.vector_store %arg15[%swap3A_590, %swap3A_591], %swap3A_594 {strides = array<i32>} : memref<24x128xf32, #tpu.memory_space<vmem>>, vector<1x16xf32>,
    %swap3A_595 = arith.constant 12 : i32
    %swap3A_596 = arith.index_cast %swap3A_595 : i32 to index
    %swap3A_597 = arith.constant 48 : index
    %swap3A_598 = tpu.vector_load %arg15[%swap3A_596, %swap3A_597] {strides = array<i32>} : memref<24x128xf32, #tpu.memory_space<vmem>>, vector<1x16xf32>,
    %swap3A_599 = vector.shape_cast %swap3A_598 : vector<1x16xf32> to vector<16xf32>
    %swap3A_600 = vector.shape_cast %broadcast_in_dim3A_1 : vector<16xf32> to vector<1x16xf32>
    tpu.vector_store %arg15[%swap3A_596, %swap3A_597], %swap3A_600 {strides = array<i32>} : memref<24x128xf32, #tpu.memory_space<vmem>>, vector<1x16xf32>,
    %swap3A_601 = arith.constant 12 : i32
    %swap3A_602 = arith.index_cast %swap3A_601 : i32 to index
    %swap3A_603 = arith.constant 64 : index
    %swap3A_604 = tpu.vector_load %arg15[%swap3A_602, %swap3A_603] {strides = array<i32>} : memref<24x128xf32, #tpu.memory_space<vmem>>, vector<1x16xf32>,
    %swap3A_605 = vector.shape_cast %swap3A_604 : vector<1x16xf32> to vector<16xf32>
    %swap3A_606 = vector.shape_cast %broadcast_in_dim3A_1 : vector<16xf32> to vector<1x16xf32>
    tpu.vector_store %arg15[%swap3A_602, %swap3A_603], %swap3A_606 {strides = array<i32>} : memref<24x128xf32, #tpu.memory_space<vmem>>, vector<1x16xf32>,
    %swap3A_607 = arith.constant 12 : i32
    %swap3A_608 = arith.index_cast %swap3A_607 : i32 to index
    %swap3A_609 = arith.constant 80 : index
    %swap3A_610 = tpu.vector_load %arg15[%swap3A_608, %swap3A_609] {strides = array<i32>} : memref<24x128xf32, #tpu.memory_space<vmem>>, vector<1x16xf32>,
    %swap3A_611 = vector.shape_cast %swap3A_610 : vector<1x16xf32> to vector<16xf32>
    %swap3A_612 = vector.shape_cast %broadcast_in_dim3A_1 : vector<16xf32> to vector<1x16xf32>
    tpu.vector_store %arg15[%swap3A_608, %swap3A_609], %swap3A_612 {strides = array<i32>} : memref<24x128xf32, #tpu.memory_space<vmem>>, vector<1x16xf32>,
    %swap3A_613 = arith.constant 12 : i32
    %swap3A_614 = arith.index_cast %swap3A_613 : i32 to index
    %swap3A_615 = arith.constant 96 : index
    %swap3A_616 = tpu.vector_load %arg15[%swap3A_614, %swap3A_615] {strides = array<i32>} : memref<24x128xf32, #tpu.memory_space<vmem>>, vector<1x16xf32>,
    %swap3A_617 = vector.shape_cast %swap3A_616 : vector<1x16xf32> to vector<16xf32>
    %swap3A_618 = vector.shape_cast %broadcast_in_dim3A_1 : vector<16xf32> to vector<1x16xf32>
    tpu.vector_store %arg15[%swap3A_614, %swap3A_615], %swap3A_618 {strides = array<i32>} : memref<24x128xf32, #tpu.memory_space<vmem>>, vector<1x16xf32>,
    %swap3A_619 = arith.constant 12 : i32
    %swap3A_620 = arith.index_cast %swap3A_619 : i32 to index
    %swap3A_621 = arith.constant 112 : index
    %swap3A_622 = tpu.vector_load %arg15[%swap3A_620, %swap3A_621] {strides = array<i32>} : memref<24x128xf32, #tpu.memory_space<vmem>>, vector<1x16xf32>,
    %swap3A_623 = vector.shape_cast %swap3A_622 : vector<1x16xf32> to vector<16xf32>
    %swap3A_624 = vector.shape_cast %broadcast_in_dim3A_1 : vector<16xf32> to vector<1x16xf32>
    tpu.vector_store %arg15[%swap3A_620, %swap3A_621], %swap3A_624 {strides = array<i32>} : memref<24x128xf32, #tpu.memory_space<vmem>>, vector<1x16xf32>,
    %swap3A_625 = arith.constant 13 : i32
    %swap3A_626 = arith.index_cast %swap3A_625 : i32 to index
    %swap3A_627 = arith.constant 0 : index
    %swap3A_628 = tpu.vector_load %arg15[%swap3A_626, %swap3A_627] {strides = array<i32>} : memref<24x128xf32, #tpu.memory_space<vmem>>, vector<1x16xf32>,
    %swap3A_629 = vector.shape_cast %swap3A_628 : vector<1x16xf32> to vector<16xf32>
    %swap3A_630 = vector.shape_cast %broadcast_in_dim3A_1 : vector<16xf32> to vector<1x16xf32>
    tpu.vector_store %arg15[%swap3A_626, %swap3A_627], %swap3A_630 {strides = array<i32>} : memref<24x128xf32, #tpu.memory_space<vmem>>, vector<1x16xf32>,
    %swap3A_631 = arith.constant 13 : i32
    %swap3A_632 = arith.index_cast %swap3A_631 : i32 to index
    %swap3A_633 = arith.constant 16 : index
    %swap3A_634 = tpu.vector_load %arg15[%swap3A_632, %swap3A_633] {strides = array<i32>} : memref<24x128xf32, #tpu.memory_space<vmem>>, vector<1x16xf32>,
    %swap3A_635 = vector.shape_cast %swap3A_634 : vector<1x16xf32> to vector<16xf32>
    %swap3A_636 = vector.shape_cast %broadcast_in_dim3A_1 : vector<16xf32> to vector<1x16xf32>
    tpu.vector_store %arg15[%swap3A_632, %swap3A_633], %swap3A_636 {strides = array<i32>} : memref<24x128xf32, #tpu.memory_space<vmem>>, vector<1x16xf32>,
    %swap3A_637 = arith.constant 13 : i32
    %swap3A_638 = arith.index_cast %swap3A_637 : i32 to index
    %swap3A_639 = arith.constant 32 : index
    %swap3A_640 = tpu.vector_load %arg15[%swap3A_638, %swap3A_639] {strides = array<i32>} : memref<24x128xf32, #tpu.memory_space<vmem>>, vector<1x16xf32>,
    %swap3A_641 = vector.shape_cast %swap3A_640 : vector<1x16xf32> to vector<16xf32>
    %swap3A_642 = vector.shape_cast %broadcast_in_dim3A_1 : vector<16xf32> to vector<1x16xf32>
    tpu.vector_store %arg15[%swap3A_638, %swap3A_639], %swap3A_642 {strides = array<i32>} : memref<24x128xf32, #tpu.memory_space<vmem>>, vector<1x16xf32>,
    %swap3A_643 = arith.constant 13 : i32
    %swap3A_644 = arith.index_cast %swap3A_643 : i32 to index
    %swap3A_645 = arith.constant 48 : index
    %swap3A_646 = tpu.vector_load %arg15[%swap3A_644, %swap3A_645] {strides = array<i32>} : memref<24x128xf32, #tpu.memory_space<vmem>>, vector<1x16xf32>,
    %swap3A_647 = vector.shape_cast %swap3A_646 : vector<1x16xf32> to vector<16xf32>
    %swap3A_648 = vector.shape_cast %broadcast_in_dim3A_1 : vector<16xf32> to vector<1x16xf32>
    tpu.vector_store %arg15[%swap3A_644, %swap3A_645], %swap3A_648 {strides = array<i32>} : memref<24x128xf32, #tpu.memory_space<vmem>>, vector<1x16xf32>,
    %swap3A_649 = arith.constant 13 : i32
    %swap3A_650 = arith.index_cast %swap3A_649 : i32 to index
    %swap3A_651 = arith.constant 64 : index
    %swap3A_652 = tpu.vector_load %arg15[%swap3A_650, %swap3A_651] {strides = array<i32>} : memref<24x128xf32, #tpu.memory_space<vmem>>, vector<1x16xf32>,
    %swap3A_653 = vector.shape_cast %swap3A_652 : vector<1x16xf32> to vector<16xf32>
    %swap3A_654 = vector.shape_cast %broadcast_in_dim3A_1 : vector<16xf32> to vector<1x16xf32>
    tpu.vector_store %arg15[%swap3A_650, %swap3A_651], %swap3A_654 {strides = array<i32>} : memref<24x128xf32, #tpu.memory_space<vmem>>, vector<1x16xf32>,
    %swap3A_655 = arith.constant 13 : i32
    %swap3A_656 = arith.index_cast %swap3A_655 : i32 to index
    %swap3A_657 = arith.constant 80 : index
    %swap3A_658 = tpu.vector_load %arg15[%swap3A_656, %swap3A_657] {strides = array<i32>} : memref<24x128xf32, #tpu.memory_space<vmem>>, vector<1x16xf32>,
    %swap3A_659 = vector.shape_cast %swap3A_658 : vector<1x16xf32> to vector<16xf32>
    %swap3A_660 = vector.shape_cast %broadcast_in_dim3A_1 : vector<16xf32> to vector<1x16xf32>
    tpu.vector_store %arg15[%swap3A_656, %swap3A_657], %swap3A_660 {strides = array<i32>} : memref<24x128xf32, #tpu.memory_space<vmem>>, vector<1x16xf32>,
    %swap3A_661 = arith.constant 13 : i32
    %swap3A_662 = arith.index_cast %swap3A_661 : i32 to index
    %swap3A_663 = arith.constant 96 : index
    %swap3A_664 = tpu.vector_load %arg15[%swap3A_662, %swap3A_663] {strides = array<i32>} : memref<24x128xf32, #tpu.memory_space<vmem>>, vector<1x16xf32>,
    %swap3A_665 = vector.shape_cast %swap3A_664 : vector<1x16xf32> to vector<16xf32>
    %swap3A_666 = vector.shape_cast %broadcast_in_dim3A_1 : vector<16xf32> to vector<1x16xf32>
    tpu.vector_store %arg15[%swap3A_662, %swap3A_663], %swap3A_666 {strides = array<i32>} : memref<24x128xf32, #tpu.memory_space<vmem>>, vector<1x16xf32>,
    %swap3A_667 = arith.constant 13 : i32
    %swap3A_668 = arith.index_cast %swap3A_667 : i32 to index
    %swap3A_669 = arith.constant 112 : index
    %swap3A_670 = tpu.vector_load %arg15[%swap3A_668, %swap3A_669] {strides = array<i32>} : memref<24x128xf32, #tpu.memory_space<vmem>>, vector<1x16xf32>,
    %swap3A_671 = vector.shape_cast %swap3A_670 : vector<1x16xf32> to vector<16xf32>
    %swap3A_672 = vector.shape_cast %broadcast_in_dim3A_1 : vector<16xf32> to vector<1x16xf32>
    tpu.vector_store %arg15[%swap3A_668, %swap3A_669], %swap3A_672 {strides = array<i32>} : memref<24x128xf32, #tpu.memory_space<vmem>>, vector<1x16xf32>,
    %swap3A_673 = arith.constant 14 : i32
    %swap3A_674 = arith.index_cast %swap3A_673 : i32 to index
    %swap3A_675 = arith.constant 0 : index
    %swap3A_676 = tpu.vector_load %arg15[%swap3A_674, %swap3A_675] {strides = array<i32>} : memref<24x128xf32, #tpu.memory_space<vmem>>, vector<1x16xf32>,
    %swap3A_677 = vector.shape_cast %swap3A_676 : vector<1x16xf32> to vector<16xf32>
    %swap3A_678 = vector.shape_cast %broadcast_in_dim3A_1 : vector<16xf32> to vector<1x16xf32>
    tpu.vector_store %arg15[%swap3A_674, %swap3A_675], %swap3A_678 {strides = array<i32>} : memref<24x128xf32, #tpu.memory_space<vmem>>, vector<1x16xf32>,
    %swap3A_679 = arith.constant 14 : i32
    %swap3A_680 = arith.index_cast %swap3A_679 : i32 to index
    %swap3A_681 = arith.constant 16 : index
    %swap3A_682 = tpu.vector_load %arg15[%swap3A_680, %swap3A_681] {strides = array<i32>} : memref<24x128xf32, #tpu.memory_space<vmem>>, vector<1x16xf32>,
    %swap3A_683 = vector.shape_cast %swap3A_682 : vector<1x16xf32> to vector<16xf32>
    %swap3A_684 = vector.shape_cast %broadcast_in_dim3A_1 : vector<16xf32> to vector<1x16xf32>
    tpu.vector_store %arg15[%swap3A_680, %swap3A_681], %swap3A_684 {strides = array<i32>} : memref<24x128xf32, #tpu.memory_space<vmem>>, vector<1x16xf32>,
    %swap3A_685 = arith.constant 14 : i32
    %swap3A_686 = arith.index_cast %swap3A_685 : i32 to index
    %swap3A_687 = arith.constant 32 : index
    %swap3A_688 = tpu.vector_load %arg15[%swap3A_686, %swap3A_687] {strides = array<i32>} : memref<24x128xf32, #tpu.memory_space<vmem>>, vector<1x16xf32>,
    %swap3A_689 = vector.shape_cast %swap3A_688 : vector<1x16xf32> to vector<16xf32>
    %swap3A_690 = vector.shape_cast %broadcast_in_dim3A_1 : vector<16xf32> to vector<1x16xf32>
    tpu.vector_store %arg15[%swap3A_686, %swap3A_687], %swap3A_690 {strides = array<i32>} : memref<24x128xf32, #tpu.memory_space<vmem>>, vector<1x16xf32>,
    %swap3A_691 = arith.constant 14 : i32
    %swap3A_692 = arith.index_cast %swap3A_691 : i32 to index
    %swap3A_693 = arith.constant 48 : index
    %swap3A_694 = tpu.vector_load %arg15[%swap3A_692, %swap3A_693] {strides = array<i32>} : memref<24x128xf32, #tpu.memory_space<vmem>>, vector<1x16xf32>,
    %swap3A_695 = vector.shape_cast %swap3A_694 : vector<1x16xf32> to vector<16xf32>
    %swap3A_696 = vector.shape_cast %broadcast_in_dim3A_1 : vector<16xf32> to vector<1x16xf32>
    tpu.vector_store %arg15[%swap3A_692, %swap3A_693], %swap3A_696 {strides = array<i32>} : memref<24x128xf32, #tpu.memory_space<vmem>>, vector<1x16xf32>,
    %swap3A_697 = arith.constant 14 : i32
    %swap3A_698 = arith.index_cast %swap3A_697 : i32 to index
    %swap3A_699 = arith.constant 64 : index
    %swap3A_700 = tpu.vector_load %arg15[%swap3A_698, %swap3A_699] {strides = array<i32>} : memref<24x128xf32, #tpu.memory_space<vmem>>, vector<1x16xf32>,
    %swap3A_701 = vector.shape_cast %swap3A_700 : vector<1x16xf32> to vector<16xf32>
    %swap3A_702 = vector.shape_cast %broadcast_in_dim3A_1 : vector<16xf32> to vector<1x16xf32>
    tpu.vector_store %arg15[%swap3A_698, %swap3A_699], %swap3A_702 {strides = array<i32>} : memref<24x128xf32, #tpu.memory_space<vmem>>, vector<1x16xf32>,
    %swap3A_703 = arith.constant 14 : i32
    %swap3A_704 = arith.index_cast %swap3A_703 : i32 to index
    %swap3A_705 = arith.constant 80 : index
    %swap3A_706 = tpu.vector_load %arg15[%swap3A_704, %swap3A_705] {strides = array<i32>} : memref<24x128xf32, #tpu.memory_space<vmem>>, vector<1x16xf32>,
    %swap3A_707 = vector.shape_cast %swap3A_706 : vector<1x16xf32> to vector<16xf32>
    %swap3A_708 = vector.shape_cast %broadcast_in_dim3A_1 : vector<16xf32> to vector<1x16xf32>
    tpu.vector_store %arg15[%swap3A_704, %swap3A_705], %swap3A_708 {strides = array<i32>} : memref<24x128xf32, #tpu.memory_space<vmem>>, vector<1x16xf32>,
    %swap3A_709 = arith.constant 14 : i32
    %swap3A_710 = arith.index_cast %swap3A_709 : i32 to index
    %swap3A_711 = arith.constant 96 : index
    %swap3A_712 = tpu.vector_load %arg15[%swap3A_710, %swap3A_711] {strides = array<i32>} : memref<24x128xf32, #tpu.memory_space<vmem>>, vector<1x16xf32>,
    %swap3A_713 = vector.shape_cast %swap3A_712 : vector<1x16xf32> to vector<16xf32>
    %swap3A_714 = vector.shape_cast %broadcast_in_dim3A_1 : vector<16xf32> to vector<1x16xf32>
    tpu.vector_store %arg15[%swap3A_710, %swap3A_711], %swap3A_714 {strides = array<i32>} : memref<24x128xf32, #tpu.memory_space<vmem>>, vector<1x16xf32>,
    %swap3A_715 = arith.constant 14 : i32
    %swap3A_716 = arith.index_cast %swap3A_715 : i32 to index
    %swap3A_717 = arith.constant 112 : index
    %swap3A_718 = tpu.vector_load %arg15[%swap3A_716, %swap3A_717] {strides = array<i32>} : memref<24x128xf32, #tpu.memory_space<vmem>>, vector<1x16xf32>,
    %swap3A_719 = vector.shape_cast %swap3A_718 : vector<1x16xf32> to vector<16xf32>
    %swap3A_720 = vector.shape_cast %broadcast_in_dim3A_1 : vector<16xf32> to vector<1x16xf32>
    tpu.vector_store %arg15[%swap3A_716, %swap3A_717], %swap3A_720 {strides = array<i32>} : memref<24x128xf32, #tpu.memory_space<vmem>>, vector<1x16xf32>,
    %swap3A_721 = arith.constant 15 : i32
    %swap3A_722 = arith.index_cast %swap3A_721 : i32 to index
    %swap3A_723 = arith.constant 0 : index
    %swap3A_724 = tpu.vector_load %arg15[%swap3A_722, %swap3A_723] {strides = array<i32>} : memref<24x128xf32, #tpu.memory_space<vmem>>, vector<1x16xf32>,
    %swap3A_725 = vector.shape_cast %swap3A_724 : vector<1x16xf32> to vector<16xf32>
    %swap3A_726 = vector.shape_cast %broadcast_in_dim3A_1 : vector<16xf32> to vector<1x16xf32>
    tpu.vector_store %arg15[%swap3A_722, %swap3A_723], %swap3A_726 {strides = array<i32>} : memref<24x128xf32, #tpu.memory_space<vmem>>, vector<1x16xf32>,
    %swap3A_727 = arith.constant 15 : i32
    %swap3A_728 = arith.index_cast %swap3A_727 : i32 to index
    %swap3A_729 = arith.constant 16 : index
    %swap3A_730 = tpu.vector_load %arg15[%swap3A_728, %swap3A_729] {strides = array<i32>} : memref<24x128xf32, #tpu.memory_space<vmem>>, vector<1x16xf32>,
    %swap3A_731 = vector.shape_cast %swap3A_730 : vector<1x16xf32> to vector<16xf32>
    %swap3A_732 = vector.shape_cast %broadcast_in_dim3A_1 : vector<16xf32> to vector<1x16xf32>
    tpu.vector_store %arg15[%swap3A_728, %swap3A_729], %swap3A_732 {strides = array<i32>} : memref<24x128xf32, #tpu.memory_space<vmem>>, vector<1x16xf32>,
    %swap3A_733 = arith.constant 15 : i32
    %swap3A_734 = arith.index_cast %swap3A_733 : i32 to index
    %swap3A_735 = arith.constant 32 : index
    %swap3A_736 = tpu.vector_load %arg15[%swap3A_734, %swap3A_735] {strides = array<i32>} : memref<24x128xf32, #tpu.memory_space<vmem>>, vector<1x16xf32>,
    %swap3A_737 = vector.shape_cast %swap3A_736 : vector<1x16xf32> to vector<16xf32>
    %swap3A_738 = vector.shape_cast %broadcast_in_dim3A_1 : vector<16xf32> to vector<1x16xf32>
    tpu.vector_store %arg15[%swap3A_734, %swap3A_735], %swap3A_738 {strides = array<i32>} : memref<24x128xf32, #tpu.memory_space<vmem>>, vector<1x16xf32>,
    %swap3A_739 = arith.constant 15 : i32
    %swap3A_740 = arith.index_cast %swap3A_739 : i32 to index
    %swap3A_741 = arith.constant 48 : index
    %swap3A_742 = tpu.vector_load %arg15[%swap3A_740, %swap3A_741] {strides = array<i32>} : memref<24x128xf32, #tpu.memory_space<vmem>>, vector<1x16xf32>,
    %swap3A_743 = vector.shape_cast %swap3A_742 : vector<1x16xf32> to vector<16xf32>
    %swap3A_744 = vector.shape_cast %broadcast_in_dim3A_1 : vector<16xf32> to vector<1x16xf32>
    tpu.vector_store %arg15[%swap3A_740, %swap3A_741], %swap3A_744 {strides = array<i32>} : memref<24x128xf32, #tpu.memory_space<vmem>>, vector<1x16xf32>,
    %swap3A_745 = arith.constant 15 : i32
    %swap3A_746 = arith.index_cast %swap3A_745 : i32 to index
    %swap3A_747 = arith.constant 64 : index
    %swap3A_748 = tpu.vector_load %arg15[%swap3A_746, %swap3A_747] {strides = array<i32>} : memref<24x128xf32, #tpu.memory_space<vmem>>, vector<1x16xf32>,
    %swap3A_749 = vector.shape_cast %swap3A_748 : vector<1x16xf32> to vector<16xf32>
    %swap3A_750 = vector.shape_cast %broadcast_in_dim3A_1 : vector<16xf32> to vector<1x16xf32>
    tpu.vector_store %arg15[%swap3A_746, %swap3A_747], %swap3A_750 {strides = array<i32>} : memref<24x128xf32, #tpu.memory_space<vmem>>, vector<1x16xf32>,
    %swap3A_751 = arith.constant 15 : i32
    %swap3A_752 = arith.index_cast %swap3A_751 : i32 to index
    %swap3A_753 = arith.constant 80 : index
    %swap3A_754 = tpu.vector_load %arg15[%swap3A_752, %swap3A_753] {strides = array<i32>} : memref<24x128xf32, #tpu.memory_space<vmem>>, vector<1x16xf32>,
    %swap3A_755 = vector.shape_cast %swap3A_754 : vector<1x16xf32> to vector<16xf32>
    %swap3A_756 = vector.shape_cast %broadcast_in_dim3A_1 : vector<16xf32> to vector<1x16xf32>
    tpu.vector_store %arg15[%swap3A_752, %swap3A_753], %swap3A_756 {strides = array<i32>} : memref<24x128xf32, #tpu.memory_space<vmem>>, vector<1x16xf32>,
    %swap3A_757 = arith.constant 15 : i32
    %swap3A_758 = arith.index_cast %swap3A_757 : i32 to index
    %swap3A_759 = arith.constant 96 : index
    %swap3A_760 = tpu.vector_load %arg15[%swap3A_758, %swap3A_759] {strides = array<i32>} : memref<24x128xf32, #tpu.memory_space<vmem>>, vector<1x16xf32>,
    %swap3A_761 = vector.shape_cast %swap3A_760 : vector<1x16xf32> to vector<16xf32>
    %swap3A_762 = vector.shape_cast %broadcast_in_dim3A_1 : vector<16xf32> to vector<1x16xf32>
    tpu.vector_store %arg15[%swap3A_758, %swap3A_759], %swap3A_762 {strides = array<i32>} : memref<24x128xf32, #tpu.memory_space<vmem>>, vector<1x16xf32>,
    %swap3A_763 = arith.constant 15 : i32
    %swap3A_764 = arith.index_cast %swap3A_763 : i32 to index
    %swap3A_765 = arith.constant 112 : index
    %swap3A_766 = tpu.vector_load %arg15[%swap3A_764, %swap3A_765] {strides = array<i32>} : memref<24x128xf32, #tpu.memory_space<vmem>>, vector<1x16xf32>,
    %swap3A_767 = vector.shape_cast %swap3A_766 : vector<1x16xf32> to vector<16xf32>
    %swap3A_768 = vector.shape_cast %broadcast_in_dim3A_1 : vector<16xf32> to vector<1x16xf32>
    tpu.vector_store %arg15[%swap3A_764, %swap3A_765], %swap3A_768 {strides = array<i32>} : memref<24x128xf32, #tpu.memory_space<vmem>>, vector<1x16xf32>,
    %swap3A_769 = arith.constant 16 : i32
    %swap3A_770 = arith.index_cast %swap3A_769 : i32 to index
    %swap3A_771 = arith.constant 0 : index
    %swap3A_772 = tpu.vector_load %arg15[%swap3A_770, %swap3A_771] {strides = array<i32>} : memref<24x128xf32, #tpu.memory_space<vmem>>, vector<1x16xf32>,
    %swap3A_773 = vector.shape_cast %swap3A_772 : vector<1x16xf32> to vector<16xf32>
    %swap3A_774 = vector.shape_cast %broadcast_in_dim3A_1 : vector<16xf32> to vector<1x16xf32>
    tpu.vector_store %arg15[%swap3A_770, %swap3A_771], %swap3A_774 {strides = array<i32>} : memref<24x128xf32, #tpu.memory_space<vmem>>, vector<1x16xf32>,
    %swap3A_775 = arith.constant 16 : i32
    %swap3A_776 = arith.index_cast %swap3A_775 : i32 to index
    %swap3A_777 = arith.constant 16 : index
    %swap3A_778 = tpu.vector_load %arg15[%swap3A_776, %swap3A_777] {strides = array<i32>} : memref<24x128xf32, #tpu.memory_space<vmem>>, vector<1x16xf32>,
    %swap3A_779 = vector.shape_cast %swap3A_778 : vector<1x16xf32> to vector<16xf32>
    %swap3A_780 = vector.shape_cast %broadcast_in_dim3A_1 : vector<16xf32> to vector<1x16xf32>
    tpu.vector_store %arg15[%swap3A_776, %swap3A_777], %swap3A_780 {strides = array<i32>} : memref<24x128xf32, #tpu.memory_space<vmem>>, vector<1x16xf32>,
    %swap3A_781 = arith.constant 16 : i32
    %swap3A_782 = arith.index_cast %swap3A_781 : i32 to index
    %swap3A_783 = arith.constant 32 : index
    %swap3A_784 = tpu.vector_load %arg15[%swap3A_782, %swap3A_783] {strides = array<i32>} : memref<24x128xf32, #tpu.memory_space<vmem>>, vector<1x16xf32>,
    %swap3A_785 = vector.shape_cast %swap3A_784 : vector<1x16xf32> to vector<16xf32>
    %swap3A_786 = vector.shape_cast %broadcast_in_dim3A_1 : vector<16xf32> to vector<1x16xf32>
    tpu.vector_store %arg15[%swap3A_782, %swap3A_783], %swap3A_786 {strides = array<i32>} : memref<24x128xf32, #tpu.memory_space<vmem>>, vector<1x16xf32>,
    %swap3A_787 = arith.constant 16 : i32
    %swap3A_788 = arith.index_cast %swap3A_787 : i32 to index
    %swap3A_789 = arith.constant 48 : index
    %swap3A_790 = tpu.vector_load %arg15[%swap3A_788, %swap3A_789] {strides = array<i32>} : memref<24x128xf32, #tpu.memory_space<vmem>>, vector<1x16xf32>,
    %swap3A_791 = vector.shape_cast %swap3A_790 : vector<1x16xf32> to vector<16xf32>
    %swap3A_792 = vector.shape_cast %broadcast_in_dim3A_1 : vector<16xf32> to vector<1x16xf32>
    tpu.vector_store %arg15[%swap3A_788, %swap3A_789], %swap3A_792 {strides = array<i32>} : memref<24x128xf32, #tpu.memory_space<vmem>>, vector<1x16xf32>,
    %swap3A_793 = arith.constant 16 : i32
    %swap3A_794 = arith.index_cast %swap3A_793 : i32 to index
    %swap3A_795 = arith.constant 64 : index
    %swap3A_796 = tpu.vector_load %arg15[%swap3A_794, %swap3A_795] {strides = array<i32>} : memref<24x128xf32, #tpu.memory_space<vmem>>, vector<1x16xf32>,
    %swap3A_797 = vector.shape_cast %swap3A_796 : vector<1x16xf32> to vector<16xf32>
    %swap3A_798 = vector.shape_cast %broadcast_in_dim3A_1 : vector<16xf32> to vector<1x16xf32>
    tpu.vector_store %arg15[%swap3A_794, %swap3A_795], %swap3A_798 {strides = array<i32>} : memref<24x128xf32, #tpu.memory_space<vmem>>, vector<1x16xf32>,
    %swap3A_799 = arith.constant 16 : i32
    %swap3A_800 = arith.index_cast %swap3A_799 : i32 to index
    %swap3A_801 = arith.constant 80 : index
    %swap3A_802 = tpu.vector_load %arg15[%swap3A_800, %swap3A_801] {strides = array<i32>} : memref<24x128xf32, #tpu.memory_space<vmem>>, vector<1x16xf32>,
    %swap3A_803 = vector.shape_cast %swap3A_802 : vector<1x16xf32> to vector<16xf32>
    %swap3A_804 = vector.shape_cast %broadcast_in_dim3A_1 : vector<16xf32> to vector<1x16xf32>
    tpu.vector_store %arg15[%swap3A_800, %swap3A_801], %swap3A_804 {strides = array<i32>} : memref<24x128xf32, #tpu.memory_space<vmem>>, vector<1x16xf32>,
    %swap3A_805 = arith.constant 16 : i32
    %swap3A_806 = arith.index_cast %swap3A_805 : i32 to index
    %swap3A_807 = arith.constant 96 : index
    %swap3A_808 = tpu.vector_load %arg15[%swap3A_806, %swap3A_807] {strides = array<i32>} : memref<24x128xf32, #tpu.memory_space<vmem>>, vector<1x16xf32>,
    %swap3A_809 = vector.shape_cast %swap3A_808 : vector<1x16xf32> to vector<16xf32>
    %swap3A_810 = vector.shape_cast %broadcast_in_dim3A_1 : vector<16xf32> to vector<1x16xf32>
    tpu.vector_store %arg15[%swap3A_806, %swap3A_807], %swap3A_810 {strides = array<i32>} : memref<24x128xf32, #tpu.memory_space<vmem>>, vector<1x16xf32>,
    %swap3A_811 = arith.constant 16 : i32
    %swap3A_812 = arith.index_cast %swap3A_811 : i32 to index
    %swap3A_813 = arith.constant 112 : index
    %swap3A_814 = tpu.vector_load %arg15[%swap3A_812, %swap3A_813] {strides = array<i32>} : memref<24x128xf32, #tpu.memory_space<vmem>>, vector<1x16xf32>,
    %swap3A_815 = vector.shape_cast %swap3A_814 : vector<1x16xf32> to vector<16xf32>
    %swap3A_816 = vector.shape_cast %broadcast_in_dim3A_1 : vector<16xf32> to vector<1x16xf32>
    tpu.vector_store %arg15[%swap3A_812, %swap3A_813], %swap3A_816 {strides = array<i32>} : memref<24x128xf32, #tpu.memory_space<vmem>>, vector<1x16xf32>,
    %swap3A_817 = arith.constant 17 : i32
    %swap3A_818 = arith.index_cast %swap3A_817 : i32 to index
    %swap3A_819 = arith.constant 0 : index
    %swap3A_820 = tpu.vector_load %arg15[%swap3A_818, %swap3A_819] {strides = array<i32>} : memref<24x128xf32, #tpu.memory_space<vmem>>, vector<1x16xf32>,
    %swap3A_821 = vector.shape_cast %swap3A_820 : vector<1x16xf32> to vector<16xf32>
    %swap3A_822 = vector.shape_cast %broadcast_in_dim3A_1 : vector<16xf32> to vector<1x16xf32>
    tpu.vector_store %arg15[%swap3A_818, %swap3A_819], %swap3A_822 {strides = array<i32>} : memref<24x128xf32, #tpu.memory_space<vmem>>, vector<1x16xf32>,
    %swap3A_823 = arith.constant 17 : i32
    %swap3A_824 = arith.index_cast %swap3A_823 : i32 to index
    %swap3A_825 = arith.constant 16 : index
    %swap3A_826 = tpu.vector_load %arg15[%swap3A_824, %swap3A_825] {strides = array<i32>} : memref<24x128xf32, #tpu.memory_space<vmem>>, vector<1x16xf32>,
    %swap3A_827 = vector.shape_cast %swap3A_826 : vector<1x16xf32> to vector<16xf32>
    %swap3A_828 = vector.shape_cast %broadcast_in_dim3A_1 : vector<16xf32> to vector<1x16xf32>
    tpu.vector_store %arg15[%swap3A_824, %swap3A_825], %swap3A_828 {strides = array<i32>} : memref<24x128xf32, #tpu.memory_space<vmem>>, vector<1x16xf32>,
    %swap3A_829 = arith.constant 17 : i32
    %swap3A_830 = arith.index_cast %swap3A_829 : i32 to index
    %swap3A_831 = arith.constant 32 : index
    %swap3A_832 = tpu.vector_load %arg15[%swap3A_830, %swap3A_831] {strides = array<i32>} : memref<24x128xf32, #tpu.memory_space<vmem>>, vector<1x16xf32>,
    %swap3A_833 = vector.shape_cast %swap3A_832 : vector<1x16xf32> to vector<16xf32>
    %swap3A_834 = vector.shape_cast %broadcast_in_dim3A_1 : vector<16xf32> to vector<1x16xf32>
    tpu.vector_store %arg15[%swap3A_830, %swap3A_831], %swap3A_834 {strides = array<i32>} : memref<24x128xf32, #tpu.memory_space<vmem>>, vector<1x16xf32>,
    %swap3A_835 = arith.constant 17 : i32
    %swap3A_836 = arith.index_cast %swap3A_835 : i32 to index
    %swap3A_837 = arith.constant 48 : index
    %swap3A_838 = tpu.vector_load %arg15[%swap3A_836, %swap3A_837] {strides = array<i32>} : memref<24x128xf32, #tpu.memory_space<vmem>>, vector<1x16xf32>,
    %swap3A_839 = vector.shape_cast %swap3A_838 : vector<1x16xf32> to vector<16xf32>
    %swap3A_840 = vector.shape_cast %broadcast_in_dim3A_1 : vector<16xf32> to vector<1x16xf32>
    tpu.vector_store %arg15[%swap3A_836, %swap3A_837], %swap3A_840 {strides = array<i32>} : memref<24x128xf32, #tpu.memory_space<vmem>>, vector<1x16xf32>,
    %swap3A_841 = arith.constant 17 : i32
    %swap3A_842 = arith.index_cast %swap3A_841 : i32 to index
    %swap3A_843 = arith.constant 64 : index
    %swap3A_844 = tpu.vector_load %arg15[%swap3A_842, %swap3A_843] {strides = array<i32>} : memref<24x128xf32, #tpu.memory_space<vmem>>, vector<1x16xf32>,
    %swap3A_845 = vector.shape_cast %swap3A_844 : vector<1x16xf32> to vector<16xf32>
    %swap3A_846 = vector.shape_cast %broadcast_in_dim3A_1 : vector<16xf32> to vector<1x16xf32>
    tpu.vector_store %arg15[%swap3A_842, %swap3A_843], %swap3A_846 {strides = array<i32>} : memref<24x128xf32, #tpu.memory_space<vmem>>, vector<1x16xf32>,
    %swap3A_847 = arith.constant 17 : i32
    %swap3A_848 = arith.index_cast %swap3A_847 : i32 to index
    %swap3A_849 = arith.constant 80 : index
    %swap3A_850 = tpu.vector_load %arg15[%swap3A_848, %swap3A_849] {strides = array<i32>} : memref<24x128xf32, #tpu.memory_space<vmem>>, vector<1x16xf32>,
    %swap3A_851 = vector.shape_cast %swap3A_850 : vector<1x16xf32> to vector<16xf32>
    %swap3A_852 = vector.shape_cast %broadcast_in_dim3A_1 : vector<16xf32> to vector<1x16xf32>
    tpu.vector_store %arg15[%swap3A_848, %swap3A_849], %swap3A_852 {strides = array<i32>} : memref<24x128xf32, #tpu.memory_space<vmem>>, vector<1x16xf32>,
    %swap3A_853 = arith.constant 17 : i32
    %swap3A_854 = arith.index_cast %swap3A_853 : i32 to index
    %swap3A_855 = arith.constant 96 : index
    %swap3A_856 = tpu.vector_load %arg15[%swap3A_854, %swap3A_855] {strides = array<i32>} : memref<24x128xf32, #tpu.memory_space<vmem>>, vector<1x16xf32>,
    %swap3A_857 = vector.shape_cast %swap3A_856 : vector<1x16xf32> to vector<16xf32>
    %swap3A_858 = vector.shape_cast %broadcast_in_dim3A_1 : vector<16xf32> to vector<1x16xf32>
    tpu.vector_store %arg15[%swap3A_854, %swap3A_855], %swap3A_858 {strides = array<i32>} : memref<24x128xf32, #tpu.memory_space<vmem>>, vector<1x16xf32>,
    %swap3A_859 = arith.constant 17 : i32
    %swap3A_860 = arith.index_cast %swap3A_859 : i32 to index
    %swap3A_861 = arith.constant 112 : index
    %swap3A_862 = tpu.vector_load %arg15[%swap3A_860, %swap3A_861] {strides = array<i32>} : memref<24x128xf32, #tpu.memory_space<vmem>>, vector<1x16xf32>,
    %swap3A_863 = vector.shape_cast %swap3A_862 : vector<1x16xf32> to vector<16xf32>
    %swap3A_864 = vector.shape_cast %broadcast_in_dim3A_1 : vector<16xf32> to vector<1x16xf32>
    tpu.vector_store %arg15[%swap3A_860, %swap3A_861], %swap3A_864 {strides = array<i32>} : memref<24x128xf32, #tpu.memory_space<vmem>>, vector<1x16xf32>,
    %swap3A_865 = arith.constant 18 : i32
    %swap3A_866 = arith.index_cast %swap3A_865 : i32 to index
    %swap3A_867 = arith.constant 0 : index
    %swap3A_868 = tpu.vector_load %arg15[%swap3A_866, %swap3A_867] {strides = array<i32>} : memref<24x128xf32, #tpu.memory_space<vmem>>, vector<1x16xf32>,
    %swap3A_869 = vector.shape_cast %swap3A_868 : vector<1x16xf32> to vector<16xf32>
    %swap3A_870 = vector.shape_cast %broadcast_in_dim3A_1 : vector<16xf32> to vector<1x16xf32>
    tpu.vector_store %arg15[%swap3A_866, %swap3A_867], %swap3A_870 {strides = array<i32>} : memref<24x128xf32, #tpu.memory_space<vmem>>, vector<1x16xf32>,
    %swap3A_871 = arith.constant 18 : i32
    %swap3A_872 = arith.index_cast %swap3A_871 : i32 to index
    %swap3A_873 = arith.constant 16 : index
    %swap3A_874 = tpu.vector_load %arg15[%swap3A_872, %swap3A_873] {strides = array<i32>} : memref<24x128xf32, #tpu.memory_space<vmem>>, vector<1x16xf32>,
    %swap3A_875 = vector.shape_cast %swap3A_874 : vector<1x16xf32> to vector<16xf32>
    %swap3A_876 = vector.shape_cast %broadcast_in_dim3A_1 : vector<16xf32> to vector<1x16xf32>
    tpu.vector_store %arg15[%swap3A_872, %swap3A_873], %swap3A_876 {strides = array<i32>} : memref<24x128xf32, #tpu.memory_space<vmem>>, vector<1x16xf32>,
    %swap3A_877 = arith.constant 18 : i32
    %swap3A_878 = arith.index_cast %swap3A_877 : i32 to index
    %swap3A_879 = arith.constant 32 : index
    %swap3A_880 = tpu.vector_load %arg15[%swap3A_878, %swap3A_879] {strides = array<i32>} : memref<24x128xf32, #tpu.memory_space<vmem>>, vector<1x16xf32>,
    %swap3A_881 = vector.shape_cast %swap3A_880 : vector<1x16xf32> to vector<16xf32>
    %swap3A_882 = vector.shape_cast %broadcast_in_dim3A_1 : vector<16xf32> to vector<1x16xf32>
    tpu.vector_store %arg15[%swap3A_878, %swap3A_879], %swap3A_882 {strides = array<i32>} : memref<24x128xf32, #tpu.memory_space<vmem>>, vector<1x16xf32>,
    %swap3A_883 = arith.constant 18 : i32
    %swap3A_884 = arith.index_cast %swap3A_883 : i32 to index
    %swap3A_885 = arith.constant 48 : index
    %swap3A_886 = tpu.vector_load %arg15[%swap3A_884, %swap3A_885] {strides = array<i32>} : memref<24x128xf32, #tpu.memory_space<vmem>>, vector<1x16xf32>,
    %swap3A_887 = vector.shape_cast %swap3A_886 : vector<1x16xf32> to vector<16xf32>
    %swap3A_888 = vector.shape_cast %broadcast_in_dim3A_1 : vector<16xf32> to vector<1x16xf32>
    tpu.vector_store %arg15[%swap3A_884, %swap3A_885], %swap3A_888 {strides = array<i32>} : memref<24x128xf32, #tpu.memory_space<vmem>>, vector<1x16xf32>,
    %swap3A_889 = arith.constant 18 : i32
    %swap3A_890 = arith.index_cast %swap3A_889 : i32 to index
    %swap3A_891 = arith.constant 64 : index
    %swap3A_892 = tpu.vector_load %arg15[%swap3A_890, %swap3A_891] {strides = array<i32>} : memref<24x128xf32, #tpu.memory_space<vmem>>, vector<1x16xf32>,
    %swap3A_893 = vector.shape_cast %swap3A_892 : vector<1x16xf32> to vector<16xf32>
    %swap3A_894 = vector.shape_cast %broadcast_in_dim3A_1 : vector<16xf32> to vector<1x16xf32>
    tpu.vector_store %arg15[%swap3A_890, %swap3A_891], %swap3A_894 {strides = array<i32>} : memref<24x128xf32, #tpu.memory_space<vmem>>, vector<1x16xf32>,
    %swap3A_895 = arith.constant 18 : i32
    %swap3A_896 = arith.index_cast %swap3A_895 : i32 to index
    %swap3A_897 = arith.constant 80 : index
    %swap3A_898 = tpu.vector_load %arg15[%swap3A_896, %swap3A_897] {strides = array<i32>} : memref<24x128xf32, #tpu.memory_space<vmem>>, vector<1x16xf32>,
    %swap3A_899 = vector.shape_cast %swap3A_898 : vector<1x16xf32> to vector<16xf32>
    %swap3A_900 = vector.shape_cast %broadcast_in_dim3A_1 : vector<16xf32> to vector<1x16xf32>
    tpu.vector_store %arg15[%swap3A_896, %swap3A_897], %swap3A_900 {strides = array<i32>} : memref<24x128xf32, #tpu.memory_space<vmem>>, vector<1x16xf32>,
    %swap3A_901 = arith.constant 18 : i32
    %swap3A_902 = arith.index_cast %swap3A_901 : i32 to index
    %swap3A_903 = arith.constant 96 : index
    %swap3A_904 = tpu.vector_load %arg15[%swap3A_902, %swap3A_903] {strides = array<i32>} : memref<24x128xf32, #tpu.memory_space<vmem>>, vector<1x16xf32>,
    %swap3A_905 = vector.shape_cast %swap3A_904 : vector<1x16xf32> to vector<16xf32>
    %swap3A_906 = vector.shape_cast %broadcast_in_dim3A_1 : vector<16xf32> to vector<1x16xf32>
    tpu.vector_store %arg15[%swap3A_902, %swap3A_903], %swap3A_906 {strides = array<i32>} : memref<24x128xf32, #tpu.memory_space<vmem>>, vector<1x16xf32>,
    %swap3A_907 = arith.constant 18 : i32
    %swap3A_908 = arith.index_cast %swap3A_907 : i32 to index
    %swap3A_909 = arith.constant 112 : index
    %swap3A_910 = tpu.vector_load %arg15[%swap3A_908, %swap3A_909] {strides = array<i32>} : memref<24x128xf32, #tpu.memory_space<vmem>>, vector<1x16xf32>,
    %swap3A_911 = vector.shape_cast %swap3A_910 : vector<1x16xf32> to vector<16xf32>
    %swap3A_912 = vector.shape_cast %broadcast_in_dim3A_1 : vector<16xf32> to vector<1x16xf32>
    tpu.vector_store %arg15[%swap3A_908, %swap3A_909], %swap3A_912 {strides = array<i32>} : memref<24x128xf32, #tpu.memory_space<vmem>>, vector<1x16xf32>,
    %swap3A_913 = arith.constant 19 : i32
    %swap3A_914 = arith.index_cast %swap3A_913 : i32 to index
    %swap3A_915 = arith.constant 0 : index
    %swap3A_916 = tpu.vector_load %arg15[%swap3A_914, %swap3A_915] {strides = array<i32>} : memref<24x128xf32, #tpu.memory_space<vmem>>, vector<1x16xf32>,
    %swap3A_917 = vector.shape_cast %swap3A_916 : vector<1x16xf32> to vector<16xf32>
    %swap3A_918 = vector.shape_cast %broadcast_in_dim3A_1 : vector<16xf32> to vector<1x16xf32>
    tpu.vector_store %arg15[%swap3A_914, %swap3A_915], %swap3A_918 {strides = array<i32>} : memref<24x128xf32, #tpu.memory_space<vmem>>, vector<1x16xf32>,
    %swap3A_919 = arith.constant 19 : i32
    %swap3A_920 = arith.index_cast %swap3A_919 : i32 to index
    %swap3A_921 = arith.constant 16 : index
    %swap3A_922 = tpu.vector_load %arg15[%swap3A_920, %swap3A_921] {strides = array<i32>} : memref<24x128xf32, #tpu.memory_space<vmem>>, vector<1x16xf32>,
    %swap3A_923 = vector.shape_cast %swap3A_922 : vector<1x16xf32> to vector<16xf32>
    %swap3A_924 = vector.shape_cast %broadcast_in_dim3A_1 : vector<16xf32> to vector<1x16xf32>
    tpu.vector_store %arg15[%swap3A_920, %swap3A_921], %swap3A_924 {strides = array<i32>} : memref<24x128xf32, #tpu.memory_space<vmem>>, vector<1x16xf32>,
    %swap3A_925 = arith.constant 19 : i32
    %swap3A_926 = arith.index_cast %swap3A_925 : i32 to index
    %swap3A_927 = arith.constant 32 : index
    %swap3A_928 = tpu.vector_load %arg15[%swap3A_926, %swap3A_927] {strides = array<i32>} : memref<24x128xf32, #tpu.memory_space<vmem>>, vector<1x16xf32>,
    %swap3A_929 = vector.shape_cast %swap3A_928 : vector<1x16xf32> to vector<16xf32>
    %swap3A_930 = vector.shape_cast %broadcast_in_dim3A_1 : vector<16xf32> to vector<1x16xf32>
    tpu.vector_store %arg15[%swap3A_926, %swap3A_927], %swap3A_930 {strides = array<i32>} : memref<24x128xf32, #tpu.memory_space<vmem>>, vector<1x16xf32>,
    %swap3A_931 = arith.constant 19 : i32
    %swap3A_932 = arith.index_cast %swap3A_931 : i32 to index
    %swap3A_933 = arith.constant 48 : index
    %swap3A_934 = tpu.vector_load %arg15[%swap3A_932, %swap3A_933] {strides = array<i32>} : memref<24x128xf32, #tpu.memory_space<vmem>>, vector<1x16xf32>,
    %swap3A_935 = vector.shape_cast %swap3A_934 : vector<1x16xf32> to vector<16xf32>
    %swap3A_936 = vector.shape_cast %broadcast_in_dim3A_1 : vector<16xf32> to vector<1x16xf32>
    tpu.vector_store %arg15[%swap3A_932, %swap3A_933], %swap3A_936 {strides = array<i32>} : memref<24x128xf32, #tpu.memory_space<vmem>>, vector<1x16xf32>,
    %swap3A_937 = arith.constant 19 : i32
    %swap3A_938 = arith.index_cast %swap3A_937 : i32 to index
    %swap3A_939 = arith.constant 64 : index
    %swap3A_940 = tpu.vector_load %arg15[%swap3A_938, %swap3A_939] {strides = array<i32>} : memref<24x128xf32, #tpu.memory_space<vmem>>, vector<1x16xf32>,
    %swap3A_941 = vector.shape_cast %swap3A_940 : vector<1x16xf32> to vector<16xf32>
    %swap3A_942 = vector.shape_cast %broadcast_in_dim3A_1 : vector<16xf32> to vector<1x16xf32>
    tpu.vector_store %arg15[%swap3A_938, %swap3A_939], %swap3A_942 {strides = array<i32>} : memref<24x128xf32, #tpu.memory_space<vmem>>, vector<1x16xf32>,
    %swap3A_943 = arith.constant 19 : i32
    %swap3A_944 = arith.index_cast %swap3A_943 : i32 to index
    %swap3A_945 = arith.constant 80 : index
    %swap3A_946 = tpu.vector_load %arg15[%swap3A_944, %swap3A_945] {strides = array<i32>} : memref<24x128xf32, #tpu.memory_space<vmem>>, vector<1x16xf32>,
    %swap3A_947 = vector.shape_cast %swap3A_946 : vector<1x16xf32> to vector<16xf32>
    %swap3A_948 = vector.shape_cast %broadcast_in_dim3A_1 : vector<16xf32> to vector<1x16xf32>
    tpu.vector_store %arg15[%swap3A_944, %swap3A_945], %swap3A_948 {strides = array<i32>} : memref<24x128xf32, #tpu.memory_space<vmem>>, vector<1x16xf32>,
    %swap3A_949 = arith.constant 19 : i32
    %swap3A_950 = arith.index_cast %swap3A_949 : i32 to index
    %swap3A_951 = arith.constant 96 : index
    %swap3A_952 = tpu.vector_load %arg15[%swap3A_950, %swap3A_951] {strides = array<i32>} : memref<24x128xf32, #tpu.memory_space<vmem>>, vector<1x16xf32>,
    %swap3A_953 = vector.shape_cast %swap3A_952 : vector<1x16xf32> to vector<16xf32>
    %swap3A_954 = vector.shape_cast %broadcast_in_dim3A_1 : vector<16xf32> to vector<1x16xf32>
    tpu.vector_store %arg15[%swap3A_950, %swap3A_951], %swap3A_954 {strides = array<i32>} : memref<24x128xf32, #tpu.memory_space<vmem>>, vector<1x16xf32>,
    %swap3A_955 = arith.constant 19 : i32
    %swap3A_956 = arith.index_cast %swap3A_955 : i32 to index
    %swap3A_957 = arith.constant 112 : index
    %swap3A_958 = tpu.vector_load %arg15[%swap3A_956, %swap3A_957] {strides = array<i32>} : memref<24x128xf32, #tpu.memory_space<vmem>>, vector<1x16xf32>,
    %swap3A_959 = vector.shape_cast %swap3A_958 : vector<1x16xf32> to vector<16xf32>
    %swap3A_960 = vector.shape_cast %broadcast_in_dim3A_1 : vector<16xf32> to vector<1x16xf32>
    tpu.vector_store %arg15[%swap3A_956, %swap3A_957], %swap3A_960 {strides = array<i32>} : memref<24x128xf32, #tpu.memory_space<vmem>>, vector<1x16xf32>,
    %swap3A_961 = arith.constant 20 : i32
    %swap3A_962 = arith.index_cast %swap3A_961 : i32 to index
    %swap3A_963 = arith.constant 0 : index
    %swap3A_964 = tpu.vector_load %arg15[%swap3A_962, %swap3A_963] {strides = array<i32>} : memref<24x128xf32, #tpu.memory_space<vmem>>, vector<1x16xf32>,
    %swap3A_965 = vector.shape_cast %swap3A_964 : vector<1x16xf32> to vector<16xf32>
    %swap3A_966 = vector.shape_cast %broadcast_in_dim3A_1 : vector<16xf32> to vector<1x16xf32>
    tpu.vector_store %arg15[%swap3A_962, %swap3A_963], %swap3A_966 {strides = array<i32>} : memref<24x128xf32, #tpu.memory_space<vmem>>, vector<1x16xf32>,
    %swap3A_967 = arith.constant 20 : i32
    %swap3A_968 = arith.index_cast %swap3A_967 : i32 to index
    %swap3A_969 = arith.constant 16 : index
    %swap3A_970 = tpu.vector_load %arg15[%swap3A_968, %swap3A_969] {strides = array<i32>} : memref<24x128xf32, #tpu.memory_space<vmem>>, vector<1x16xf32>,
    %swap3A_971 = vector.shape_cast %swap3A_970 : vector<1x16xf32> to vector<16xf32>
    %swap3A_972 = vector.shape_cast %broadcast_in_dim3A_1 : vector<16xf32> to vector<1x16xf32>
    tpu.vector_store %arg15[%swap3A_968, %swap3A_969], %swap3A_972 {strides = array<i32>} : memref<24x128xf32, #tpu.memory_space<vmem>>, vector<1x16xf32>,
    %swap3A_973 = arith.constant 20 : i32
    %swap3A_974 = arith.index_cast %swap3A_973 : i32 to index
    %swap3A_975 = arith.constant 32 : index
    %swap3A_976 = tpu.vector_load %arg15[%swap3A_974, %swap3A_975] {strides = array<i32>} : memref<24x128xf32, #tpu.memory_space<vmem>>, vector<1x16xf32>,
    %swap3A_977 = vector.shape_cast %swap3A_976 : vector<1x16xf32> to vector<16xf32>
    %swap3A_978 = vector.shape_cast %broadcast_in_dim3A_1 : vector<16xf32> to vector<1x16xf32>
    tpu.vector_store %arg15[%swap3A_974, %swap3A_975], %swap3A_978 {strides = array<i32>} : memref<24x128xf32, #tpu.memory_space<vmem>>, vector<1x16xf32>,
    %swap3A_979 = arith.constant 20 : i32
    %swap3A_980 = arith.index_cast %swap3A_979 : i32 to index
    %swap3A_981 = arith.constant 48 : index
    %swap3A_982 = tpu.vector_load %arg15[%swap3A_980, %swap3A_981] {strides = array<i32>} : memref<24x128xf32, #tpu.memory_space<vmem>>, vector<1x16xf32>,
    %swap3A_983 = vector.shape_cast %swap3A_982 : vector<1x16xf32> to vector<16xf32>
    %swap3A_984 = vector.shape_cast %broadcast_in_dim3A_1 : vector<16xf32> to vector<1x16xf32>
    tpu.vector_store %arg15[%swap3A_980, %swap3A_981], %swap3A_984 {strides = array<i32>} : memref<24x128xf32, #tpu.memory_space<vmem>>, vector<1x16xf32>,
    %swap3A_985 = arith.constant 20 : i32
    %swap3A_986 = arith.index_cast %swap3A_985 : i32 to index
    %swap3A_987 = arith.constant 64 : index
    %swap3A_988 = tpu.vector_load %arg15[%swap3A_986, %swap3A_987] {strides = array<i32>} : memref<24x128xf32, #tpu.memory_space<vmem>>, vector<1x16xf32>,
    %swap3A_989 = vector.shape_cast %swap3A_988 : vector<1x16xf32> to vector<16xf32>
    %swap3A_990 = vector.shape_cast %broadcast_in_dim3A_1 : vector<16xf32> to vector<1x16xf32>
    tpu.vector_store %arg15[%swap3A_986, %swap3A_987], %swap3A_990 {strides = array<i32>} : memref<24x128xf32, #tpu.memory_space<vmem>>, vector<1x16xf32>,
    %swap3A_991 = arith.constant 20 : i32
    %swap3A_992 = arith.index_cast %swap3A_991 : i32 to index
    %swap3A_993 = arith.constant 80 : index
    %swap3A_994 = tpu.vector_load %arg15[%swap3A_992, %swap3A_993] {strides = array<i32>} : memref<24x128xf32, #tpu.memory_space<vmem>>, vector<1x16xf32>,
    %swap3A_995 = vector.shape_cast %swap3A_994 : vector<1x16xf32> to vector<16xf32>
    %swap3A_996 = vector.shape_cast %broadcast_in_dim3A_1 : vector<16xf32> to vector<1x16xf32>
    tpu.vector_store %arg15[%swap3A_992, %swap3A_993], %swap3A_996 {strides = array<i32>} : memref<24x128xf32, #tpu.memory_space<vmem>>, vector<1x16xf32>,
    %swap3A_997 = arith.constant 20 : i32
    %swap3A_998 = arith.index_cast %swap3A_997 : i32 to index
    %swap3A_999 = arith.constant 96 : index
    %swap3A_1000 = tpu.vector_load %arg15[%swap3A_998, %swap3A_999] {strides = array<i32>} : memref<24x128xf32, #tpu.memory_space<vmem>>, vector<1x16xf32>,
    %swap3A_1001 = vector.shape_cast %swap3A_1000 : vector<1x16xf32> to vector<16xf32>
    %swap3A_1002 = vector.shape_cast %broadcast_in_dim3A_1 : vector<16xf32> to vector<1x16xf32>
    tpu.vector_store %arg15[%swap3A_998, %swap3A_999], %swap3A_1002 {strides = array<i32>} : memref<24x128xf32, #tpu.memory_space<vmem>>, vector<1x16xf32>,
    %swap3A_1003 = arith.constant 20 : i32
    %swap3A_1004 = arith.index_cast %swap3A_1003 : i32 to index
    %swap3A_1005 = arith.constant 112 : index
    %swap3A_1006 = tpu.vector_load %arg15[%swap3A_1004, %swap3A_1005] {strides = array<i32>} : memref<24x128xf32, #tpu.memory_space<vmem>>, vector<1x16xf32>,
    %swap3A_1007 = vector.shape_cast %swap3A_1006 : vector<1x16xf32> to vector<16xf32>
    %swap3A_1008 = vector.shape_cast %broadcast_in_dim3A_1 : vector<16xf32> to vector<1x16xf32>
    tpu.vector_store %arg15[%swap3A_1004, %swap3A_1005], %swap3A_1008 {strides = array<i32>} : memref<24x128xf32, #tpu.memory_space<vmem>>, vector<1x16xf32>,
    %swap3A_1009 = arith.constant 21 : i32
    %swap3A_1010 = arith.index_cast %swap3A_1009 : i32 to index
    %swap3A_1011 = arith.constant 0 : index
    %swap3A_1012 = tpu.vector_load %arg15[%swap3A_1010, %swap3A_1011] {strides = array<i32>} : memref<24x128xf32, #tpu.memory_space<vmem>>, vector<1x16xf32>,
    %swap3A_1013 = vector.shape_cast %swap3A_1012 : vector<1x16xf32> to vector<16xf32>
    %swap3A_1014 = vector.shape_cast %broadcast_in_dim3A_1 : vector<16xf32> to vector<1x16xf32>
    tpu.vector_store %arg15[%swap3A_1010, %swap3A_1011], %swap3A_1014 {strides = array<i32>} : memref<24x128xf32, #tpu.memory_space<vmem>>, vector<1x16xf32>,
    %swap3A_1015 = arith.constant 21 : i32
    %swap3A_1016 = arith.index_cast %swap3A_1015 : i32 to index
    %swap3A_1017 = arith.constant 16 : index
    %swap3A_1018 = tpu.vector_load %arg15[%swap3A_1016, %swap3A_1017] {strides = array<i32>} : memref<24x128xf32, #tpu.memory_space<vmem>>, vector<1x16xf32>,
    %swap3A_1019 = vector.shape_cast %swap3A_1018 : vector<1x16xf32> to vector<16xf32>
    %swap3A_1020 = vector.shape_cast %broadcast_in_dim3A_1 : vector<16xf32> to vector<1x16xf32>
    tpu.vector_store %arg15[%swap3A_1016, %swap3A_1017], %swap3A_1020 {strides = array<i32>} : memref<24x128xf32, #tpu.memory_space<vmem>>, vector<1x16xf32>,
    %swap3A_1021 = arith.constant 21 : i32
    %swap3A_1022 = arith.index_cast %swap3A_1021 : i32 to index
    %swap3A_1023 = arith.constant 32 : index
    %swap3A_1024 = tpu.vector_load %arg15[%swap3A_1022, %swap3A_1023] {strides = array<i32>} : memref<24x128xf32, #tpu.memory_space<vmem>>, vector<1x16xf32>,
    %swap3A_1025 = vector.shape_cast %swap3A_1024 : vector<1x16xf32> to vector<16xf32>
    %swap3A_1026 = vector.shape_cast %broadcast_in_dim3A_1 : vector<16xf32> to vector<1x16xf32>
    tpu.vector_store %arg15[%swap3A_1022, %swap3A_1023], %swap3A_1026 {strides = array<i32>} : memref<24x128xf32, #tpu.memory_space<vmem>>, vector<1x16xf32>,
    %swap3A_1027 = arith.constant 21 : i32
    %swap3A_1028 = arith.index_cast %swap3A_1027 : i32 to index
    %swap3A_1029 = arith.constant 48 : index
    %swap3A_1030 = tpu.vector_load %arg15[%swap3A_1028, %swap3A_1029] {strides = array<i32>} : memref<24x128xf32, #tpu.memory_space<vmem>>, vector<1x16xf32>,
    %swap3A_1031 = vector.shape_cast %swap3A_1030 : vector<1x16xf32> to vector<16xf32>
    %swap3A_1032 = vector.shape_cast %broadcast_in_dim3A_1 : vector<16xf32> to vector<1x16xf32>
    tpu.vector_store %arg15[%swap3A_1028, %swap3A_1029], %swap3A_1032 {strides = array<i32>} : memref<24x128xf32, #tpu.memory_space<vmem>>, vector<1x16xf32>,
    %swap3A_1033 = arith.constant 21 : i32
    %swap3A_1034 = arith.index_cast %swap3A_1033 : i32 to index
    %swap3A_1035 = arith.constant 64 : index
    %swap3A_1036 = tpu.vector_load %arg15[%swap3A_1034, %swap3A_1035] {strides = array<i32>} : memref<24x128xf32, #tpu.memory_space<vmem>>, vector<1x16xf32>,
    %swap3A_1037 = vector.shape_cast %swap3A_1036 : vector<1x16xf32> to vector<16xf32>
    %swap3A_1038 = vector.shape_cast %broadcast_in_dim3A_1 : vector<16xf32> to vector<1x16xf32>
    tpu.vector_store %arg15[%swap3A_1034, %swap3A_1035], %swap3A_1038 {strides = array<i32>} : memref<24x128xf32, #tpu.memory_space<vmem>>, vector<1x16xf32>,
    %swap3A_1039 = arith.constant 21 : i32
    %swap3A_1040 = arith.index_cast %swap3A_1039 : i32 to index
    %swap3A_1041 = arith.constant 80 : index
    %swap3A_1042 = tpu.vector_load %arg15[%swap3A_1040, %swap3A_1041] {strides = array<i32>} : memref<24x128xf32, #tpu.memory_space<vmem>>, vector<1x16xf32>,
    %swap3A_1043 = vector.shape_cast %swap3A_1042 : vector<1x16xf32> to vector<16xf32>
    %swap3A_1044 = vector.shape_cast %broadcast_in_dim3A_1 : vector<16xf32> to vector<1x16xf32>
    tpu.vector_store %arg15[%swap3A_1040, %swap3A_1041], %swap3A_1044 {strides = array<i32>} : memref<24x128xf32, #tpu.memory_space<vmem>>, vector<1x16xf32>,
    %swap3A_1045 = arith.constant 21 : i32
    %swap3A_1046 = arith.index_cast %swap3A_1045 : i32 to index
    %swap3A_1047 = arith.constant 96 : index
    %swap3A_1048 = tpu.vector_load %arg15[%swap3A_1046, %swap3A_1047] {strides = array<i32>} : memref<24x128xf32, #tpu.memory_space<vmem>>, vector<1x16xf32>,
    %swap3A_1049 = vector.shape_cast %swap3A_1048 : vector<1x16xf32> to vector<16xf32>
    %swap3A_1050 = vector.shape_cast %broadcast_in_dim3A_1 : vector<16xf32> to vector<1x16xf32>
    tpu.vector_store %arg15[%swap3A_1046, %swap3A_1047], %swap3A_1050 {strides = array<i32>} : memref<24x128xf32, #tpu.memory_space<vmem>>, vector<1x16xf32>,
    %swap3A_1051 = arith.constant 21 : i32
    %swap3A_1052 = arith.index_cast %swap3A_1051 : i32 to index
    %swap3A_1053 = arith.constant 112 : index
    %swap3A_1054 = tpu.vector_load %arg15[%swap3A_1052, %swap3A_1053] {strides = array<i32>} : memref<24x128xf32, #tpu.memory_space<vmem>>, vector<1x16xf32>,
    %swap3A_1055 = vector.shape_cast %swap3A_1054 : vector<1x16xf32> to vector<16xf32>
    %swap3A_1056 = vector.shape_cast %broadcast_in_dim3A_1 : vector<16xf32> to vector<1x16xf32>
    tpu.vector_store %arg15[%swap3A_1052, %swap3A_1053], %swap3A_1056 {strides = array<i32>} : memref<24x128xf32, #tpu.memory_space<vmem>>, vector<1x16xf32>,
    %swap3A_1057 = arith.constant 22 : i32
    %swap3A_1058 = arith.index_cast %swap3A_1057 : i32 to index
    %swap3A_1059 = arith.constant 0 : index
    %swap3A_1060 = tpu.vector_load %arg15[%swap3A_1058, %swap3A_1059] {strides = array<i32>} : memref<24x128xf32, #tpu.memory_space<vmem>>, vector<1x16xf32>,
    %swap3A_1061 = vector.shape_cast %swap3A_1060 : vector<1x16xf32> to vector<16xf32>
    %swap3A_1062 = vector.shape_cast %broadcast_in_dim3A_1 : vector<16xf32> to vector<1x16xf32>
    tpu.vector_store %arg15[%swap3A_1058, %swap3A_1059], %swap3A_1062 {strides = array<i32>} : memref<24x128xf32, #tpu.memory_space<vmem>>, vector<1x16xf32>,
    %swap3A_1063 = arith.constant 22 : i32
    %swap3A_1064 = arith.index_cast %swap3A_1063 : i32 to index
    %swap3A_1065 = arith.constant 16 : index
    %swap3A_1066 = tpu.vector_load %arg15[%swap3A_1064, %swap3A_1065] {strides = array<i32>} : memref<24x128xf32, #tpu.memory_space<vmem>>, vector<1x16xf32>,
    %swap3A_1067 = vector.shape_cast %swap3A_1066 : vector<1x16xf32> to vector<16xf32>
    %swap3A_1068 = vector.shape_cast %broadcast_in_dim3A_1 : vector<16xf32> to vector<1x16xf32>
    tpu.vector_store %arg15[%swap3A_1064, %swap3A_1065], %swap3A_1068 {strides = array<i32>} : memref<24x128xf32, #tpu.memory_space<vmem>>, vector<1x16xf32>,
    %swap3A_1069 = arith.constant 22 : i32
    %swap3A_1070 = arith.index_cast %swap3A_1069 : i32 to index
    %swap3A_1071 = arith.constant 32 : index
    %swap3A_1072 = tpu.vector_load %arg15[%swap3A_1070, %swap3A_1071] {strides = array<i32>} : memref<24x128xf32, #tpu.memory_space<vmem>>, vector<1x16xf32>,
    %swap3A_1073 = vector.shape_cast %swap3A_1072 : vector<1x16xf32> to vector<16xf32>
    %swap3A_1074 = vector.shape_cast %broadcast_in_dim3A_1 : vector<16xf32> to vector<1x16xf32>
    tpu.vector_store %arg15[%swap3A_1070, %swap3A_1071], %swap3A_1074 {strides = array<i32>} : memref<24x128xf32, #tpu.memory_space<vmem>>, vector<1x16xf32>,
    %swap3A_1075 = arith.constant 22 : i32
    %swap3A_1076 = arith.index_cast %swap3A_1075 : i32 to index
    %swap3A_1077 = arith.constant 48 : index
    %swap3A_1078 = tpu.vector_load %arg15[%swap3A_1076, %swap3A_1077] {strides = array<i32>} : memref<24x128xf32, #tpu.memory_space<vmem>>, vector<1x16xf32>,
    %swap3A_1079 = vector.shape_cast %swap3A_1078 : vector<1x16xf32> to vector<16xf32>
    %swap3A_1080 = vector.shape_cast %broadcast_in_dim3A_1 : vector<16xf32> to vector<1x16xf32>
    tpu.vector_store %arg15[%swap3A_1076, %swap3A_1077], %swap3A_1080 {strides = array<i32>} : memref<24x128xf32, #tpu.memory_space<vmem>>, vector<1x16xf32>,
    %swap3A_1081 = arith.constant 22 : i32
    %swap3A_1082 = arith.index_cast %swap3A_1081 : i32 to index
    %swap3A_1083 = arith.constant 64 : index
    %swap3A_1084 = tpu.vector_load %arg15[%swap3A_1082, %swap3A_1083] {strides = array<i32>} : memref<24x128xf32, #tpu.memory_space<vmem>>, vector<1x16xf32>,
    %swap3A_1085 = vector.shape_cast %swap3A_1084 : vector<1x16xf32> to vector<16xf32>
    %swap3A_1086 = vector.shape_cast %broadcast_in_dim3A_1 : vector<16xf32> to vector<1x16xf32>
    tpu.vector_store %arg15[%swap3A_1082, %swap3A_1083], %swap3A_1086 {strides = array<i32>} : memref<24x128xf32, #tpu.memory_space<vmem>>, vector<1x16xf32>,
    %swap3A_1087 = arith.constant 22 : i32
    %swap3A_1088 = arith.index_cast %swap3A_1087 : i32 to index
    %swap3A_1089 = arith.constant 80 : index
    %swap3A_1090 = tpu.vector_load %arg15[%swap3A_1088, %swap3A_1089] {strides = array<i32>} : memref<24x128xf32, #tpu.memory_space<vmem>>, vector<1x16xf32>,
    %swap3A_1091 = vector.shape_cast %swap3A_1090 : vector<1x16xf32> to vector<16xf32>
    %swap3A_1092 = vector.shape_cast %broadcast_in_dim3A_1 : vector<16xf32> to vector<1x16xf32>
    tpu.vector_store %arg15[%swap3A_1088, %swap3A_1089], %swap3A_1092 {strides = array<i32>} : memref<24x128xf32, #tpu.memory_space<vmem>>, vector<1x16xf32>,
    %swap3A_1093 = arith.constant 22 : i32
    %swap3A_1094 = arith.index_cast %swap3A_1093 : i32 to index
    %swap3A_1095 = arith.constant 96 : index
    %swap3A_1096 = tpu.vector_load %arg15[%swap3A_1094, %swap3A_1095] {strides = array<i32>} : memref<24x128xf32, #tpu.memory_space<vmem>>, vector<1x16xf32>,
    %swap3A_1097 = vector.shape_cast %swap3A_1096 : vector<1x16xf32> to vector<16xf32>
    %swap3A_1098 = vector.shape_cast %broadcast_in_dim3A_1 : vector<16xf32> to vector<1x16xf32>
    tpu.vector_store %arg15[%swap3A_1094, %swap3A_1095], %swap3A_1098 {strides = array<i32>} : memref<24x128xf32, #tpu.memory_space<vmem>>, vector<1x16xf32>,
    %swap3A_1099 = arith.constant 22 : i32
    %swap3A_1100 = arith.index_cast %swap3A_1099 : i32 to index
    %swap3A_1101 = arith.constant 112 : index
    %swap3A_1102 = tpu.vector_load %arg15[%swap3A_1100, %swap3A_1101] {strides = array<i32>} : memref<24x128xf32, #tpu.memory_space<vmem>>, vector<1x16xf32>,
    %swap3A_1103 = vector.shape_cast %swap3A_1102 : vector<1x16xf32> to vector<16xf32>
    %swap3A_1104 = vector.shape_cast %broadcast_in_dim3A_1 : vector<16xf32> to vector<1x16xf32>
    tpu.vector_store %arg15[%swap3A_1100, %swap3A_1101], %swap3A_1104 {strides = array<i32>} : memref<24x128xf32, #tpu.memory_space<vmem>>, vector<1x16xf32>,
    %swap3A_1105 = arith.constant 23 : i32
    %swap3A_1106 = arith.index_cast %swap3A_1105 : i32 to index
    %swap3A_1107 = arith.constant 0 : index
    %swap3A_1108 = tpu.vector_load %arg15[%swap3A_1106, %swap3A_1107] {strides = array<i32>} : memref<24x128xf32, #tpu.memory_space<vmem>>, vector<1x16xf32>,
    %swap3A_1109 = vector.shape_cast %swap3A_1108 : vector<1x16xf32> to vector<16xf32>
    %swap3A_1110 = vector.shape_cast %broadcast_in_dim3A_1 : vector<16xf32> to vector<1x16xf32>
    tpu.vector_store %arg15[%swap3A_1106, %swap3A_1107], %swap3A_1110 {strides = array<i32>} : memref<24x128xf32, #tpu.memory_space<vmem>>, vector<1x16xf32>,
    %swap3A_1111 = arith.constant 23 : i32
    %swap3A_1112 = arith.index_cast %swap3A_1111 : i32 to index
    %swap3A_1113 = arith.constant 16 : index
    %swap3A_1114 = tpu.vector_load %arg15[%swap3A_1112, %swap3A_1113] {strides = array<i32>} : memref<24x128xf32, #tpu.memory_space<vmem>>, vector<1x16xf32>,
    %swap3A_1115 = vector.shape_cast %swap3A_1114 : vector<1x16xf32> to vector<16xf32>
    %swap3A_1116 = vector.shape_cast %broadcast_in_dim3A_1 : vector<16xf32> to vector<1x16xf32>
    tpu.vector_store %arg15[%swap3A_1112, %swap3A_1113], %swap3A_1116 {strides = array<i32>} : memref<24x128xf32, #tpu.memory_space<vmem>>, vector<1x16xf32>,
    %swap3A_1117 = arith.constant 23 : i32
    %swap3A_1118 = arith.index_cast %swap3A_1117 : i32 to index
    %swap3A_1119 = arith.constant 32 : index
    %swap3A_1120 = tpu.vector_load %arg15[%swap3A_1118, %swap3A_1119] {strides = array<i32>} : memref<24x128xf32, #tpu.memory_space<vmem>>, vector<1x16xf32>,
    %swap3A_1121 = vector.shape_cast %swap3A_1120 : vector<1x16xf32> to vector<16xf32>
    %swap3A_1122 = vector.shape_cast %broadcast_in_dim3A_1 : vector<16xf32> to vector<1x16xf32>
    tpu.vector_store %arg15[%swap3A_1118, %swap3A_1119], %swap3A_1122 {strides = array<i32>} : memref<24x128xf32, #tpu.memory_space<vmem>>, vector<1x16xf32>,
    %swap3A_1123 = arith.constant 23 : i32
    %swap3A_1124 = arith.index_cast %swap3A_1123 : i32 to index
    %swap3A_1125 = arith.constant 48 : index
    %swap3A_1126 = tpu.vector_load %arg15[%swap3A_1124, %swap3A_1125] {strides = array<i32>} : memref<24x128xf32, #tpu.memory_space<vmem>>, vector<1x16xf32>,
    %swap3A_1127 = vector.shape_cast %swap3A_1126 : vector<1x16xf32> to vector<16xf32>
    %swap3A_1128 = vector.shape_cast %broadcast_in_dim3A_1 : vector<16xf32> to vector<1x16xf32>
    tpu.vector_store %arg15[%swap3A_1124, %swap3A_1125], %swap3A_1128 {strides = array<i32>} : memref<24x128xf32, #tpu.memory_space<vmem>>, vector<1x16xf32>,
    %swap3A_1129 = arith.constant 23 : i32
    %swap3A_1130 = arith.index_cast %swap3A_1129 : i32 to index
    %swap3A_1131 = arith.constant 64 : index
    %swap3A_1132 = tpu.vector_load %arg15[%swap3A_1130, %swap3A_1131] {strides = array<i32>} : memref<24x128xf32, #tpu.memory_space<vmem>>, vector<1x16xf32>,
    %swap3A_1133 = vector.shape_cast %swap3A_1132 : vector<1x16xf32> to vector<16xf32>
    %swap3A_1134 = vector.shape_cast %broadcast_in_dim3A_1 : vector<16xf32> to vector<1x16xf32>
    tpu.vector_store %arg15[%swap3A_1130, %swap3A_1131], %swap3A_1134 {strides = array<i32>} : memref<24x128xf32, #tpu.memory_space<vmem>>, vector<1x16xf32>,
    %swap3A_1135 = arith.constant 23 : i32
    %swap3A_1136 = arith.index_cast %swap3A_1135 : i32 to index
    %swap3A_1137 = arith.constant 80 : index
    %swap3A_1138 = tpu.vector_load %arg15[%swap3A_1136, %swap3A_1137] {strides = array<i32>} : memref<24x128xf32, #tpu.memory_space<vmem>>, vector<1x16xf32>,
    %swap3A_1139 = vector.shape_cast %swap3A_1138 : vector<1x16xf32> to vector<16xf32>
    %swap3A_1140 = vector.shape_cast %broadcast_in_dim3A_1 : vector<16xf32> to vector<1x16xf32>
    tpu.vector_store %arg15[%swap3A_1136, %swap3A_1137], %swap3A_1140 {strides = array<i32>} : memref<24x128xf32, #tpu.memory_space<vmem>>, vector<1x16xf32>,
    %swap3A_1141 = arith.constant 23 : i32
    %swap3A_1142 = arith.index_cast %swap3A_1141 : i32 to index
    %swap3A_1143 = arith.constant 96 : index
    %swap3A_1144 = tpu.vector_load %arg15[%swap3A_1142, %swap3A_1143] {strides = array<i32>} : memref<24x128xf32, #tpu.memory_space<vmem>>, vector<1x16xf32>,
    %swap3A_1145 = vector.shape_cast %swap3A_1144 : vector<1x16xf32> to vector<16xf32>
    %swap3A_1146 = vector.shape_cast %broadcast_in_dim3A_1 : vector<16xf32> to vector<1x16xf32>
    tpu.vector_store %arg15[%swap3A_1142, %swap3A_1143], %swap3A_1146 {strides = array<i32>} : memref<24x128xf32, #tpu.memory_space<vmem>>, vector<1x16xf32>,
    %swap3A_1147 = arith.constant 23 : i32
    %swap3A_1148 = arith.index_cast %swap3A_1147 : i32 to index
    %swap3A_1149 = arith.constant 112 : index
    %swap3A_1150 = tpu.vector_load %arg15[%swap3A_1148, %swap3A_1149] {strides = array<i32>} : memref<24x128xf32, #tpu.memory_space<vmem>>, vector<1x16xf32>,
    %swap3A_1151 = vector.shape_cast %swap3A_1150 : vector<1x16xf32> to vector<16xf32>
    %swap3A_1152 = vector.shape_cast %broadcast_in_dim3A_1 : vector<16xf32> to vector<1x16xf32>
    tpu.vector_store %arg15[%swap3A_1148, %swap3A_1149], %swap3A_1152 {strides = array<i32>} : memref<24x128xf32, #tpu.memory_space<vmem>>, vector<1x16xf32>,
    %mul3A_1153 = arith.constant 648 : i32
    %mul3A_1154 = arith.muli %arg1, %mul3A_1153 : i32
    %scan3A = arith.constant 0 : i32
    %scan3A_1155 = arith.constant 0 : i32
    %scan3A_1156 = arith.constant 27 : i32
    %scan3A_1157 = arith.addi %scan3A_1155, %scan3A_1156 : i32
    %scan3A_1158 = arith.constant 1 : i32
    scf.for %scan3A_1221 = %scan3A_1155 to %scan3A_1157 step %scan3A_1158  : i32 {
      %mul3A_1222 = arith.constant 24 : i32
      %mul3A_1223 = arith.muli %scan3A_1221, %mul3A_1222 : i32
      %add3A_1224 = arith.addi %mul3A_1154, %mul3A_1223 : i32
      "tpu.region"() ({
        %run_scoped3A = tpu.sem_alloc : memref<!tpu.dma_semaphore, #tpu.memory_space<semaphore_mem>>
        %dma_start3A_1225 = arith.constant 0 : i32
        %dma_start3A_1226 = tpu.memref_slice %arg6[%add3A_1224, %dma_start3A_1225] : memref<10368x128xf32, #tpu.memory_space<vmem_shared>> -> memref<24x128xf32, #tpu.memory_space<vmem_shared>>
        %dma_start3A_1227 = arith.constant 0 : i32
        %dma_start3A_1228 = tpu.memref_slice %arg6[%add3A_1224, %dma_start3A_1227] : memref<10368x128xf32, #tpu.memory_space<vmem_shared>> -> memref<24x128xf32, #tpu.memory_space<vmem_shared>>
        tpu.enqueue_dma source(%arg15 : memref<24x128xf32, #tpu.memory_space<vmem>>) target(%dma_start3A_1228 : memref<24x128xf32, #tpu.memory_space<vmem_shared>>) target_semaphore(%run_scoped3A : memref<!tpu.dma_semaphore, #tpu.memory_space<semaphore_mem>>)
        %dma_wait3A_1229 = arith.constant 0 : i32
        %dma_wait3A_1230 = tpu.memref_slice %arg6[%add3A_1224, %dma_wait3A_1229] : memref<10368x128xf32, #tpu.memory_space<vmem_shared>> -> memref<24x128xf32, #tpu.memory_space<vmem_shared>>
        %dma_wait3A_1231 = arith.constant 0 : i32
        %dma_wait3A_1232 = tpu.memref_slice %arg6[%add3A_1224, %dma_wait3A_1231] : memref<10368x128xf32, #tpu.memory_space<vmem_shared>> -> memref<24x128xf32, #tpu.memory_space<vmem_shared>>
        tpu.wait_dma2 semaphore(%run_scoped3A : memref<!tpu.dma_semaphore, #tpu.memory_space<semaphore_mem>>) src(%arg15 : memref<24x128xf32, #tpu.memory_space<vmem>>) dst(%dma_wait3A_1232 : memref<24x128xf32, #tpu.memory_space<vmem_shared>>)
        tpu.yield
      }) : () -> ()
    }
    %scan3A_1159 = arith.constant 27 : i32
    %barrier3A = arith.constant 0 : index
    tpu.barrier barrier_id(%barrier3A)
    %mul3A_1160 = arith.constant 320 : i32
    %mul3A_1161 = arith.muli %add3A, %mul3A_1160 : i32
    %add3A_1162 = arith.constant 0 : i32
    %add3A_1163 = arith.addi %mul3A_1161, %add3A_1162 : i32
    %dma_start3A = arith.constant 0 : i32
    %dma_start3A_1164 = tpu.memref_slice %arg3[%add3A_1163, %dma_start3A] : memref<10244x64xi32, #tpu.memory_space<hbm>> -> memref<4x64xi32, #tpu.memory_space<hbm>>
    %dma_start3A_1165 = arith.constant 0 : i32
    %dma_start3A_1166 = tpu.memref_slice %arg3[%add3A_1163, %dma_start3A_1165] : memref<10244x64xi32, #tpu.memory_space<hbm>> -> memref<4x64xi32, #tpu.memory_space<hbm>>
    tpu.enqueue_dma source(%dma_start3A_1166 : memref<4x64xi32, #tpu.memory_space<hbm>>) target(%arg7 : memref<4x64xi32, #tpu.memory_space<vmem>>) target_semaphore(%arg24 : memref<!tpu.dma_semaphore, #tpu.memory_space<semaphore_mem>>)
    %dma_start3A_1167 = arith.constant 0 : i32
    %dma_start3A_1168 = tpu.memref_slice %arg4[%add3A_1163, %dma_start3A_1167] : memref<10244x64xi32, #tpu.memory_space<hbm>> -> memref<4x64xi32, #tpu.memory_space<hbm>>
    %dma_start3A_1169 = arith.constant 0 : i32
    %dma_start3A_1170 = tpu.memref_slice %arg4[%add3A_1163, %dma_start3A_1169] : memref<10244x64xi32, #tpu.memory_space<hbm>> -> memref<4x64xi32, #tpu.memory_space<hbm>>
    tpu.enqueue_dma source(%dma_start3A_1170 : memref<4x64xi32, #tpu.memory_space<hbm>>) target(%arg9 : memref<4x64xi32, #tpu.memory_space<vmem>>) target_semaphore(%arg24 : memref<!tpu.dma_semaphore, #tpu.memory_space<semaphore_mem>>)
    %scan3A_1171 = arith.constant 0 : i32
    %scan3A_1172 = arith.constant 0 : i32
    %scan3A_1173 = arith.constant 40 : i32
    %scan3A_1174 = arith.addi %scan3A_1172, %scan3A_1173 : i32
    %scan3A_1175 = arith.constant 1 : i32
    scf.for %scan3A_1221 = %scan3A_1172 to %scan3A_1174 step %scan3A_1175  : i32 {
      %mul3A_1222 = arith.constant 2 : i32
      %mul3A_1223 = arith.muli %mul3A_1222, %scan3A_1221 : i32
      %add3A_1224 = arith.constant 0 : i32
      %add3A_1225 = arith.addi %mul3A_1223, %add3A_1224 : i32
      %dma_wait3A_1226 = arith.constant 0 : i32
      %dma_wait3A_1227 = arith.constant 0 : i32
      %dma_wait3A_1228 = tpu.memref_slice %arg3[%dma_wait3A_1226, %dma_wait3A_1227] : memref<10244x64xi32, #tpu.memory_space<hbm>> -> memref<4x64xi32, #tpu.memory_space<hbm>>
      %dma_wait3A_1229 = arith.constant 0 : i32
      %dma_wait3A_1230 = arith.constant 0 : i32
      %dma_wait3A_1231 = tpu.memref_slice %arg3[%dma_wait3A_1229, %dma_wait3A_1230] : memref<10244x64xi32, #tpu.memory_space<hbm>> -> memref<4x64xi32, #tpu.memory_space<hbm>>
      tpu.wait_dma2 semaphore(%arg24 : memref<!tpu.dma_semaphore, #tpu.memory_space<semaphore_mem>>) src(%dma_wait3A_1231 : memref<4x64xi32, #tpu.memory_space<hbm>>) dst(%arg7 : memref<4x64xi32, #tpu.memory_space<vmem>>)
      %dma_wait3A_1232 = arith.constant 0 : i32
      %dma_wait3A_1233 = arith.constant 0 : i32
      %dma_wait3A_1234 = tpu.memref_slice %arg4[%dma_wait3A_1232, %dma_wait3A_1233] : memref<10244x64xi32, #tpu.memory_space<hbm>> -> memref<4x64xi32, #tpu.memory_space<hbm>>
      %dma_wait3A_1235 = arith.constant 0 : i32
      %dma_wait3A_1236 = arith.constant 0 : i32
      %dma_wait3A_1237 = tpu.memref_slice %arg4[%dma_wait3A_1235, %dma_wait3A_1236] : memref<10244x64xi32, #tpu.memory_space<hbm>> -> memref<4x64xi32, #tpu.memory_space<hbm>>
      tpu.wait_dma2 semaphore(%arg24 : memref<!tpu.dma_semaphore, #tpu.memory_space<semaphore_mem>>) src(%dma_wait3A_1237 : memref<4x64xi32, #tpu.memory_space<hbm>>) dst(%arg9 : memref<4x64xi32, #tpu.memory_space<vmem>>)
      %gt3A = arith.constant 0 : i32
      %gt3A_1238 = arith.cmpi sgt, %add3A_1225, %gt3A : i32
      %convert_element_type3A = arith.extui %gt3A_1238 : i1 to i32
      %cond3A = arith.constant 0 : i32
      %cond3A_1239 = arith.cmpi ne, %convert_element_type3A, %cond3A : i32
      scf.if %cond3A_1239 {
        %dma_wait3A_1485 = arith.constant 0 : i32
        %dma_wait3A_1486 = arith.constant 0 : i32
        %dma_wait3A_1487 = tpu.memref_slice %arg10[%dma_wait3A_1485, %dma_wait3A_1486] : memref<4x64xi32, #tpu.memory_space<vmem>> -> memref<1x64xi32, #tpu.memory_space<vmem>>
        %dma_wait3A_1488 = tpu.memref_squeeze %dma_wait3A_1487 : memref<1x64xi32, #tpu.memory_space<vmem>> -> memref<64xi32, #tpu.memory_space<vmem>>
        %dma_wait3A_1489 = arith.constant 0 : i32
        %dma_wait3A_1490 = arith.constant 0 : i32
        %dma_wait3A_1491 = tpu.memref_slice %arg6[%dma_wait3A_1489, %dma_wait3A_1490] : memref<10368x128xf32, #tpu.memory_space<vmem_shared>> -> memref<10368x128xf32, #tpu.memory_space<vmem_shared>>
        tpu.wait_indirect_dma semaphore(%arg20 : memref<!tpu.dma_semaphore, #tpu.memory_space<semaphore_mem>>) src(%arg11 : memref<64x128xf32, #tpu.memory_space<vmem>>) dst(%dma_wait3A_1491 : memref<10368x128xf32, #tpu.memory_space<vmem_shared>>)
      } else {
      }
      %dma_start3A_1240 = arith.constant 0 : i32
      %dma_start3A_1241 = arith.constant 0 : i32
      %dma_start3A_1242 = tpu.memref_slice %arg7[%dma_start3A_1240, %dma_start3A_1241] : memref<4x64xi32, #tpu.memory_space<vmem>> -> memref<1x64xi32, #tpu.memory_space<vmem>>
      %dma_start3A_1243 = tpu.memref_squeeze %dma_start3A_1242 : memref<1x64xi32, #tpu.memory_space<vmem>> -> memref<64xi32, #tpu.memory_space<vmem>>
      %dma_start3A_1244 = arith.constant 0 : i32
      %dma_start3A_1245 = arith.constant 0 : i32
      %dma_start3A_1246 = tpu.memref_slice %arg2[%dma_start3A_1244, %dma_start3A_1245] : memref<10240x128xf32, #tpu.memory_space<hbm>> -> memref<10240x128xf32, #tpu.memory_space<hbm>>
      tpu.enqueue_indirect_dma source(%dma_start3A_1246 : memref<10240x128xf32, #tpu.memory_space<hbm>>) target(%arg11 : memref<64x128xf32, #tpu.memory_space<vmem>>) offsets(%dma_start3A_1243 : memref<64xi32, #tpu.memory_space<vmem>>) semaphore(%arg16 : memref<!tpu.dma_semaphore, #tpu.memory_space<semaphore_mem>>)
      %gt3A_1247 = arith.constant 0 : i32
      %gt3A_1248 = arith.cmpi sgt, %add3A_1225, %gt3A_1247 : i32
      %convert_element_type3A_1249 = arith.extui %gt3A_1248 : i1 to i32
      %cond3A_1250 = arith.constant 0 : i32
      %cond3A_1251 = arith.cmpi ne, %convert_element_type3A_1249, %cond3A_1250 : i32
      scf.if %cond3A_1251 {
        %dma_wait3A_1485 = arith.constant 1 : i32
        %dma_wait3A_1486 = arith.constant 0 : i32
        %dma_wait3A_1487 = tpu.memref_slice %arg10[%dma_wait3A_1485, %dma_wait3A_1486] : memref<4x64xi32, #tpu.memory_space<vmem>> -> memref<1x64xi32, #tpu.memory_space<vmem>>
        %dma_wait3A_1488 = tpu.memref_squeeze %dma_wait3A_1487 : memref<1x64xi32, #tpu.memory_space<vmem>> -> memref<64xi32, #tpu.memory_space<vmem>>
        %dma_wait3A_1489 = arith.constant 0 : i32
        %dma_wait3A_1490 = arith.constant 0 : i32
        %dma_wait3A_1491 = tpu.memref_slice %arg6[%dma_wait3A_1489, %dma_wait3A_1490] : memref<10368x128xf32, #tpu.memory_space<vmem_shared>> -> memref<10368x128xf32, #tpu.memory_space<vmem_shared>>
        tpu.wait_indirect_dma semaphore(%arg21 : memref<!tpu.dma_semaphore, #tpu.memory_space<semaphore_mem>>) src(%arg12 : memref<64x128xf32, #tpu.memory_space<vmem>>) dst(%dma_wait3A_1491 : memref<10368x128xf32, #tpu.memory_space<vmem_shared>>)
      } else {
      }
      %dma_start3A_1252 = arith.constant 1 : i32
      %dma_start3A_1253 = arith.constant 0 : i32
      %dma_start3A_1254 = tpu.memref_slice %arg7[%dma_start3A_1252, %dma_start3A_1253] : memref<4x64xi32, #tpu.memory_space<vmem>> -> memref<1x64xi32, #tpu.memory_space<vmem>>
      %dma_start3A_1255 = tpu.memref_squeeze %dma_start3A_1254 : memref<1x64xi32, #tpu.memory_space<vmem>> -> memref<64xi32, #tpu.memory_space<vmem>>
      %dma_start3A_1256 = arith.constant 0 : i32
      %dma_start3A_1257 = arith.constant 0 : i32
      %dma_start3A_1258 = tpu.memref_slice %arg2[%dma_start3A_1256, %dma_start3A_1257] : memref<10240x128xf32, #tpu.memory_space<hbm>> -> memref<10240x128xf32, #tpu.memory_space<hbm>>
      tpu.enqueue_indirect_dma source(%dma_start3A_1258 : memref<10240x128xf32, #tpu.memory_space<hbm>>) target(%arg12 : memref<64x128xf32, #tpu.memory_space<vmem>>) offsets(%dma_start3A_1255 : memref<64xi32, #tpu.memory_space<vmem>>) semaphore(%arg17 : memref<!tpu.dma_semaphore, #tpu.memory_space<semaphore_mem>>)
      %gt3A_1259 = arith.constant 0 : i32
      %gt3A_1260 = arith.cmpi sgt, %add3A_1225, %gt3A_1259 : i32
      %convert_element_type3A_1261 = arith.extui %gt3A_1260 : i1 to i32
      %cond3A_1262 = arith.constant 0 : i32
      %cond3A_1263 = arith.cmpi ne, %convert_element_type3A_1261, %cond3A_1262 : i32
      scf.if %cond3A_1263 {
        %dma_wait3A_1485 = arith.constant 2 : i32
        %dma_wait3A_1486 = arith.constant 0 : i32
        %dma_wait3A_1487 = tpu.memref_slice %arg10[%dma_wait3A_1485, %dma_wait3A_1486] : memref<4x64xi32, #tpu.memory_space<vmem>> -> memref<1x64xi32, #tpu.memory_space<vmem>>
        %dma_wait3A_1488 = tpu.memref_squeeze %dma_wait3A_1487 : memref<1x64xi32, #tpu.memory_space<vmem>> -> memref<64xi32, #tpu.memory_space<vmem>>
        %dma_wait3A_1489 = arith.constant 0 : i32
        %dma_wait3A_1490 = arith.constant 0 : i32
        %dma_wait3A_1491 = tpu.memref_slice %arg6[%dma_wait3A_1489, %dma_wait3A_1490] : memref<10368x128xf32, #tpu.memory_space<vmem_shared>> -> memref<10368x128xf32, #tpu.memory_space<vmem_shared>>
        tpu.wait_indirect_dma semaphore(%arg22 : memref<!tpu.dma_semaphore, #tpu.memory_space<semaphore_mem>>) src(%arg13 : memref<64x128xf32, #tpu.memory_space<vmem>>) dst(%dma_wait3A_1491 : memref<10368x128xf32, #tpu.memory_space<vmem_shared>>)
      } else {
      }
      %dma_start3A_1264 = arith.constant 2 : i32
      %dma_start3A_1265 = arith.constant 0 : i32
      %dma_start3A_1266 = tpu.memref_slice %arg7[%dma_start3A_1264, %dma_start3A_1265] : memref<4x64xi32, #tpu.memory_space<vmem>> -> memref<1x64xi32, #tpu.memory_space<vmem>>
      %dma_start3A_1267 = tpu.memref_squeeze %dma_start3A_1266 : memref<1x64xi32, #tpu.memory_space<vmem>> -> memref<64xi32, #tpu.memory_space<vmem>>
      %dma_start3A_1268 = arith.constant 0 : i32
      %dma_start3A_1269 = arith.constant 0 : i32
      %dma_start3A_1270 = tpu.memref_slice %arg2[%dma_start3A_1268, %dma_start3A_1269] : memref<10240x128xf32, #tpu.memory_space<hbm>> -> memref<10240x128xf32, #tpu.memory_space<hbm>>
      tpu.enqueue_indirect_dma source(%dma_start3A_1270 : memref<10240x128xf32, #tpu.memory_space<hbm>>) target(%arg13 : memref<64x128xf32, #tpu.memory_space<vmem>>) offsets(%dma_start3A_1267 : memref<64xi32, #tpu.memory_space<vmem>>) semaphore(%arg18 : memref<!tpu.dma_semaphore, #tpu.memory_space<semaphore_mem>>)
      %gt3A_1271 = arith.constant 0 : i32
      %gt3A_1272 = arith.cmpi sgt, %add3A_1225, %gt3A_1271 : i32
      %convert_element_type3A_1273 = arith.extui %gt3A_1272 : i1 to i32
      %cond3A_1274 = arith.constant 0 : i32
      %cond3A_1275 = arith.cmpi ne, %convert_element_type3A_1273, %cond3A_1274 : i32
      scf.if %cond3A_1275 {
        %dma_wait3A_1485 = arith.constant 3 : i32
        %dma_wait3A_1486 = arith.constant 0 : i32
        %dma_wait3A_1487 = tpu.memref_slice %arg10[%dma_wait3A_1485, %dma_wait3A_1486] : memref<4x64xi32, #tpu.memory_space<vmem>> -> memref<1x64xi32, #tpu.memory_space<vmem>>
        %dma_wait3A_1488 = tpu.memref_squeeze %dma_wait3A_1487 : memref<1x64xi32, #tpu.memory_space<vmem>> -> memref<64xi32, #tpu.memory_space<vmem>>
        %dma_wait3A_1489 = arith.constant 0 : i32
        %dma_wait3A_1490 = arith.constant 0 : i32
        %dma_wait3A_1491 = tpu.memref_slice %arg6[%dma_wait3A_1489, %dma_wait3A_1490] : memref<10368x128xf32, #tpu.memory_space<vmem_shared>> -> memref<10368x128xf32, #tpu.memory_space<vmem_shared>>
        tpu.wait_indirect_dma semaphore(%arg23 : memref<!tpu.dma_semaphore, #tpu.memory_space<semaphore_mem>>) src(%arg14 : memref<64x128xf32, #tpu.memory_space<vmem>>) dst(%dma_wait3A_1491 : memref<10368x128xf32, #tpu.memory_space<vmem_shared>>)
      } else {
      }
      %dma_start3A_1276 = arith.constant 3 : i32
      %dma_start3A_1277 = arith.constant 0 : i32
      %dma_start3A_1278 = tpu.memref_slice %arg7[%dma_start3A_1276, %dma_start3A_1277] : memref<4x64xi32, #tpu.memory_space<vmem>> -> memref<1x64xi32, #tpu.memory_space<vmem>>
      %dma_start3A_1279 = tpu.memref_squeeze %dma_start3A_1278 : memref<1x64xi32, #tpu.memory_space<vmem>> -> memref<64xi32, #tpu.memory_space<vmem>>
      %dma_start3A_1280 = arith.constant 0 : i32
      %dma_start3A_1281 = arith.constant 0 : i32
      %dma_start3A_1282 = tpu.memref_slice %arg2[%dma_start3A_1280, %dma_start3A_1281] : memref<10240x128xf32, #tpu.memory_space<hbm>> -> memref<10240x128xf32, #tpu.memory_space<hbm>>
      tpu.enqueue_indirect_dma source(%dma_start3A_1282 : memref<10240x128xf32, #tpu.memory_space<hbm>>) target(%arg14 : memref<64x128xf32, #tpu.memory_space<vmem>>) offsets(%dma_start3A_1279 : memref<64xi32, #tpu.memory_space<vmem>>) semaphore(%arg19 : memref<!tpu.dma_semaphore, #tpu.memory_space<semaphore_mem>>)
      %add3A_1283 = arith.constant 1 : i32
      %add3A_1284 = arith.addi %add3A_1225, %add3A_1283 : i32
      %mul3A_1285 = arith.constant 4 : i32
      %mul3A_1286 = arith.muli %add3A_1284, %mul3A_1285 : i32
      %add3A_1287 = arith.addi %mul3A_1161, %mul3A_1286 : i32
      %dma_start3A_1288 = arith.constant 0 : i32
      %dma_start3A_1289 = tpu.memref_slice %arg3[%add3A_1287, %dma_start3A_1288] : memref<10244x64xi32, #tpu.memory_space<hbm>> -> memref<4x64xi32, #tpu.memory_space<hbm>>
      %dma_start3A_1290 = arith.constant 0 : i32
      %dma_start3A_1291 = tpu.memref_slice %arg3[%add3A_1287, %dma_start3A_1290] : memref<10244x64xi32, #tpu.memory_space<hbm>> -> memref<4x64xi32, #tpu.memory_space<hbm>>
      tpu.enqueue_dma source(%dma_start3A_1291 : memref<4x64xi32, #tpu.memory_space<hbm>>) target(%arg8 : memref<4x64xi32, #tpu.memory_space<vmem>>) target_semaphore(%arg25 : memref<!tpu.dma_semaphore, #tpu.memory_space<semaphore_mem>>)
      %dma_start3A_1292 = arith.constant 0 : i32
      %dma_start3A_1293 = tpu.memref_slice %arg4[%add3A_1287, %dma_start3A_1292] : memref<10244x64xi32, #tpu.memory_space<hbm>> -> memref<4x64xi32, #tpu.memory_space<hbm>>
      %dma_start3A_1294 = arith.constant 0 : i32
      %dma_start3A_1295 = tpu.memref_slice %arg4[%add3A_1287, %dma_start3A_1294] : memref<10244x64xi32, #tpu.memory_space<hbm>> -> memref<4x64xi32, #tpu.memory_space<hbm>>
      tpu.enqueue_dma source(%dma_start3A_1295 : memref<4x64xi32, #tpu.memory_space<hbm>>) target(%arg10 : memref<4x64xi32, #tpu.memory_space<vmem>>) target_semaphore(%arg25 : memref<!tpu.dma_semaphore, #tpu.memory_space<semaphore_mem>>)
      %dma_wait3A_1296 = arith.constant 0 : i32
      %dma_wait3A_1297 = arith.constant 0 : i32
      %dma_wait3A_1298 = tpu.memref_slice %arg7[%dma_wait3A_1296, %dma_wait3A_1297] : memref<4x64xi32, #tpu.memory_space<vmem>> -> memref<1x64xi32, #tpu.memory_space<vmem>>
      %dma_wait3A_1299 = tpu.memref_squeeze %dma_wait3A_1298 : memref<1x64xi32, #tpu.memory_space<vmem>> -> memref<64xi32, #tpu.memory_space<vmem>>
      %dma_wait3A_1300 = arith.constant 0 : i32
      %dma_wait3A_1301 = arith.constant 0 : i32
      %dma_wait3A_1302 = tpu.memref_slice %arg2[%dma_wait3A_1300, %dma_wait3A_1301] : memref<10240x128xf32, #tpu.memory_space<hbm>> -> memref<10240x128xf32, #tpu.memory_space<hbm>>
      tpu.wait_indirect_dma semaphore(%arg16 : memref<!tpu.dma_semaphore, #tpu.memory_space<semaphore_mem>>) src(%dma_wait3A_1302 : memref<10240x128xf32, #tpu.memory_space<hbm>>) dst(%arg11 : memref<64x128xf32, #tpu.memory_space<vmem>>)
      %dma_start3A_1303 = arith.constant 0 : i32
      %dma_start3A_1304 = arith.constant 0 : i32
      %dma_start3A_1305 = tpu.memref_slice %arg9[%dma_start3A_1303, %dma_start3A_1304] : memref<4x64xi32, #tpu.memory_space<vmem>> -> memref<1x64xi32, #tpu.memory_space<vmem>>
      %dma_start3A_1306 = tpu.memref_squeeze %dma_start3A_1305 : memref<1x64xi32, #tpu.memory_space<vmem>> -> memref<64xi32, #tpu.memory_space<vmem>>
      %dma_start3A_1307 = arith.constant 0 : i32
      %dma_start3A_1308 = arith.constant 0 : i32
      %dma_start3A_1309 = tpu.memref_slice %arg6[%dma_start3A_1307, %dma_start3A_1308] : memref<10368x128xf32, #tpu.memory_space<vmem_shared>> -> memref<10368x128xf32, #tpu.memory_space<vmem_shared>>
      tpu.enqueue_indirect_dma source(%arg11 : memref<64x128xf32, #tpu.memory_space<vmem>>) target(%dma_start3A_1309 : memref<10368x128xf32, #tpu.memory_space<vmem_shared>>) offsets(%dma_start3A_1306 : memref<64xi32, #tpu.memory_space<vmem>>) semaphore(%arg20 : memref<!tpu.dma_semaphore, #tpu.memory_space<semaphore_mem>>) {add = true}
      %dma_wait3A_1310 = arith.constant 1 : i32
      %dma_wait3A_1311 = arith.constant 0 : i32
      %dma_wait3A_1312 = tpu.memref_slice %arg7[%dma_wait3A_1310, %dma_wait3A_1311] : memref<4x64xi32, #tpu.memory_space<vmem>> -> memref<1x64xi32, #tpu.memory_space<vmem>>
      %dma_wait3A_1313 = tpu.memref_squeeze %dma_wait3A_1312 : memref<1x64xi32, #tpu.memory_space<vmem>> -> memref<64xi32, #tpu.memory_space<vmem>>
      %dma_wait3A_1314 = arith.constant 0 : i32
      %dma_wait3A_1315 = arith.constant 0 : i32
      %dma_wait3A_1316 = tpu.memref_slice %arg2[%dma_wait3A_1314, %dma_wait3A_1315] : memref<10240x128xf32, #tpu.memory_space<hbm>> -> memref<10240x128xf32, #tpu.memory_space<hbm>>
      tpu.wait_indirect_dma semaphore(%arg17 : memref<!tpu.dma_semaphore, #tpu.memory_space<semaphore_mem>>) src(%dma_wait3A_1316 : memref<10240x128xf32, #tpu.memory_space<hbm>>) dst(%arg12 : memref<64x128xf32, #tpu.memory_space<vmem>>)
      %dma_start3A_1317 = arith.constant 1 : i32
      %dma_start3A_1318 = arith.constant 0 : i32
      %dma_start3A_1319 = tpu.memref_slice %arg9[%dma_start3A_1317, %dma_start3A_1318] : memref<4x64xi32, #tpu.memory_space<vmem>> -> memref<1x64xi32, #tpu.memory_space<vmem>>
      %dma_start3A_1320 = tpu.memref_squeeze %dma_start3A_1319 : memref<1x64xi32, #tpu.memory_space<vmem>> -> memref<64xi32, #tpu.memory_space<vmem>>
      %dma_start3A_1321 = arith.constant 0 : i32
      %dma_start3A_1322 = arith.constant 0 : i32
      %dma_start3A_1323 = tpu.memref_slice %arg6[%dma_start3A_1321, %dma_start3A_1322] : memref<10368x128xf32, #tpu.memory_space<vmem_shared>> -> memref<10368x128xf32, #tpu.memory_space<vmem_shared>>
      tpu.enqueue_indirect_dma source(%arg12 : memref<64x128xf32, #tpu.memory_space<vmem>>) target(%dma_start3A_1323 : memref<10368x128xf32, #tpu.memory_space<vmem_shared>>) offsets(%dma_start3A_1320 : memref<64xi32, #tpu.memory_space<vmem>>) semaphore(%arg21 : memref<!tpu.dma_semaphore, #tpu.memory_space<semaphore_mem>>) {add = true}
      %dma_wait3A_1324 = arith.constant 2 : i32
      %dma_wait3A_1325 = arith.constant 0 : i32
      %dma_wait3A_1326 = tpu.memref_slice %arg7[%dma_wait3A_1324, %dma_wait3A_1325] : memref<4x64xi32, #tpu.memory_space<vmem>> -> memref<1x64xi32, #tpu.memory_space<vmem>>
      %dma_wait3A_1327 = tpu.memref_squeeze %dma_wait3A_1326 : memref<1x64xi32, #tpu.memory_space<vmem>> -> memref<64xi32, #tpu.memory_space<vmem>>
      %dma_wait3A_1328 = arith.constant 0 : i32
      %dma_wait3A_1329 = arith.constant 0 : i32
      %dma_wait3A_1330 = tpu.memref_slice %arg2[%dma_wait3A_1328, %dma_wait3A_1329] : memref<10240x128xf32, #tpu.memory_space<hbm>> -> memref<10240x128xf32, #tpu.memory_space<hbm>>
      tpu.wait_indirect_dma semaphore(%arg18 : memref<!tpu.dma_semaphore, #tpu.memory_space<semaphore_mem>>) src(%dma_wait3A_1330 : memref<10240x128xf32, #tpu.memory_space<hbm>>) dst(%arg13 : memref<64x128xf32, #tpu.memory_space<vmem>>)
      %dma_start3A_1331 = arith.constant 2 : i32
      %dma_start3A_1332 = arith.constant 0 : i32
      %dma_start3A_1333 = tpu.memref_slice %arg9[%dma_start3A_1331, %dma_start3A_1332] : memref<4x64xi32, #tpu.memory_space<vmem>> -> memref<1x64xi32, #tpu.memory_space<vmem>>
      %dma_start3A_1334 = tpu.memref_squeeze %dma_start3A_1333 : memref<1x64xi32, #tpu.memory_space<vmem>> -> memref<64xi32, #tpu.memory_space<vmem>>
      %dma_start3A_1335 = arith.constant 0 : i32
      %dma_start3A_1336 = arith.constant 0 : i32
      %dma_start3A_1337 = tpu.memref_slice %arg6[%dma_start3A_1335, %dma_start3A_1336] : memref<10368x128xf32, #tpu.memory_space<vmem_shared>> -> memref<10368x128xf32, #tpu.memory_space<vmem_shared>>
      tpu.enqueue_indirect_dma source(%arg13 : memref<64x128xf32, #tpu.memory_space<vmem>>) target(%dma_start3A_1337 : memref<10368x128xf32, #tpu.memory_space<vmem_shared>>) offsets(%dma_start3A_1334 : memref<64xi32, #tpu.memory_space<vmem>>) semaphore(%arg22 : memref<!tpu.dma_semaphore, #tpu.memory_space<semaphore_mem>>) {add = true}
      %dma_wait3A_1338 = arith.constant 3 : i32
      %dma_wait3A_1339 = arith.constant 0 : i32
      %dma_wait3A_1340 = tpu.memref_slice %arg7[%dma_wait3A_1338, %dma_wait3A_1339] : memref<4x64xi32, #tpu.memory_space<vmem>> -> memref<1x64xi32, #tpu.memory_space<vmem>>
      %dma_wait3A_1341 = tpu.memref_squeeze %dma_wait3A_1340 : memref<1x64xi32, #tpu.memory_space<vmem>> -> memref<64xi32, #tpu.memory_space<vmem>>
      %dma_wait3A_1342 = arith.constant 0 : i32
      %dma_wait3A_1343 = arith.constant 0 : i32
      %dma_wait3A_1344 = tpu.memref_slice %arg2[%dma_wait3A_1342, %dma_wait3A_1343] : memref<10240x128xf32, #tpu.memory_space<hbm>> -> memref<10240x128xf32, #tpu.memory_space<hbm>>
      tpu.wait_indirect_dma semaphore(%arg19 : memref<!tpu.dma_semaphore, #tpu.memory_space<semaphore_mem>>) src(%dma_wait3A_1344 : memref<10240x128xf32, #tpu.memory_space<hbm>>) dst(%arg14 : memref<64x128xf32, #tpu.memory_space<vmem>>)
      %dma_start3A_1345 = arith.constant 3 : i32
      %dma_start3A_1346 = arith.constant 0 : i32
      %dma_start3A_1347 = tpu.memref_slice %arg9[%dma_start3A_1345, %dma_start3A_1346] : memref<4x64xi32, #tpu.memory_space<vmem>> -> memref<1x64xi32, #tpu.memory_space<vmem>>
      %dma_start3A_1348 = tpu.memref_squeeze %dma_start3A_1347 : memref<1x64xi32, #tpu.memory_space<vmem>> -> memref<64xi32, #tpu.memory_space<vmem>>
      %dma_start3A_1349 = arith.constant 0 : i32
      %dma_start3A_1350 = arith.constant 0 : i32
      %dma_start3A_1351 = tpu.memref_slice %arg6[%dma_start3A_1349, %dma_start3A_1350] : memref<10368x128xf32, #tpu.memory_space<vmem_shared>> -> memref<10368x128xf32, #tpu.memory_space<vmem_shared>>
      tpu.enqueue_indirect_dma source(%arg14 : memref<64x128xf32, #tpu.memory_space<vmem>>) target(%dma_start3A_1351 : memref<10368x128xf32, #tpu.memory_space<vmem_shared>>) offsets(%dma_start3A_1348 : memref<64xi32, #tpu.memory_space<vmem>>) semaphore(%arg23 : memref<!tpu.dma_semaphore, #tpu.memory_space<semaphore_mem>>) {add = true}
      %mul3A_1352 = arith.constant 2 : i32
      %mul3A_1353 = arith.muli %mul3A_1352, %scan3A_1221 : i32
      %add3A_1354 = arith.constant 1 : i32
      %add3A_1355 = arith.addi %mul3A_1353, %add3A_1354 : i32
      %dma_wait3A_1356 = arith.constant 0 : i32
      %dma_wait3A_1357 = arith.constant 0 : i32
      %dma_wait3A_1358 = tpu.memref_slice %arg3[%dma_wait3A_1356, %dma_wait3A_1357] : memref<10244x64xi32, #tpu.memory_space<hbm>> -> memref<4x64xi32, #tpu.memory_space<hbm>>
      %dma_wait3A_1359 = arith.constant 0 : i32
      %dma_wait3A_1360 = arith.constant 0 : i32
      %dma_wait3A_1361 = tpu.memref_slice %arg3[%dma_wait3A_1359, %dma_wait3A_1360] : memref<10244x64xi32, #tpu.memory_space<hbm>> -> memref<4x64xi32, #tpu.memory_space<hbm>>
      tpu.wait_dma2 semaphore(%arg25 : memref<!tpu.dma_semaphore, #tpu.memory_space<semaphore_mem>>) src(%dma_wait3A_1361 : memref<4x64xi32, #tpu.memory_space<hbm>>) dst(%arg8 : memref<4x64xi32, #tpu.memory_space<vmem>>)
      %dma_wait3A_1362 = arith.constant 0 : i32
      %dma_wait3A_1363 = arith.constant 0 : i32
      %dma_wait3A_1364 = tpu.memref_slice %arg4[%dma_wait3A_1362, %dma_wait3A_1363] : memref<10244x64xi32, #tpu.memory_space<hbm>> -> memref<4x64xi32, #tpu.memory_space<hbm>>
      %dma_wait3A_1365 = arith.constant 0 : i32
      %dma_wait3A_1366 = arith.constant 0 : i32
      %dma_wait3A_1367 = tpu.memref_slice %arg4[%dma_wait3A_1365, %dma_wait3A_1366] : memref<10244x64xi32, #tpu.memory_space<hbm>> -> memref<4x64xi32, #tpu.memory_space<hbm>>
      tpu.wait_dma2 semaphore(%arg25 : memref<!tpu.dma_semaphore, #tpu.memory_space<semaphore_mem>>) src(%dma_wait3A_1367 : memref<4x64xi32, #tpu.memory_space<hbm>>) dst(%arg10 : memref<4x64xi32, #tpu.memory_space<vmem>>)
      %gt3A_1368 = arith.constant 0 : i32
      %gt3A_1369 = arith.cmpi sgt, %add3A_1355, %gt3A_1368 : i32
      %convert_element_type3A_1370 = arith.extui %gt3A_1369 : i1 to i32
      %cond3A_1371 = arith.constant 0 : i32
      %cond3A_1372 = arith.cmpi ne, %convert_element_type3A_1370, %cond3A_1371 : i32
      scf.if %cond3A_1372 {
        %dma_wait3A_1485 = arith.constant 0 : i32
        %dma_wait3A_1486 = arith.constant 0 : i32
        %dma_wait3A_1487 = tpu.memref_slice %arg9[%dma_wait3A_1485, %dma_wait3A_1486] : memref<4x64xi32, #tpu.memory_space<vmem>> -> memref<1x64xi32, #tpu.memory_space<vmem>>
        %dma_wait3A_1488 = tpu.memref_squeeze %dma_wait3A_1487 : memref<1x64xi32, #tpu.memory_space<vmem>> -> memref<64xi32, #tpu.memory_space<vmem>>
        %dma_wait3A_1489 = arith.constant 0 : i32
        %dma_wait3A_1490 = arith.constant 0 : i32
        %dma_wait3A_1491 = tpu.memref_slice %arg6[%dma_wait3A_1489, %dma_wait3A_1490] : memref<10368x128xf32, #tpu.memory_space<vmem_shared>> -> memref<10368x128xf32, #tpu.memory_space<vmem_shared>>
        tpu.wait_indirect_dma semaphore(%arg20 : memref<!tpu.dma_semaphore, #tpu.memory_space<semaphore_mem>>) src(%arg11 : memref<64x128xf32, #tpu.memory_space<vmem>>) dst(%dma_wait3A_1491 : memref<10368x128xf32, #tpu.memory_space<vmem_shared>>)
      } else {
      }
      %dma_start3A_1373 = arith.constant 0 : i32
      %dma_start3A_1374 = arith.constant 0 : i32
      %dma_start3A_1375 = tpu.memref_slice %arg8[%dma_start3A_1373, %dma_start3A_1374] : memref<4x64xi32, #tpu.memory_space<vmem>> -> memref<1x64xi32, #tpu.memory_space<vmem>>
      %dma_start3A_1376 = tpu.memref_squeeze %dma_start3A_1375 : memref<1x64xi32, #tpu.memory_space<vmem>> -> memref<64xi32, #tpu.memory_space<vmem>>
      %dma_start3A_1377 = arith.constant 0 : i32
      %dma_start3A_1378 = arith.constant 0 : i32
      %dma_start3A_1379 = tpu.memref_slice %arg2[%dma_start3A_1377, %dma_start3A_1378] : memref<10240x128xf32, #tpu.memory_space<hbm>> -> memref<10240x128xf32, #tpu.memory_space<hbm>>
      tpu.enqueue_indirect_dma source(%dma_start3A_1379 : memref<10240x128xf32, #tpu.memory_space<hbm>>) target(%arg11 : memref<64x128xf32, #tpu.memory_space<vmem>>) offsets(%dma_start3A_1376 : memref<64xi32, #tpu.memory_space<vmem>>) semaphore(%arg16 : memref<!tpu.dma_semaphore, #tpu.memory_space<semaphore_mem>>)
      %gt3A_1380 = arith.constant 0 : i32
      %gt3A_1381 = arith.cmpi sgt, %add3A_1355, %gt3A_1380 : i32
      %convert_element_type3A_1382 = arith.extui %gt3A_1381 : i1 to i32
      %cond3A_1383 = arith.constant 0 : i32
      %cond3A_1384 = arith.cmpi ne, %convert_element_type3A_1382, %cond3A_1383 : i32
      scf.if %cond3A_1384 {
        %dma_wait3A_1485 = arith.constant 1 : i32
        %dma_wait3A_1486 = arith.constant 0 : i32
        %dma_wait3A_1487 = tpu.memref_slice %arg9[%dma_wait3A_1485, %dma_wait3A_1486] : memref<4x64xi32, #tpu.memory_space<vmem>> -> memref<1x64xi32, #tpu.memory_space<vmem>>
        %dma_wait3A_1488 = tpu.memref_squeeze %dma_wait3A_1487 : memref<1x64xi32, #tpu.memory_space<vmem>> -> memref<64xi32, #tpu.memory_space<vmem>>
        %dma_wait3A_1489 = arith.constant 0 : i32
        %dma_wait3A_1490 = arith.constant 0 : i32
        %dma_wait3A_1491 = tpu.memref_slice %arg6[%dma_wait3A_1489, %dma_wait3A_1490] : memref<10368x128xf32, #tpu.memory_space<vmem_shared>> -> memref<10368x128xf32, #tpu.memory_space<vmem_shared>>
        tpu.wait_indirect_dma semaphore(%arg21 : memref<!tpu.dma_semaphore, #tpu.memory_space<semaphore_mem>>) src(%arg12 : memref<64x128xf32, #tpu.memory_space<vmem>>) dst(%dma_wait3A_1491 : memref<10368x128xf32, #tpu.memory_space<vmem_shared>>)
      } else {
      }
      %dma_start3A_1385 = arith.constant 1 : i32
      %dma_start3A_1386 = arith.constant 0 : i32
      %dma_start3A_1387 = tpu.memref_slice %arg8[%dma_start3A_1385, %dma_start3A_1386] : memref<4x64xi32, #tpu.memory_space<vmem>> -> memref<1x64xi32, #tpu.memory_space<vmem>>
      %dma_start3A_1388 = tpu.memref_squeeze %dma_start3A_1387 : memref<1x64xi32, #tpu.memory_space<vmem>> -> memref<64xi32, #tpu.memory_space<vmem>>
      %dma_start3A_1389 = arith.constant 0 : i32
      %dma_start3A_1390 = arith.constant 0 : i32
      %dma_start3A_1391 = tpu.memref_slice %arg2[%dma_start3A_1389, %dma_start3A_1390] : memref<10240x128xf32, #tpu.memory_space<hbm>> -> memref<10240x128xf32, #tpu.memory_space<hbm>>
      tpu.enqueue_indirect_dma source(%dma_start3A_1391 : memref<10240x128xf32, #tpu.memory_space<hbm>>) target(%arg12 : memref<64x128xf32, #tpu.memory_space<vmem>>) offsets(%dma_start3A_1388 : memref<64xi32, #tpu.memory_space<vmem>>) semaphore(%arg17 : memref<!tpu.dma_semaphore, #tpu.memory_space<semaphore_mem>>)
      %gt3A_1392 = arith.constant 0 : i32
      %gt3A_1393 = arith.cmpi sgt, %add3A_1355, %gt3A_1392 : i32
      %convert_element_type3A_1394 = arith.extui %gt3A_1393 : i1 to i32
      %cond3A_1395 = arith.constant 0 : i32
      %cond3A_1396 = arith.cmpi ne, %convert_element_type3A_1394, %cond3A_1395 : i32
      scf.if %cond3A_1396 {
        %dma_wait3A_1485 = arith.constant 2 : i32
        %dma_wait3A_1486 = arith.constant 0 : i32
        %dma_wait3A_1487 = tpu.memref_slice %arg9[%dma_wait3A_1485, %dma_wait3A_1486] : memref<4x64xi32, #tpu.memory_space<vmem>> -> memref<1x64xi32, #tpu.memory_space<vmem>>
        %dma_wait3A_1488 = tpu.memref_squeeze %dma_wait3A_1487 : memref<1x64xi32, #tpu.memory_space<vmem>> -> memref<64xi32, #tpu.memory_space<vmem>>
        %dma_wait3A_1489 = arith.constant 0 : i32
        %dma_wait3A_1490 = arith.constant 0 : i32
        %dma_wait3A_1491 = tpu.memref_slice %arg6[%dma_wait3A_1489, %dma_wait3A_1490] : memref<10368x128xf32, #tpu.memory_space<vmem_shared>> -> memref<10368x128xf32, #tpu.memory_space<vmem_shared>>
        tpu.wait_indirect_dma semaphore(%arg22 : memref<!tpu.dma_semaphore, #tpu.memory_space<semaphore_mem>>) src(%arg13 : memref<64x128xf32, #tpu.memory_space<vmem>>) dst(%dma_wait3A_1491 : memref<10368x128xf32, #tpu.memory_space<vmem_shared>>)
      } else {
      }
      %dma_start3A_1397 = arith.constant 2 : i32
      %dma_start3A_1398 = arith.constant 0 : i32
      %dma_start3A_1399 = tpu.memref_slice %arg8[%dma_start3A_1397, %dma_start3A_1398] : memref<4x64xi32, #tpu.memory_space<vmem>> -> memref<1x64xi32, #tpu.memory_space<vmem>>
      %dma_start3A_1400 = tpu.memref_squeeze %dma_start3A_1399 : memref<1x64xi32, #tpu.memory_space<vmem>> -> memref<64xi32, #tpu.memory_space<vmem>>
      %dma_start3A_1401 = arith.constant 0 : i32
      %dma_start3A_1402 = arith.constant 0 : i32
      %dma_start3A_1403 = tpu.memref_slice %arg2[%dma_start3A_1401, %dma_start3A_1402] : memref<10240x128xf32, #tpu.memory_space<hbm>> -> memref<10240x128xf32, #tpu.memory_space<hbm>>
      tpu.enqueue_indirect_dma source(%dma_start3A_1403 : memref<10240x128xf32, #tpu.memory_space<hbm>>) target(%arg13 : memref<64x128xf32, #tpu.memory_space<vmem>>) offsets(%dma_start3A_1400 : memref<64xi32, #tpu.memory_space<vmem>>) semaphore(%arg18 : memref<!tpu.dma_semaphore, #tpu.memory_space<semaphore_mem>>)
      %gt3A_1404 = arith.constant 0 : i32
      %gt3A_1405 = arith.cmpi sgt, %add3A_1355, %gt3A_1404 : i32
      %convert_element_type3A_1406 = arith.extui %gt3A_1405 : i1 to i32
      %cond3A_1407 = arith.constant 0 : i32
      %cond3A_1408 = arith.cmpi ne, %convert_element_type3A_1406, %cond3A_1407 : i32
      scf.if %cond3A_1408 {
        %dma_wait3A_1485 = arith.constant 3 : i32
        %dma_wait3A_1486 = arith.constant 0 : i32
        %dma_wait3A_1487 = tpu.memref_slice %arg9[%dma_wait3A_1485, %dma_wait3A_1486] : memref<4x64xi32, #tpu.memory_space<vmem>> -> memref<1x64xi32, #tpu.memory_space<vmem>>
        %dma_wait3A_1488 = tpu.memref_squeeze %dma_wait3A_1487 : memref<1x64xi32, #tpu.memory_space<vmem>> -> memref<64xi32, #tpu.memory_space<vmem>>
        %dma_wait3A_1489 = arith.constant 0 : i32
        %dma_wait3A_1490 = arith.constant 0 : i32
        %dma_wait3A_1491 = tpu.memref_slice %arg6[%dma_wait3A_1489, %dma_wait3A_1490] : memref<10368x128xf32, #tpu.memory_space<vmem_shared>> -> memref<10368x128xf32, #tpu.memory_space<vmem_shared>>
        tpu.wait_indirect_dma semaphore(%arg23 : memref<!tpu.dma_semaphore, #tpu.memory_space<semaphore_mem>>) src(%arg14 : memref<64x128xf32, #tpu.memory_space<vmem>>) dst(%dma_wait3A_1491 : memref<10368x128xf32, #tpu.memory_space<vmem_shared>>)
      } else {
      }
      %dma_start3A_1409 = arith.constant 3 : i32
      %dma_start3A_1410 = arith.constant 0 : i32
      %dma_start3A_1411 = tpu.memref_slice %arg8[%dma_start3A_1409, %dma_start3A_1410] : memref<4x64xi32, #tpu.memory_space<vmem>> -> memref<1x64xi32, #tpu.memory_space<vmem>>
      %dma_start3A_1412 = tpu.memref_squeeze %dma_start3A_1411 : memref<1x64xi32, #tpu.memory_space<vmem>> -> memref<64xi32, #tpu.memory_space<vmem>>
      %dma_start3A_1413 = arith.constant 0 : i32
      %dma_start3A_1414 = arith.constant 0 : i32
      %dma_start3A_1415 = tpu.memref_slice %arg2[%dma_start3A_1413, %dma_start3A_1414] : memref<10240x128xf32, #tpu.memory_space<hbm>> -> memref<10240x128xf32, #tpu.memory_space<hbm>>
      tpu.enqueue_indirect_dma source(%dma_start3A_1415 : memref<10240x128xf32, #tpu.memory_space<hbm>>) target(%arg14 : memref<64x128xf32, #tpu.memory_space<vmem>>) offsets(%dma_start3A_1412 : memref<64xi32, #tpu.memory_space<vmem>>) semaphore(%arg19 : memref<!tpu.dma_semaphore, #tpu.memory_space<semaphore_mem>>)
      %add3A_1416 = arith.constant 1 : i32
      %add3A_1417 = arith.addi %add3A_1355, %add3A_1416 : i32
      %mul3A_1418 = arith.constant 4 : i32
      %mul3A_1419 = arith.muli %add3A_1417, %mul3A_1418 : i32
      %add3A_1420 = arith.addi %mul3A_1161, %mul3A_1419 : i32
      %dma_start3A_1421 = arith.constant 0 : i32
      %dma_start3A_1422 = tpu.memref_slice %arg3[%add3A_1420, %dma_start3A_1421] : memref<10244x64xi32, #tpu.memory_space<hbm>> -> memref<4x64xi32, #tpu.memory_space<hbm>>
      %dma_start3A_1423 = arith.constant 0 : i32
      %dma_start3A_1424 = tpu.memref_slice %arg3[%add3A_1420, %dma_start3A_1423] : memref<10244x64xi32, #tpu.memory_space<hbm>> -> memref<4x64xi32, #tpu.memory_space<hbm>>
      tpu.enqueue_dma source(%dma_start3A_1424 : memref<4x64xi32, #tpu.memory_space<hbm>>) target(%arg7 : memref<4x64xi32, #tpu.memory_space<vmem>>) target_semaphore(%arg24 : memref<!tpu.dma_semaphore, #tpu.memory_space<semaphore_mem>>)
      %dma_start3A_1425 = arith.constant 0 : i32
      %dma_start3A_1426 = tpu.memref_slice %arg4[%add3A_1420, %dma_start3A_1425] : memref<10244x64xi32, #tpu.memory_space<hbm>> -> memref<4x64xi32, #tpu.memory_space<hbm>>
      %dma_start3A_1427 = arith.constant 0 : i32
      %dma_start3A_1428 = tpu.memref_slice %arg4[%add3A_1420, %dma_start3A_1427] : memref<10244x64xi32, #tpu.memory_space<hbm>> -> memref<4x64xi32, #tpu.memory_space<hbm>>
      tpu.enqueue_dma source(%dma_start3A_1428 : memref<4x64xi32, #tpu.memory_space<hbm>>) target(%arg9 : memref<4x64xi32, #tpu.memory_space<vmem>>) target_semaphore(%arg24 : memref<!tpu.dma_semaphore, #tpu.memory_space<semaphore_mem>>)
      %dma_wait3A_1429 = arith.constant 0 : i32
      %dma_wait3A_1430 = arith.constant 0 : i32
      %dma_wait3A_1431 = tpu.memref_slice %arg8[%dma_wait3A_1429, %dma_wait3A_1430] : memref<4x64xi32, #tpu.memory_space<vmem>> -> memref<1x64xi32, #tpu.memory_space<vmem>>
      %dma_wait3A_1432 = tpu.memref_squeeze %dma_wait3A_1431 : memref<1x64xi32, #tpu.memory_space<vmem>> -> memref<64xi32, #tpu.memory_space<vmem>>
      %dma_wait3A_1433 = arith.constant 0 : i32
      %dma_wait3A_1434 = arith.constant 0 : i32
      %dma_wait3A_1435 = tpu.memref_slice %arg2[%dma_wait3A_1433, %dma_wait3A_1434] : memref<10240x128xf32, #tpu.memory_space<hbm>> -> memref<10240x128xf32, #tpu.memory_space<hbm>>
      tpu.wait_indirect_dma semaphore(%arg16 : memref<!tpu.dma_semaphore, #tpu.memory_space<semaphore_mem>>) src(%dma_wait3A_1435 : memref<10240x128xf32, #tpu.memory_space<hbm>>) dst(%arg11 : memref<64x128xf32, #tpu.memory_space<vmem>>)
      %dma_start3A_1436 = arith.constant 0 : i32
      %dma_start3A_1437 = arith.constant 0 : i32
      %dma_start3A_1438 = tpu.memref_slice %arg10[%dma_start3A_1436, %dma_start3A_1437] : memref<4x64xi32, #tpu.memory_space<vmem>> -> memref<1x64xi32, #tpu.memory_space<vmem>>
      %dma_start3A_1439 = tpu.memref_squeeze %dma_start3A_1438 : memref<1x64xi32, #tpu.memory_space<vmem>> -> memref<64xi32, #tpu.memory_space<vmem>>
      %dma_start3A_1440 = arith.constant 0 : i32
      %dma_start3A_1441 = arith.constant 0 : i32
      %dma_start3A_1442 = tpu.memref_slice %arg6[%dma_start3A_1440, %dma_start3A_1441] : memref<10368x128xf32, #tpu.memory_space<vmem_shared>> -> memref<10368x128xf32, #tpu.memory_space<vmem_shared>>
      tpu.enqueue_indirect_dma source(%arg11 : memref<64x128xf32, #tpu.memory_space<vmem>>) target(%dma_start3A_1442 : memref<10368x128xf32, #tpu.memory_space<vmem_shared>>) offsets(%dma_start3A_1439 : memref<64xi32, #tpu.memory_space<vmem>>) semaphore(%arg20 : memref<!tpu.dma_semaphore, #tpu.memory_space<semaphore_mem>>) {add = true}
      %dma_wait3A_1443 = arith.constant 1 : i32
      %dma_wait3A_1444 = arith.constant 0 : i32
      %dma_wait3A_1445 = tpu.memref_slice %arg8[%dma_wait3A_1443, %dma_wait3A_1444] : memref<4x64xi32, #tpu.memory_space<vmem>> -> memref<1x64xi32, #tpu.memory_space<vmem>>
      %dma_wait3A_1446 = tpu.memref_squeeze %dma_wait3A_1445 : memref<1x64xi32, #tpu.memory_space<vmem>> -> memref<64xi32, #tpu.memory_space<vmem>>
      %dma_wait3A_1447 = arith.constant 0 : i32
      %dma_wait3A_1448 = arith.constant 0 : i32
      %dma_wait3A_1449 = tpu.memref_slice %arg2[%dma_wait3A_1447, %dma_wait3A_1448] : memref<10240x128xf32, #tpu.memory_space<hbm>> -> memref<10240x128xf32, #tpu.memory_space<hbm>>
      tpu.wait_indirect_dma semaphore(%arg17 : memref<!tpu.dma_semaphore, #tpu.memory_space<semaphore_mem>>) src(%dma_wait3A_1449 : memref<10240x128xf32, #tpu.memory_space<hbm>>) dst(%arg12 : memref<64x128xf32, #tpu.memory_space<vmem>>)
      %dma_start3A_1450 = arith.constant 1 : i32
      %dma_start3A_1451 = arith.constant 0 : i32
      %dma_start3A_1452 = tpu.memref_slice %arg10[%dma_start3A_1450, %dma_start3A_1451] : memref<4x64xi32, #tpu.memory_space<vmem>> -> memref<1x64xi32, #tpu.memory_space<vmem>>
      %dma_start3A_1453 = tpu.memref_squeeze %dma_start3A_1452 : memref<1x64xi32, #tpu.memory_space<vmem>> -> memref<64xi32, #tpu.memory_space<vmem>>
      %dma_start3A_1454 = arith.constant 0 : i32
      %dma_start3A_1455 = arith.constant 0 : i32
      %dma_start3A_1456 = tpu.memref_slice %arg6[%dma_start3A_1454, %dma_start3A_1455] : memref<10368x128xf32, #tpu.memory_space<vmem_shared>> -> memref<10368x128xf32, #tpu.memory_space<vmem_shared>>
      tpu.enqueue_indirect_dma source(%arg12 : memref<64x128xf32, #tpu.memory_space<vmem>>) target(%dma_start3A_1456 : memref<10368x128xf32, #tpu.memory_space<vmem_shared>>) offsets(%dma_start3A_1453 : memref<64xi32, #tpu.memory_space<vmem>>) semaphore(%arg21 : memref<!tpu.dma_semaphore, #tpu.memory_space<semaphore_mem>>) {add = true}
      %dma_wait3A_1457 = arith.constant 2 : i32
      %dma_wait3A_1458 = arith.constant 0 : i32
      %dma_wait3A_1459 = tpu.memref_slice %arg8[%dma_wait3A_1457, %dma_wait3A_1458] : memref<4x64xi32, #tpu.memory_space<vmem>> -> memref<1x64xi32, #tpu.memory_space<vmem>>
      %dma_wait3A_1460 = tpu.memref_squeeze %dma_wait3A_1459 : memref<1x64xi32, #tpu.memory_space<vmem>> -> memref<64xi32, #tpu.memory_space<vmem>>
      %dma_wait3A_1461 = arith.constant 0 : i32
      %dma_wait3A_1462 = arith.constant 0 : i32
      %dma_wait3A_1463 = tpu.memref_slice %arg2[%dma_wait3A_1461, %dma_wait3A_1462] : memref<10240x128xf32, #tpu.memory_space<hbm>> -> memref<10240x128xf32, #tpu.memory_space<hbm>>
      tpu.wait_indirect_dma semaphore(%arg18 : memref<!tpu.dma_semaphore, #tpu.memory_space<semaphore_mem>>) src(%dma_wait3A_1463 : memref<10240x128xf32, #tpu.memory_space<hbm>>) dst(%arg13 : memref<64x128xf32, #tpu.memory_space<vmem>>)
      %dma_start3A_1464 = arith.constant 2 : i32
      %dma_start3A_1465 = arith.constant 0 : i32
      %dma_start3A_1466 = tpu.memref_slice %arg10[%dma_start3A_1464, %dma_start3A_1465] : memref<4x64xi32, #tpu.memory_space<vmem>> -> memref<1x64xi32, #tpu.memory_space<vmem>>
      %dma_start3A_1467 = tpu.memref_squeeze %dma_start3A_1466 : memref<1x64xi32, #tpu.memory_space<vmem>> -> memref<64xi32, #tpu.memory_space<vmem>>
      %dma_start3A_1468 = arith.constant 0 : i32
      %dma_start3A_1469 = arith.constant 0 : i32
      %dma_start3A_1470 = tpu.memref_slice %arg6[%dma_start3A_1468, %dma_start3A_1469] : memref<10368x128xf32, #tpu.memory_space<vmem_shared>> -> memref<10368x128xf32, #tpu.memory_space<vmem_shared>>
      tpu.enqueue_indirect_dma source(%arg13 : memref<64x128xf32, #tpu.memory_space<vmem>>) target(%dma_start3A_1470 : memref<10368x128xf32, #tpu.memory_space<vmem_shared>>) offsets(%dma_start3A_1467 : memref<64xi32, #tpu.memory_space<vmem>>) semaphore(%arg22 : memref<!tpu.dma_semaphore, #tpu.memory_space<semaphore_mem>>) {add = true}
      %dma_wait3A_1471 = arith.constant 3 : i32
      %dma_wait3A_1472 = arith.constant 0 : i32
      %dma_wait3A_1473 = tpu.memref_slice %arg8[%dma_wait3A_1471, %dma_wait3A_1472] : memref<4x64xi32, #tpu.memory_space<vmem>> -> memref<1x64xi32, #tpu.memory_space<vmem>>
      %dma_wait3A_1474 = tpu.memref_squeeze %dma_wait3A_1473 : memref<1x64xi32, #tpu.memory_space<vmem>> -> memref<64xi32, #tpu.memory_space<vmem>>
      %dma_wait3A_1475 = arith.constant 0 : i32
      %dma_wait3A_1476 = arith.constant 0 : i32
      %dma_wait3A_1477 = tpu.memref_slice %arg2[%dma_wait3A_1475, %dma_wait3A_1476] : memref<10240x128xf32, #tpu.memory_space<hbm>> -> memref<10240x128xf32, #tpu.memory_space<hbm>>
      tpu.wait_indirect_dma semaphore(%arg19 : memref<!tpu.dma_semaphore, #tpu.memory_space<semaphore_mem>>) src(%dma_wait3A_1477 : memref<10240x128xf32, #tpu.memory_space<hbm>>) dst(%arg14 : memref<64x128xf32, #tpu.memory_space<vmem>>)
      %dma_start3A_1478 = arith.constant 3 : i32
      %dma_start3A_1479 = arith.constant 0 : i32
      %dma_start3A_1480 = tpu.memref_slice %arg10[%dma_start3A_1478, %dma_start3A_1479] : memref<4x64xi32, #tpu.memory_space<vmem>> -> memref<1x64xi32, #tpu.memory_space<vmem>>
      %dma_start3A_1481 = tpu.memref_squeeze %dma_start3A_1480 : memref<1x64xi32, #tpu.memory_space<vmem>> -> memref<64xi32, #tpu.memory_space<vmem>>
      %dma_start3A_1482 = arith.constant 0 : i32
      %dma_start3A_1483 = arith.constant 0 : i32
      %dma_start3A_1484 = tpu.memref_slice %arg6[%dma_start3A_1482, %dma_start3A_1483] : memref<10368x128xf32, #tpu.memory_space<vmem_shared>> -> memref<10368x128xf32, #tpu.memory_space<vmem_shared>>
      tpu.enqueue_indirect_dma source(%arg14 : memref<64x128xf32, #tpu.memory_space<vmem>>) target(%dma_start3A_1484 : memref<10368x128xf32, #tpu.memory_space<vmem_shared>>) offsets(%dma_start3A_1481 : memref<64xi32, #tpu.memory_space<vmem>>) semaphore(%arg23 : memref<!tpu.dma_semaphore, #tpu.memory_space<semaphore_mem>>) {add = true}
    }
    %scan3A_1176 = arith.constant 40 : i32
    %dma_wait3A = arith.constant 0 : i32
    %dma_wait3A_1177 = arith.constant 0 : i32
    %dma_wait3A_1178 = tpu.memref_slice %arg10[%dma_wait3A, %dma_wait3A_1177] : memref<4x64xi32, #tpu.memory_space<vmem>> -> memref<1x64xi32, #tpu.memory_space<vmem>>
    %dma_wait3A_1179 = tpu.memref_squeeze %dma_wait3A_1178 : memref<1x64xi32, #tpu.memory_space<vmem>> -> memref<64xi32, #tpu.memory_space<vmem>>
    %dma_wait3A_1180 = arith.constant 0 : i32
    %dma_wait3A_1181 = arith.constant 0 : i32
    %dma_wait3A_1182 = tpu.memref_slice %arg6[%dma_wait3A_1180, %dma_wait3A_1181] : memref<10368x128xf32, #tpu.memory_space<vmem_shared>> -> memref<10368x128xf32, #tpu.memory_space<vmem_shared>>
    tpu.wait_indirect_dma semaphore(%arg20 : memref<!tpu.dma_semaphore, #tpu.memory_space<semaphore_mem>>) src(%arg11 : memref<64x128xf32, #tpu.memory_space<vmem>>) dst(%dma_wait3A_1182 : memref<10368x128xf32, #tpu.memory_space<vmem_shared>>)
    %dma_wait3A_1183 = arith.constant 1 : i32
    %dma_wait3A_1184 = arith.constant 0 : i32
    %dma_wait3A_1185 = tpu.memref_slice %arg10[%dma_wait3A_1183, %dma_wait3A_1184] : memref<4x64xi32, #tpu.memory_space<vmem>> -> memref<1x64xi32, #tpu.memory_space<vmem>>
    %dma_wait3A_1186 = tpu.memref_squeeze %dma_wait3A_1185 : memref<1x64xi32, #tpu.memory_space<vmem>> -> memref<64xi32, #tpu.memory_space<vmem>>
    %dma_wait3A_1187 = arith.constant 0 : i32
    %dma_wait3A_1188 = arith.constant 0 : i32
    %dma_wait3A_1189 = tpu.memref_slice %arg6[%dma_wait3A_1187, %dma_wait3A_1188] : memref<10368x128xf32, #tpu.memory_space<vmem_shared>> -> memref<10368x128xf32, #tpu.memory_space<vmem_shared>>
    tpu.wait_indirect_dma semaphore(%arg21 : memref<!tpu.dma_semaphore, #tpu.memory_space<semaphore_mem>>) src(%arg12 : memref<64x128xf32, #tpu.memory_space<vmem>>) dst(%dma_wait3A_1189 : memref<10368x128xf32, #tpu.memory_space<vmem_shared>>)
    %dma_wait3A_1190 = arith.constant 2 : i32
    %dma_wait3A_1191 = arith.constant 0 : i32
    %dma_wait3A_1192 = tpu.memref_slice %arg10[%dma_wait3A_1190, %dma_wait3A_1191] : memref<4x64xi32, #tpu.memory_space<vmem>> -> memref<1x64xi32, #tpu.memory_space<vmem>>
    %dma_wait3A_1193 = tpu.memref_squeeze %dma_wait3A_1192 : memref<1x64xi32, #tpu.memory_space<vmem>> -> memref<64xi32, #tpu.memory_space<vmem>>
    %dma_wait3A_1194 = arith.constant 0 : i32
    %dma_wait3A_1195 = arith.constant 0 : i32
    %dma_wait3A_1196 = tpu.memref_slice %arg6[%dma_wait3A_1194, %dma_wait3A_1195] : memref<10368x128xf32, #tpu.memory_space<vmem_shared>> -> memref<10368x128xf32, #tpu.memory_space<vmem_shared>>
    tpu.wait_indirect_dma semaphore(%arg22 : memref<!tpu.dma_semaphore, #tpu.memory_space<semaphore_mem>>) src(%arg13 : memref<64x128xf32, #tpu.memory_space<vmem>>) dst(%dma_wait3A_1196 : memref<10368x128xf32, #tpu.memory_space<vmem_shared>>)
    %dma_wait3A_1197 = arith.constant 3 : i32
    %dma_wait3A_1198 = arith.constant 0 : i32
    %dma_wait3A_1199 = tpu.memref_slice %arg10[%dma_wait3A_1197, %dma_wait3A_1198] : memref<4x64xi32, #tpu.memory_space<vmem>> -> memref<1x64xi32, #tpu.memory_space<vmem>>
    %dma_wait3A_1200 = tpu.memref_squeeze %dma_wait3A_1199 : memref<1x64xi32, #tpu.memory_space<vmem>> -> memref<64xi32, #tpu.memory_space<vmem>>
    %dma_wait3A_1201 = arith.constant 0 : i32
    %dma_wait3A_1202 = arith.constant 0 : i32
    %dma_wait3A_1203 = tpu.memref_slice %arg6[%dma_wait3A_1201, %dma_wait3A_1202] : memref<10368x128xf32, #tpu.memory_space<vmem_shared>> -> memref<10368x128xf32, #tpu.memory_space<vmem_shared>>
    tpu.wait_indirect_dma semaphore(%arg23 : memref<!tpu.dma_semaphore, #tpu.memory_space<semaphore_mem>>) src(%arg14 : memref<64x128xf32, #tpu.memory_space<vmem>>) dst(%dma_wait3A_1203 : memref<10368x128xf32, #tpu.memory_space<vmem_shared>>)
    %dma_wait3A_1204 = arith.constant 0 : i32
    %dma_wait3A_1205 = arith.constant 0 : i32
    %dma_wait3A_1206 = tpu.memref_slice %arg3[%dma_wait3A_1204, %dma_wait3A_1205] : memref<10244x64xi32, #tpu.memory_space<hbm>> -> memref<4x64xi32, #tpu.memory_space<hbm>>
    %dma_wait3A_1207 = arith.constant 0 : i32
    %dma_wait3A_1208 = arith.constant 0 : i32
    %dma_wait3A_1209 = tpu.memref_slice %arg3[%dma_wait3A_1207, %dma_wait3A_1208] : memref<10244x64xi32, #tpu.memory_space<hbm>> -> memref<4x64xi32, #tpu.memory_space<hbm>>
    tpu.wait_dma2 semaphore(%arg24 : memref<!tpu.dma_semaphore, #tpu.memory_space<semaphore_mem>>) src(%dma_wait3A_1209 : memref<4x64xi32, #tpu.memory_space<hbm>>) dst(%arg7 : memref<4x64xi32, #tpu.memory_space<vmem>>)
    %dma_wait3A_1210 = arith.constant 0 : i32
    %dma_wait3A_1211 = arith.constant 0 : i32
    %dma_wait3A_1212 = tpu.memref_slice %arg4[%dma_wait3A_1210, %dma_wait3A_1211] : memref<10244x64xi32, #tpu.memory_space<hbm>> -> memref<4x64xi32, #tpu.memory_space<hbm>>
    %dma_wait3A_1213 = arith.constant 0 : i32
    %dma_wait3A_1214 = arith.constant 0 : i32
    %dma_wait3A_1215 = tpu.memref_slice %arg4[%dma_wait3A_1213, %dma_wait3A_1214] : memref<10244x64xi32, #tpu.memory_space<hbm>> -> memref<4x64xi32, #tpu.memory_space<hbm>>
    tpu.wait_dma2 semaphore(%arg24 : memref<!tpu.dma_semaphore, #tpu.memory_space<semaphore_mem>>) src(%dma_wait3A_1215 : memref<4x64xi32, #tpu.memory_space<hbm>>) dst(%arg9 : memref<4x64xi32, #tpu.memory_space<vmem>>)
    %barrier3A_1216 = arith.constant 0 : index
    tpu.barrier barrier_id(%barrier3A_1216)
    %mul3A_1217 = arith.constant 320 : i32
    %mul3A_1218 = arith.muli %arg1, %mul3A_1217 : i32
    %mul3A_1219 = arith.constant 320 : i32
    %mul3A_1220 = arith.muli %arg1, %mul3A_1219 : i32
    "tpu.region"() ({
      %run_scoped3A = tpu.sem_alloc : memref<!tpu.dma_semaphore, #tpu.memory_space<semaphore_mem>>
      %dma_start3A_1221 = arith.constant 0 : i32
      %dma_start3A_1222 = tpu.memref_slice %arg5[%arg0, %mul3A_1220, %dma_start3A_1221] : memref<2x5120x128xf32, #tpu.memory_space<hbm>> -> memref<1x320x128xf32, #tpu.memory_space<hbm>>
      %dma_start3A_1223 = tpu.memref_squeeze %dma_start3A_1222 : memref<1x320x128xf32, #tpu.memory_space<hbm>> -> memref<320x128xf32, #tpu.memory_space<hbm>>
      %dma_start3A_1224 = arith.constant 0 : i32
      %dma_start3A_1225 = tpu.memref_slice %arg6[%mul3A_1218, %dma_start3A_1224] : memref<10368x128xf32, #tpu.memory_space<vmem_shared>> -> memref<320x128xf32, #tpu.memory_space<vmem_shared>>
      tpu.enqueue_dma source(%dma_start3A_1225 : memref<320x128xf32, #tpu.memory_space<vmem_shared>>) target(%dma_start3A_1223 : memref<320x128xf32, #tpu.memory_space<hbm>>) target_semaphore(%run_scoped3A : memref<!tpu.dma_semaphore, #tpu.memory_space<semaphore_mem>>)
      %dma_wait3A_1226 = arith.constant 0 : i32
      %dma_wait3A_1227 = tpu.memref_slice %arg5[%arg0, %mul3A_1220, %dma_wait3A_1226] : memref<2x5120x128xf32, #tpu.memory_space<hbm>> -> memref<1x320x128xf32, #tpu.memory_space<hbm>>
      %dma_wait3A_1228 = tpu.memref_squeeze %dma_wait3A_1227 : memref<1x320x128xf32, #tpu.memory_space<hbm>> -> memref<320x128xf32, #tpu.memory_space<hbm>>
      %dma_wait3A_1229 = arith.constant 0 : i32
      %dma_wait3A_1230 = tpu.memref_slice %arg6[%mul3A_1218, %dma_wait3A_1229] : memref<10368x128xf32, #tpu.memory_space<vmem_shared>> -> memref<320x128xf32, #tpu.memory_space<vmem_shared>>
      tpu.wait_dma2 semaphore(%run_scoped3A : memref<!tpu.dma_semaphore, #tpu.memory_space<semaphore_mem>>) src(%dma_wait3A_1230 : memref<320x128xf32, #tpu.memory_space<vmem_shared>>) dst(%dma_wait3A_1228 : memref<320x128xf32, #tpu.memory_space<hbm>>)
      tpu.yield
    }) : () -> ()
    return
  }
}

</mosaic_0001>

<sc_bundles>
// kernel: _sc_segsum.3.cloned.1.call-start
scs
__scs_entry_jumppad:
0x0: {  	(pc) =	sbr.rel $0x88, $3  }
0x1: {  	(tag) =	ssettag $0x0;
	lr =	simm.s32 $0x1  }
0x2: {  	[smem:$0x3F9E] =	sst lr;
	_ =	strace $0xD0000000  }
0x3: {  	_ = 	snop  }
0x4: {  	_ = 	snop  }
0x5: {  	_ = 	snop  }
0x6: {  	_ = 	snop  }
0x7: {  	_ = 	snop  }
__scs_overlays_trampoline_lowered:
0x8: {  	[smem:$0x3FAD] =	sst s0  }
0x9: {  	[smem:$0x3FAE] =	sst s1  }
0xa: {  	[smem:$0x3FAF] =	sst s2  }
0xb: {  	[smem:$0x3FB0] =	sst s3  }
0xc: {  	[smem:$0x3FB1] =	sst s4  }
0xd: {  	[smem:$0x3FB2] =	sst s5  }
0xe: {  	[smem:$0x3FB3] =	sst s6  }
0xf: {  	[smem:$0x3FB4] =	sst s7  }
0x10: {  	[smem:$0x3FB5] =	sst s8  }
0x11: {  	[smem:$0x3FB6] =	sst s9;
	s0 =	simm.s32 @!p0 $0x0  }
0x12: {  	s1 =	sld [smem:$0x3F9C];
	s0 =	simm.s32 @p0 $0x1  }
0x13: {  	[smem:$0x3FB7] =	sst s0;
	s0 =	simm.s32 @!p1 $0x0  }
0x14: {  	s2 =	sld [smem:$0x3F9B];
	s0 =	simm.s32 @p1 $0x1  }
0x15: {  	[smem:$0x3FB8] =	sst s0;
	s0 =	simm.s32 @!p2 $0x0  }
0x16: {  	s3 =	sld [smem:$0x3FDB];
	s0 =	simm.s32 @p2 $0x1  }
0x17: {  	s4 =	simm.s32 $0x1BF5;
	[smem:$0x3FBA] =	sst s0  }
0x18: {  	s0 =	sld [smem:$0x3F9D];
	_ =	swait.ge [sflag:s4], $0x0  }
0x19: {  	s7 =	sld [smem:$0x3F9E]  }
0x1a: {  	s8 =	sadd.s32 $0xFFFFE003, lr  }
0x1b: {  	s9 =	sadd.s32 $0xFFFFFEF7, lr;
	s5 =	simm.s32 $0xFFFFFFFF;
	p2 =	slt.u32 s8, $0xFFFFF086  }
0x1c: {  	p1 =	slt.u32 s9, $0xF7A;
	s5 =	simm.s32 @!p2 $0x0  }
0x1d: {  	s5 =	simm.s32 @p1 $0x1;
	p0 =	seq.s32 s7, s2  }
0x1e: {  	s7 =	smul.u32 @!p0 $0xF7A, s2;
	p2 =	seq.s32 @!p0 s5, $0x0  }
0x1f: {  	s9 =	smul.u32 $0xF7A, s1;
	s8 =	simm.s32 @!p0 $0x1BF5;
	p2 =	por !p2, p0  }
0x20: {  	[sflag:s8] =	ssyncset.s32 @!p0 $0xFFFFF086;
	s6 =	sadd.s32 @!p0 s3, s7;
	s7 =	simm.s32 @!p0 $0x108  }
0x21: {  	s3 =	sadd.s32 s3, s9;
	s6 =	sadd.s32 @!p0 $0x88, s6;
	s7 =	simm.s32 @p2 $0x1082  }
0x22: {  	[simem:s7], [sflag:s8] =	dma.local @!p0 [hbm:s6], $0xF7A  }
0x23: {  	s9 =	sor.u32 $0xD0000000, s2;
	s6 =	simm.s32 $0x108;
	_ =	swait.ge @!p0 [sflag:s8], $0x0  }
0x24: {  	s3 =	sadd.s32 $0x88, s3;
	s6 =	simm.s32 @!p1 $0x1082;
	[sflag:s4] =	ssyncset.s32 $0xFFFFF086  }
0x25: {  	[simem:s6], [sflag:s4] =	dma.local [hbm:s3], $0xF7A  }
0x26: {  	[smem:$0x3F9E] =	sst s1;
	(tag) =	ssettag s2;
	_ =	strace s9  }
0x27: {  	s1 =	sld [smem:$0x3FAE]  }
0x28: {  	s2 =	sld [smem:$0x3FAF]  }
0x29: {  	s4 =	sld [smem:$0x3FB1]  }
0x2a: {  	p0 =	seq.s32 s5, $0x0;
	s5 =	sld [smem:$0x3FB2]  }
0x2b: {  	s6 =	sld [smem:$0x3FB3]  }
0x2c: {  	s7 =	sld [smem:$0x3FB4]  }
0x2d: {  	s3 =	simm.s32 $0x108;
	s8 =	sld [smem:$0x3FB5]  }
0x2e: {  	s3 =	simm.s32 @!p0 $0x1082;
	s9 =	sld [smem:$0x3FB6]  }
0x2f: {  	lr =	sadd.s32 s0, s3;
	s0 =	sld [smem:$0x3FAD]  }
0x30: {  	s3 =	sld [smem:$0x3FB0]  }
0x31: {  	[smem:$0x3FB9] =	sst s10  }
0x32: {  	s10 =	sld [smem:$0x3FB7];
	_ =	sdelay $0x3  }
0x33: {  	p0 =	seq.s32 s10, $0x1;
	s10 =	sld [smem:$0x3FB9];
	_ =	sdelay $0x3  }
0x34: {  	[smem:$0x3FB9] =	sst s10  }
0x35: {  	s10 =	sld [smem:$0x3FB8];
	_ =	sdelay $0x3  }
0x36: {  	p1 =	seq.s32 s10, $0x1;
	s10 =	sld [smem:$0x3FB9];
	_ =	sdelay $0x3  }
0x37: {  	[smem:$0x3FB9] =	sst s10  }
0x38: {  	s10 =	sld [smem:$0x3FBA]  }
0x39: {  	_ = 	snop;
	(pc) =	sbr.ind lr, $3  }
0x3a: {  	_ = 	snop  }
0x3b: {  	_ = 	snop  }
0x3c: {  	p2 =	seq.s32 s10, $0x1;
	s10 =	sld [smem:$0x3FB9]  }
0x3d: {  	_ =	shalt  }
0x3e: {  	_ =	shalt  }
0x3f: {  	_ =	shalt  }
0x40: {  	_ =	shalt  }
0x41: {  	_ =	shalt  }
0x42: {  	_ =	shalt  }
0x43: {  	_ =	shalt  }
0x44: {  	_ =	shalt  }
0x45: {  	_ =	shalt  }
0x46: {  	_ =	shalt  }
0x47: {  	_ =	shalt  }
0x48: {  	_ =	shalt  }
0x49: {  	_ =	shalt  }
0x4a: {  	_ =	shalt  }
0x4b: {  	_ =	shalt  }
0x4c: {  	_ =	shalt  }
0x4d: {  	_ =	shalt  }
0x4e: {  	_ =	shalt  }
0x4f: {  	_ =	shalt  }
0x50: {  	_ =	shalt  }
0x51: {  	_ =	shalt  }
0x52: {  	_ =	shalt  }
0x53: {  	_ =	shalt  }
0x54: {  	_ =	shalt  }
0x55: {  	_ =	shalt  }
0x56: {  	_ =	shalt  }
0x57: {  	_ =	shalt  }
0x58: {  	_ =	shalt  }
0x59: {  	_ =	shalt  }
0x5a: {  	_ =	shalt  }
0x5b: {  	_ =	shalt  }
0x5c: {  	_ =	shalt  }
0x5d: {  	_ =	shalt  }
0x5e: {  	_ =	shalt  }
0x5f: {  	_ =	shalt  }
0x60: {  	_ =	shalt  }
0x61: {  	_ =	shalt  }
0x62: {  	_ =	shalt  }
0x63: {  	_ =	shalt  }
0x64: {  	_ =	shalt  }
0x65: {  	_ =	shalt  }
0x66: {  	_ =	shalt  }
0x67: {  	_ =	shalt  }
0x68: {  	_ =	shalt  }
0x69: {  	_ =	shalt  }
0x6a: {  	_ =	shalt  }
0x6b: {  	_ =	shalt  }
0x6c: {  	_ =	shalt  }
0x6d: {  	_ =	shalt  }
0x6e: {  	_ =	shalt  }
0x6f: {  	_ =	shalt  }
0x70: {  	_ =	shalt  }
0x71: {  	_ =	shalt  }
0x72: {  	_ =	shalt  }
0x73: {  	_ =	shalt  }
0x74: {  	_ =	shalt  }
0x75: {  	_ =	shalt  }
0x76: {  	_ =	shalt  }
0x77: {  	_ =	shalt  }
0x78: {  	_ =	shalt  }
0x79: {  	_ =	shalt  }
0x7a: {  	_ =	shalt  }
0x7b: {  	_ =	shalt  }
0x7c: {  	_ =	shalt  }
0x7d: {  	_ =	shalt  }
0x7e: {  	_ =	shalt  }
0x7f: {  	_ =	shalt  }
0x80: {  	_ =	shalt  }
0x81: {  	_ =	shalt  }
0x82: {  	_ =	shalt  }
0x83: {  	_ =	shalt  }
0x84: {  	_ =	shalt  }
0x85: {  	_ =	shalt  }
0x86: {  	_ =	shalt  }
0x87: {  	_ =	shalt  }
.Lfunc_end0:
.L_simem_size_0:
called_computation_lowered:
.L_overlay_start_0:
0x88: {  	s2 =	sld [smem:$0x3FD9]  }
0x89: {  	s3 =	sld [smem:$0x3FFE];
	_ =	sdelay $0x1  }
0x8a: {  	s1 =	srdreg.scid  }
0x8b: {  	s0 =	sand.u32 $0x1, s1  }
0x8c: {  	s17 =	sshll.u32 s0, $0xA;
	s2 =	sadd.s32 s3, s2  }
0x8d: {  	s2 =	sadd.s32 s2, s17  }
0x8e: {  	[smem:$0x3FC5] =	sst s2  }
0x8f: {  	_ = 	snop  }
0x90: {  	s2 =	sld [smem:$0x3FC9]  }
0x91: {  	s18 =	sld [smem:$0x3FD0];
	(tm) =	ssettm $0x1  }
0x92: {  	s4 =	sld [smem:$0x3FFB];
	_ =	sdelay $0x3  }
0x93: {  	_ =	strace s4  }
0x94: {  	s4 =	sld [smem:$0x3FFC];
	_ =	sdelay $0x3  }
0x95: {  	_ =	strace s4  }
0x96: {  	s4 =	sld [smem:$0x3FFD];
	_ =	sdelay $0x3  }
0x97: {  	_ =	strace s4  }
0x98: {  	_ =	strace $0x8FFFFFFF  }
0x99: {  	s19 =	sld [smem:$0x3FDB];
	_ =	sdelay $0x1  }
0x9a: {  	s5 =	simm.s32 $_scs_section_size  }
0x9b: {  	s6 =	simm.s32 $_size__tile_overlayer_lowered;
	s7 =	simm.s32 $_tile_overlayer_lowered  }
0x9c: {  	s22 =	simm.s32 $0x1BFF;
	s21 =	sshll.u32 s7, $0x1;
	s4 =	sadd.s32 s5, s19  }
0x9d: {  	s8 =	simm.s32 $0x0;
	s20 =	sshll.u32 s6, $0x1;
	s6 =	sadd.s32 s21, s4  }
0x9e: {  	[timem:s8], [sflag:s22] =	dma.local [hbm:s6], s20  }
0x9f: {  	_ =	swait.ge [sflag:s22], s20  }
0xa0: {  	s5 =	ssub.s32 $0x0, s20;
	[sflag:s22] =	ssyncset.done $0x0  }
0xa1: {  	[sflag:s22] =	ssyncadd.s32 s5;
	_ =	sdelay $0x1  }
0xa2: {  	s23 =	simm.s32 $0x1B8B  }
0xa3: {  	_ =	swait.ge [sflag:s23], $0x1  }
0xa4: {  	[sflag:s23] =	ssyncset.done $0x0  }
0xa5: {  	s25 =	simm.s32 $0x1B8E;
	s24 =	sld [smem:$0x3FFE];
	[sflag:s23] =	ssyncadd.s32 $0xFFFFFFFF  }
0xa6: {  	s26 =	simm.s32 $execute0_lowered;
	[smem:$0x3FD2] =	sst s25  }
0xa7: {  	s6 =	sshll.u32 s26, $0x1;
	_ =	strace $0x80000046;
	[dreg:$0x1] =	wrdreg $0xFFFFFFFF  }
0xa8: {  	s28 =	simm.s32 $_size_execute0_lowered;
	s4 =	sadd.s32 s4, s6;
	[dreg:$0x0] =	wrdreg $0x0  }
0xa9: {  	s6 =	sshll.u32 s28, $0x1;
	[dreg:$0x2] =	wrdreg s4  }
0xaa: {  	[dreg:$0x3] =	wrdreg s6  }
0xab: {  	[dreg:$0x4] =	wrdreg $0xC0  }
0xac: {  	_ =	task [dreg:s8], $0x5FFFF  }
0xad: {  	[dreg:$0x1] =	wrdreg $0xFFFFFFFF  }
0xae: {  	[dreg:$0x0] =	wrdreg $0x60  }
0xaf: {  	[dreg:$0x2] =	wrdreg s2  }
0xb0: {  	[dreg:$0x3] =	wrdreg s24  }
0xb1: {  	[dreg:$0x4] =	wrdreg s18  }
0xb2: {  	[dreg:$0x5] =	wrdreg $0x0  }
0xb3: {  	[dreg:$0x6] =	wrdreg $0x9  }
0xb4: {  	_ =	task.clear_ibuf [dreg:s8], $0x7FFFF;
	_ =	strace $0x90000046  }
0xb5: {  	s29 =	simm.s32 $0x9;
	_ =	strace $0x80000048  }
0xb6: {  	_ =	swait.ge [sflag:s29], $0x1  }
0xb7: {  	[sflag:s29] =	ssyncadd.s32 $0xFFFFFFFF  }
0xb8: {  	_ =	strace $0x90000048  }
0xb9: {  	_ =	sfence  }
0xba: {  	s30 =	sld [smem:$0x0];
	_ =	sdelay $0x2  }
0xbb: {  	s31 =	sshll.u32 s1, $0xD;
	s1 =	sshrl.u32 s1, $0x2  }
0xbc: {  	s3 =	sand.u32 $0x4000, s31;
	s1 =	sadd.s32 s1, s30  }
0xbd: {  	s0 =	sor.u32 s3, s0;
	s1 =	sshll.u32 s1, $0x11  }
0xbe: {  	s0 =	sor.u32 s1, s0  }
0xbf: {  	s0 =	sadd.s32 $0x8F2B, s0  }
0xc0: {  	[sflag:s0] =	ssyncadd.remote.s32 $0x1  }
0xc1: {  	_ =	sfence.sel $0xFFFF  }
0xc2: {  	[dreg:$0x0] =	wrdreg $0xFFFFFFFF;
	(pc) =	sbr.abs _section_cstart, $3  }
0xc3: {  	[dreg:$0x1] =	wrdreg $0xFFFFFFFF  }
0xc4: {  	_ =	task.clear_ibuf [dreg:s8], $0x2FFFF;
	_ =	strace $0x9FFFFFFF  }
0xc5: {  	(tm) =	ssettm $0x7FFFFFFF  }
tec
execute0_lowered:
.L_overlay_start_1:
0x0: {  	(tag) =	ssettag $0x1  }
0x1: {  	s1 =	rddreg [dreg:$0x0]  }
0x2: {  	s0 =	rddreg [dreg:$0x1]  }
0x3: {  	s3 =	rddreg [dreg:$0x2]  }
0x4: {  	s2 =	rddreg [dreg:$0x3]  }
0x5: {  	s4 =	srdreg.scid;
	s12 =	stileid.u32  }
0x6: {  	s16 =	simm.s32 $0x14580;
	s17 =	simm.s32 $0x14880;
	s18 =	simm.s32 $0x14900  }
0x7: {  	s19 =	simm.s32 $0x14980;
	s20 =	simm.s32 $0x14680;
	s28 =	simm.s32 $0xA  }
0x8: {  	s29 =	simm.s32 $0x5;
	s30 =	simm.s32 $0x6;
	s11 =	smul.u32 $0xA000, s12  }
0x9: {  	s31 =	simm.s32 $0x7;
	s5 =	sand.u32 $0x1, s4;
	s22 =	smul.u32 $0x28000, s12  }
0xa: {  	s4 =	simm.s32 $0x0;
	s7 =	sadd.s32 $0x600, s0;
	s25 =	smul.u32 $0x1400, s12  }
0xb: {  	s0 =	sadd.s32 $0x28800, s0;
	s13 =	smul.u32 $0x51000, s12;
	s6 =	sshll.u32 s5, $0x4  }
0xc: {  	[smem:$0x7FF] =	sst s4;
	s8 =	ssub.s32 $0x2, s5;
	s9 =	smul.u32 $0xA0000, s5  }
0xd: {  	s5 =	smul.u32 $0x14000, s5;
	_ =	strace $0x80000047;
	[dreg:$0x9] =	wrdreg s16  }
0xe: {  	s6 =	sor.u32 s12, s6;
	s10 =	sshrl.u32 s8, $0x1;
	[dreg:$0xa] =	wrdreg s17  }
0xf: {  	s24 =	sshrl.u32 s22, $0x2;
	s15 =	sshrl.u32 s13, $0x2;
	[dreg:$0xb] =	wrdreg s18  }
0x10: {  	s12 =	simm.s32 $0x14400;
	s13 =	simm.s32 $0x14800;
	[dreg:$0xc] =	wrdreg s19  }
0x11: {  	s16 =	simm.s32 $0x1AC00;
	s17 =	simm.s32 $0x14600;
	[dreg:$0xd] =	wrdreg s20  }
0x12: {  	s18 =	simm.s32 $0x14A00;
	s22 =	simm.s32 $0x14780;
	s19 =	simm.s32 $0x1  }
0x13: {  	s20 =	simm.s32 $0x14C00;
	s6 =	smul.u32 $0x1400, s6;
	s8 =	ssub.s32 s8, s10  }
0x14: {  	s23 =	sadd.s32 s11, s9;
	s26 =	sadd.s32 s24, s2;
	s11 =	sadd.s32 s5, s0  }
0x15: {  	s5 =	sadd.s32 s5, s7;
	[dreg:$0xf] =	wrdreg s22;
	s24 =	simm.s32 $0x14B00  }
0x16: {  	s8 =	smax.u32 s8, $0x1;
	s9 =	sadd.s32 s25, s11;
	[dreg:$0x11] =	wrdreg s24  }
0x17: {  	s5 =	sadd.s32 s25, s5;
	s25 =	simm.s32 $0x14B80;
	[dreg:$0x16] =	wrdreg s8  }
0x18: {  	s22 =	simm.s32 $0x16C00;
	s26 =	sshrl.u32 s26, $0x3;
	[dreg:$0x12] =	wrdreg s25  }
0x19: {  	s11 =	simm.s32 $0xB;
	s21 =	sadd.s32 s7, s6;
	[dreg:$0x17] =	wrdreg s26  }
0x1a: {  	s24 =	simm.s32 $0x18C00;
	s6 =	sadd.s32 s0, s6;
	[dreg:$0x13] =	wrdreg s21  }
0x1b: {  	s9 =	sadd.s32 $0x80, s9;
	s5 =	sadd.s32 $0x80, s5;
	[dreg:$0x14] =	wrdreg s6  }
0x1c: {  	s26 =	simm.s32 $0x4;
	s6 =	sshrl.u32 s23, $0x3;
	[dreg:$0x5] =	wrdreg s9  }
0x1d: {  	[dreg:$0x6] =	wrdreg s5;
	s9 =	sadd.s32 s15, s2;
	s15 =	simm.s32 $0x40  }
0x1e: {  	s21 =	simm.s32 $0x14700;
	s23 =	simm.s32 $0x14A80;
	s5 =	simm.s32 $0x0  }
0x1f: {  	s3 =	sadd.s32 s3, s6;
	s7 =	sadd.s32 s6, s7;
	[dreg:$0xe] =	wrdreg s21  }
0x20: {  	s0 =	sadd.s32 s6, s0;
	[dreg:$0x10] =	wrdreg s23;
	s21 =	simm.s32 $0x2  }
0x21: {  	s23 =	simm.s32 $0x3;
	[dreg:$0x15] =	wrdreg s3;
	s14 =	sadd.s32 $0x40, s7  }
0x22: {  	s0 =	sadd.s32 $0x40, s0;
	s7 =	simm.s32 $0x1CC00;
	[dreg:$0x7] =	wrdreg s14  }
0x23: {  	v0 =	vimm.f32 $0.0e+00;
	[dreg:$0x8] =	wrdreg s0;
	s14 =	simm.s32 $0x9;
	s0 =	simm.s32 $0x8  }
.LBB2_1:
0x24: {  	[tilespmem:$0x1CC00] =	vst v0  }
0x25: {  	[tilespmem:$0x1CC10] =	vst v0  }
0x26: {  	[tilespmem:$0x1CC20] =	vst v0  }
0x27: {  	[tilespmem:$0x1CC30] =	vst v0  }
0x28: {  	[tilespmem:$0x1CC40] =	vst v0  }
0x29: {  	[tilespmem:$0x1CC50] =	vst v0  }
0x2a: {  	[tilespmem:$0x1CC60] =	vst v0  }
0x2b: {  	[tilespmem:$0x1CC70] =	vst v0  }
0x2c: {  	[tilespmem:$0x1CC80] =	vst v0  }
0x2d: {  	[tilespmem:$0x1CC90] =	vst v0  }
0x2e: {  	[tilespmem:$0x1CCA0] =	vst v0  }
0x2f: {  	[tilespmem:$0x1CCB0] =	vst v0  }
0x30: {  	[tilespmem:$0x1CCC0] =	vst v0  }
0x31: {  	[tilespmem:$0x1CCD0] =	vst v0  }
0x32: {  	[tilespmem:$0x1CCE0] =	vst v0  }
0x33: {  	[tilespmem:$0x1CCF0] =	vst v0  }
0x34: {  	[tilespmem:$0x1CD00] =	vst v0  }
0x35: {  	[tilespmem:$0x1CD10] =	vst v0  }
0x36: {  	[tilespmem:$0x1CD20] =	vst v0  }
0x37: {  	[tilespmem:$0x1CD30] =	vst v0  }
0x38: {  	[tilespmem:$0x1CD40] =	vst v0  }
0x39: {  	[tilespmem:$0x1CD50] =	vst v0  }
0x3a: {  	[tilespmem:$0x1CD60] =	vst v0  }
0x3b: {  	[tilespmem:$0x1CD70] =	vst v0  }
0x3c: {  	[tilespmem:$0x1CD80] =	vst v0  }
0x3d: {  	[tilespmem:$0x1CD90] =	vst v0  }
0x3e: {  	[tilespmem:$0x1CDA0] =	vst v0  }
0x3f: {  	[tilespmem:$0x1CDB0] =	vst v0  }
0x40: {  	[tilespmem:$0x1CDC0] =	vst v0  }
0x41: {  	[tilespmem:$0x1CDD0] =	vst v0  }
0x42: {  	[tilespmem:$0x1CDE0] =	vst v0  }
0x43: {  	[tilespmem:$0x1CDF0] =	vst v0  }
0x44: {  	[tilespmem:$0x1CE00] =	vst v0  }
0x45: {  	[tilespmem:$0x1CE10] =	vst v0  }
0x46: {  	[tilespmem:$0x1CE20] =	vst v0  }
0x47: {  	[tilespmem:$0x1CE30] =	vst v0  }
0x48: {  	[tilespmem:$0x1CE40] =	vst v0  }
0x49: {  	[tilespmem:$0x1CE50] =	vst v0  }
0x4a: {  	[tilespmem:$0x1CE60] =	vst v0  }
0x4b: {  	[tilespmem:$0x1CE70] =	vst v0  }
0x4c: {  	[tilespmem:$0x1CE80] =	vst v0  }
0x4d: {  	[tilespmem:$0x1CE90] =	vst v0  }
0x4e: {  	[tilespmem:$0x1CEA0] =	vst v0  }
0x4f: {  	[tilespmem:$0x1CEB0] =	vst v0  }
0x50: {  	[tilespmem:$0x1CEC0] =	vst v0  }
0x51: {  	[tilespmem:$0x1CED0] =	vst v0  }
0x52: {  	[tilespmem:$0x1CEE0] =	vst v0  }
0x53: {  	[tilespmem:$0x1CEF0] =	vst v0  }
0x54: {  	[tilespmem:$0x1CF00] =	vst v0  }
0x55: {  	[tilespmem:$0x1CF10] =	vst v0  }
0x56: {  	[tilespmem:$0x1CF20] =	vst v0  }
0x57: {  	[tilespmem:$0x1CF30] =	vst v0  }
0x58: {  	[tilespmem:$0x1CF40] =	vst v0  }
0x59: {  	[tilespmem:$0x1CF50] =	vst v0  }
0x5a: {  	[tilespmem:$0x1CF60] =	vst v0  }
0x5b: {  	[tilespmem:$0x1CF70] =	vst v0  }
0x5c: {  	[tilespmem:$0x1CF80] =	vst v0  }
0x5d: {  	[tilespmem:$0x1CF90] =	vst v0  }
0x5e: {  	[tilespmem:$0x1CFA0] =	vst v0  }
0x5f: {  	[tilespmem:$0x1CFB0] =	vst v0  }
0x60: {  	[tilespmem:$0x1CFC0] =	vst v0  }
0x61: {  	[tilespmem:$0x1CFD0] =	vst v0  }
0x62: {  	[tilespmem:$0x1CFE0] =	vst v0  }
0x63: {  	[tilespmem:$0x1CFF0] =	vst v0  }
0x64: {  	[tilespmem:$0x1D000] =	vst v0  }
0x65: {  	[tilespmem:$0x1D010] =	vst v0  }
0x66: {  	[tilespmem:$0x1D020] =	vst v0  }
0x67: {  	[tilespmem:$0x1D030] =	vst v0  }
0x68: {  	[tilespmem:$0x1D040] =	vst v0  }
0x69: {  	[tilespmem:$0x1D050] =	vst v0  }
0x6a: {  	[tilespmem:$0x1D060] =	vst v0  }
0x6b: {  	[tilespmem:$0x1D070] =	vst v0  }
0x6c: {  	[tilespmem:$0x1D080] =	vst v0  }
0x6d: {  	[tilespmem:$0x1D090] =	vst v0  }
0x6e: {  	[tilespmem:$0x1D0A0] =	vst v0  }
0x6f: {  	[tilespmem:$0x1D0B0] =	vst v0  }
0x70: {  	[tilespmem:$0x1D0C0] =	vst v0  }
0x71: {  	[tilespmem:$0x1D0D0] =	vst v0  }
0x72: {  	[tilespmem:$0x1D0E0] =	vst v0  }
0x73: {  	[tilespmem:$0x1D0F0] =	vst v0  }
0x74: {  	[tilespmem:$0x1D100] =	vst v0  }
0x75: {  	[tilespmem:$0x1D110] =	vst v0  }
0x76: {  	[tilespmem:$0x1D120] =	vst v0  }
0x77: {  	[tilespmem:$0x1D130] =	vst v0  }
0x78: {  	[tilespmem:$0x1D140] =	vst v0  }
0x79: {  	[tilespmem:$0x1D150] =	vst v0  }
0x7a: {  	[tilespmem:$0x1D160] =	vst v0  }
0x7b: {  	[tilespmem:$0x1D170] =	vst v0  }
0x7c: {  	[tilespmem:$0x1D180] =	vst v0  }
0x7d: {  	[tilespmem:$0x1D190] =	vst v0  }
0x7e: {  	[tilespmem:$0x1D1A0] =	vst v0  }
0x7f: {  	[tilespmem:$0x1D1B0] =	vst v0  }
0x80: {  	[tilespmem:$0x1D1C0] =	vst v0  }
0x81: {  	[tilespmem:$0x1D1D0] =	vst v0  }
0x82: {  	[tilespmem:$0x1D1E0] =	vst v0  }
0x83: {  	[tilespmem:$0x1D1F0] =	vst v0  }
0x84: {  	[tilespmem:$0x1D200] =	vst v0  }
0x85: {  	[tilespmem:$0x1D210] =	vst v0  }
0x86: {  	[tilespmem:$0x1D220] =	vst v0  }
0x87: {  	[tilespmem:$0x1D230] =	vst v0  }
0x88: {  	[tilespmem:$0x1D240] =	vst v0  }
0x89: {  	[tilespmem:$0x1D250] =	vst v0  }
0x8a: {  	[tilespmem:$0x1D260] =	vst v0  }
0x8b: {  	[tilespmem:$0x1D270] =	vst v0  }
0x8c: {  	[tilespmem:$0x1D280] =	vst v0  }
0x8d: {  	[tilespmem:$0x1D290] =	vst v0  }
0x8e: {  	[tilespmem:$0x1D2A0] =	vst v0  }
0x8f: {  	[tilespmem:$0x1D2B0] =	vst v0  }
0x90: {  	[tilespmem:$0x1D2C0] =	vst v0  }
0x91: {  	[tilespmem:$0x1D2D0] =	vst v0  }
0x92: {  	[tilespmem:$0x1D2E0] =	vst v0  }
0x93: {  	[tilespmem:$0x1D2F0] =	vst v0  }
0x94: {  	[tilespmem:$0x1D300] =	vst v0  }
0x95: {  	[tilespmem:$0x1D310] =	vst v0  }
0x96: {  	[tilespmem:$0x1D320] =	vst v0  }
0x97: {  	[tilespmem:$0x1D330] =	vst v0  }
0x98: {  	[tilespmem:$0x1D340] =	vst v0  }
0x99: {  	[tilespmem:$0x1D350] =	vst v0  }
0x9a: {  	[tilespmem:$0x1D360] =	vst v0  }
0x9b: {  	[tilespmem:$0x1D370] =	vst v0  }
0x9c: {  	[tilespmem:$0x1D380] =	vst v0  }
0x9d: {  	[tilespmem:$0x1D390] =	vst v0  }
0x9e: {  	[tilespmem:$0x1D3A0] =	vst v0  }
0x9f: {  	[tilespmem:$0x1D3B0] =	vst v0  }
0xa0: {  	[tilespmem:$0x1D3C0] =	vst v0  }
0xa1: {  	[tilespmem:$0x1D3D0] =	vst v0  }
0xa2: {  	[tilespmem:$0x1D3E0] =	vst v0  }
0xa3: {  	[tilespmem:$0x1D3F0] =	vst v0  }
0xa4: {  	[tilespmem:$0x1D400] =	vst v0  }
0xa5: {  	[tilespmem:$0x1D410] =	vst v0  }
0xa6: {  	[tilespmem:$0x1D420] =	vst v0  }
0xa7: {  	[tilespmem:$0x1D430] =	vst v0  }
0xa8: {  	[tilespmem:$0x1D440] =	vst v0  }
0xa9: {  	[tilespmem:$0x1D450] =	vst v0  }
0xaa: {  	[tilespmem:$0x1D460] =	vst v0  }
0xab: {  	[tilespmem:$0x1D470] =	vst v0  }
0xac: {  	[tilespmem:$0x1D480] =	vst v0  }
0xad: {  	[tilespmem:$0x1D490] =	vst v0  }
0xae: {  	[tilespmem:$0x1D4A0] =	vst v0  }
0xaf: {  	[tilespmem:$0x1D4B0] =	vst v0  }
0xb0: {  	[tilespmem:$0x1D4C0] =	vst v0  }
0xb1: {  	[tilespmem:$0x1D4D0] =	vst v0  }
0xb2: {  	[tilespmem:$0x1D4E0] =	vst v0  }
0xb3: {  	[tilespmem:$0x1D4F0] =	vst v0  }
0xb4: {  	[tilespmem:$0x1D500] =	vst v0  }
0xb5: {  	[tilespmem:$0x1D510] =	vst v0  }
0xb6: {  	[tilespmem:$0x1D520] =	vst v0  }
0xb7: {  	[tilespmem:$0x1D530] =	vst v0  }
0xb8: {  	[tilespmem:$0x1D540] =	vst v0  }
0xb9: {  	[tilespmem:$0x1D550] =	vst v0  }
0xba: {  	[tilespmem:$0x1D560] =	vst v0  }
0xbb: {  	[tilespmem:$0x1D570] =	vst v0  }
0xbc: {  	[tilespmem:$0x1D580] =	vst v0  }
0xbd: {  	[tilespmem:$0x1D590] =	vst v0  }
0xbe: {  	[tilespmem:$0x1D5A0] =	vst v0  }
0xbf: {  	[tilespmem:$0x1D5B0] =	vst v0  }
0xc0: {  	[tilespmem:$0x1D5C0] =	vst v0  }
0xc1: {  	[tilespmem:$0x1D5D0] =	vst v0  }
0xc2: {  	[tilespmem:$0x1D5E0] =	vst v0  }
0xc3: {  	[tilespmem:$0x1D5F0] =	vst v0  }
0xc4: {  	[tilespmem:$0x1D600] =	vst v0  }
0xc5: {  	[tilespmem:$0x1D610] =	vst v0  }
0xc6: {  	[tilespmem:$0x1D620] =	vst v0  }
0xc7: {  	[tilespmem:$0x1D630] =	vst v0  }
0xc8: {  	[tilespmem:$0x1D640] =	vst v0  }
0xc9: {  	[tilespmem:$0x1D650] =	vst v0  }
0xca: {  	[tilespmem:$0x1D660] =	vst v0  }
0xcb: {  	[tilespmem:$0x1D670] =	vst v0  }
0xcc: {  	[tilespmem:$0x1D680] =	vst v0  }
0xcd: {  	[tilespmem:$0x1D690] =	vst v0  }
0xce: {  	[tilespmem:$0x1D6A0] =	vst v0  }
0xcf: {  	[tilespmem:$0x1D6B0] =	vst v0  }
0xd0: {  	[tilespmem:$0x1D6C0] =	vst v0  }
0xd1: {  	[tilespmem:$0x1D6D0] =	vst v0  }
0xd2: {  	[tilespmem:$0x1D6E0] =	vst v0  }
0xd3: {  	[tilespmem:$0x1D6F0] =	vst v0  }
0xd4: {  	[tilespmem:$0x1D700] =	vst v0  }
0xd5: {  	[tilespmem:$0x1D710] =	vst v0  }
0xd6: {  	[tilespmem:$0x1D720] =	vst v0  }
0xd7: {  	[tilespmem:$0x1D730] =	vst v0  }
0xd8: {  	[tilespmem:$0x1D740] =	vst v0  }
0xd9: {  	[tilespmem:$0x1D750] =	vst v0  }
0xda: {  	[tilespmem:$0x1D760] =	vst v0  }
0xdb: {  	[tilespmem:$0x1D770] =	vst v0  }
0xdc: {  	[tilespmem:$0x1D780] =	vst v0  }
0xdd: {  	[tilespmem:$0x1D790] =	vst v0  }
0xde: {  	[tilespmem:$0x1D7A0] =	vst v0  }
0xdf: {  	[tilespmem:$0x1D7B0] =	vst v0  }
0xe0: {  	[tilespmem:$0x1D7C0] =	vst v0  }
0xe1: {  	[tilespmem:$0x1D7D0] =	vst v0  }
0xe2: {  	[tilespmem:$0x1D7E0] =	vst v0  }
0xe3: {  	[dreg:$0x18] =	wrdreg s5;
	[tilespmem:$0x1D7F0] =	vst v0;
	s25 =	sadd.s32 $0x0, s9  }
0xe4: {  	[spmem:s25] =	stream.linear.scatter [tilespmem:s7], [sflag:$0xB], $0xC00, $0x38;
	[tilespmem:$0x1D800] =	vst v63  }
0xe5: {  	s5 =	simm.s32 $0x3000;
	_ =	swait.ge [sflag:s11], $0xC00  }
.LBB2_2:
0xe6: {  	s6 =	sshra.s32 s5, $0x2;
	[sflag:s11] =	ssyncset.done $0x0;
	p0 =	sne.s32 s5, $0x4E000  }
.Ltmp0:
0xe7: {  	s6 =	sadd.s32 s6, s9;
	[sflag:s11] =	ssyncadd.s32 $0xFFFFF400;
	(pc) =	sbr.rel @p0 .LBB2_2-.Ltmp0, $3  }
0xe8: {  	[spmem:s6] =	stream.linear.scatter [tilespmem:s7], [sflag:$0xB], $0xC00, $0x38;
	[tilespmem:$0x1D800] =	vst v63  }
0xe9: {  	s5 =	sadd.s32 $0x3000, s5;
	_ =	sdelay $0x1  }
0xea: {  	_ =	swait.ge [sflag:s11], $0xC00  }
0xeb: {  	[sflag:s11] =	ssyncset.done $0x0  }
0xec: {  	[sflag:s11] =	ssyncadd.s32 $0xFFFFF400  }
0xed: {  	[bflag:$0x0] =	sbarrier.arrive $0xFFFF  }
0xee: {  	s5 =	simm.s32 $0x0;
	s3 =	rddreg [dreg:$0x13]  }
0xef: {  	[tilespmem:s12], [sflag:$0x9] =	stream.linear.gather [hbm4b:s3+s5], $0x200, $0x38;
	[tilespmem:$0x1D800] =	vst v63  }
0xf0: {  	s8 =	rddreg [dreg:$0x14]  }
0xf1: {  	[tilespmem:s13], [sflag:$0x9] =	stream.linear.gather [hbm4b:s8+s5], $0x200, $0x38;
	[tilespmem:$0x1D800] =	vst v63  }
0xf2: {  	_ =	swait.ge [sflag:s14], $0x200  }
0xf3: {  	[sflag:s14] =	ssyncset.done $0x0  }
0xf4: {  	[sflag:s14] =	ssyncadd.s32 $0xFFFFFE00  }
0xf5: {  	p0 =	por $0x1, $0x1;
	_ =	swait.ge [sflag:s14], $0x200  }
0xf6: {  	s6 =	simm.s32 @p0 $0x14400;
	[sflag:s14] =	ssyncset.done $0x0  }
0xf7: {  	s7 =	simm.s32 @p0 $0x14C00;
	s5 =	simm.s32 @p0 $0x40;
	[sflag:s14] =	ssyncadd.s32 $0xFFFFFE00  }
0xf8: {  	[tilespmem:s7], [sflag:$0x1] =	stream.indirect.gather @p0 [hbm4b:s1+s5], $0x80, s6, s5, $0xb8;
	[tilespmem:$0x1D800] =	vst v63  }
0xf9: {  	s6 =	simm.s32 @p0 $0x14480;
	s7 =	simm.s32 @p0 $0x16C00  }
0xfa: {  	[tilespmem:s7], [sflag:$0x2] =	stream.indirect.gather @p0 [hbm4b:s1+s5], $0x80, s6, s5, $0xb8;
	[tilespmem:$0x1D800] =	vst v63  }
0xfb: {  	s6 =	simm.s32 @p0 $0x14500;
	s7 =	simm.s32 @p0 $0x18C00  }
0xfc: {  	[tilespmem:s7], [sflag:$0x3] =	stream.indirect.gather @p0 [hbm4b:s1+s5], $0x80, s6, s5, $0xb8;
	[tilespmem:$0x1D800] =	vst v63  }
0xfd: {  	s5 =	simm.s32 @!p0 $0x5  }
0xfe: {  	_ =	swait.ge @!p0 [sflag:s5], $0x2000  }
0xff: {  	s6 =	simm.s32 @!p0 $0x14C00;
	[sflag:s5] =	ssyncset.done @!p0 $0x0  }
0x100: {  	s7 =	simm.s32 @!p0 $0x40;
	[sflag:s5] =	ssyncadd.s32 @!p0 $0xFFFFE000;
	s5 =	simm.s32 @!p0 $0x14400  }
0x101: {  	[tilespmem:s6], [sflag:$0x1] =	stream.indirect.gather @!p0 [hbm4b:s1+s7], $0x80, s5, s7, $0xb8;
	[tilespmem:$0x1D800] =	vst v63  }
0x102: {  	s5 =	simm.s32 @!p0 $0x6  }
0x103: {  	_ =	swait.ge @!p0 [sflag:s5], $0x2000  }
0x104: {  	[sflag:s5] =	ssyncset.done @!p0 $0x0  }
0x105: {  	s6 =	simm.s32 @!p0 $0x14480;
	[sflag:s5] =	ssyncadd.s32 @!p0 $0xFFFFE000;
	s5 =	simm.s32 @!p0 $0x16C00  }
0x106: {  	[tilespmem:s5], [sflag:$0x2] =	stream.indirect.gather @!p0 [hbm4b:s1+s7], $0x80, s6, s7, $0xb8;
	[tilespmem:$0x1D800] =	vst v63  }
0x107: {  	s5 =	simm.s32 @!p0 $0x7  }
0x108: {  	_ =	swait.ge @!p0 [sflag:s5], $0x2000  }
0x109: {  	[sflag:s5] =	ssyncset.done @!p0 $0x0  }
0x10a: {  	s6 =	simm.s32 @!p0 $0x14500;
	[sflag:s5] =	ssyncadd.s32 @!p0 $0xFFFFE000;
	s5 =	simm.s32 @!p0 $0x18C00  }
0x10b: {  	[tilespmem:s5], [sflag:$0x3] =	stream.indirect.gather @!p0 [hbm4b:s1+s7], $0x80, s6, s7, $0xb8;
	[tilespmem:$0x1D800] =	vst v63  }
0x10c: {  	s5 =	simm.s32 @!p0 $0x8  }
0x10d: {  	_ =	swait.ge @!p0 [sflag:s5], $0x2000  }
0x10e: {  	s10 =	rddreg [dreg:$0x9];
	[sflag:s5] =	ssyncset.done @!p0 $0x0  }
0x10f: {  	s25 =	rddreg [dreg:$0x7];
	[sflag:s5] =	ssyncadd.s32 @!p0 $0xFFFFE000  }
0x110: {  	[tilespmem:s16], [sflag:$0x4] =	stream.indirect.gather [hbm4b:s1+s15], $0x80, s10, s15, $0xb8;
	[tilespmem:$0x1D800] =	vst v63  }
0x111: {  	s3 =	rddreg [dreg:$0x8];
	s5 =	sadd.s32 $0x0, s25  }
0x112: {  	[tilespmem:s17], [sflag:$0xA] =	stream.linear.gather [hbm4b:s5+s4], $0x200, $0x38;
	[tilespmem:$0x1D800] =	vst v63  }
0x113: {  	s6 =	sadd.s32 $0x0, s3  }
0x114: {  	[tilespmem:s18], [sflag:$0xA] =	stream.linear.gather [hbm4b:s6+s4], $0x200, $0x38;
	[tilespmem:$0x1D800] =	vst v63  }
0x115: {  	_ =	swait.ge [sflag:s19], $0x2000  }
0x116: {  	[sflag:s19] =	ssyncset.done $0x0  }
0x117: {  	[sflag:s19] =	ssyncadd.s32 $0xFFFFE000  }
0x118: {  	[spmem:s2] =	stream.indirect.scatter.add.f32 [tilespmem:s20], [sflag:$0x5], $0x80, s13, s15, $0xb8;
	[tilespmem:$0x1D800] =	vst v63  }
0x119: {  	_ =	swait.ge [sflag:s21], $0x2000  }
0x11a: {  	[sflag:s21] =	ssyncset.done $0x0  }
0x11b: {  	s7 =	rddreg [dreg:$0xa];
	[sflag:s21] =	ssyncadd.s32 $0xFFFFE000  }
0x11c: {  	[spmem:s2] =	stream.indirect.scatter.add.f32 [tilespmem:s22], [sflag:$0x6], $0x80, s7, s15, $0xb8;
	[tilespmem:$0x1D800] =	vst v63  }
0x11d: {  	_ =	swait.ge [sflag:s23], $0x2000  }
0x11e: {  	[sflag:s23] =	ssyncset.done $0x0  }
0x11f: {  	s8 =	rddreg [dreg:$0xb];
	[sflag:s23] =	ssyncadd.s32 $0xFFFFE000  }
0x120: {  	[spmem:s2] =	stream.indirect.scatter.add.f32 [tilespmem:s24], [sflag:$0x7], $0x80, s8, s15, $0xb8;
	[tilespmem:$0x1D800] =	vst v63  }
0x121: {  	_ =	swait.ge [sflag:s26], $0x2000  }
0x122: {  	[sflag:s26] =	ssyncset.done $0x0  }
0x123: {  	s10 =	rddreg [dreg:$0xc];
	[sflag:s26] =	ssyncadd.s32 $0xFFFFE000  }
0x124: {  	[spmem:s2] =	stream.indirect.scatter.add.f32 [tilespmem:s16], [sflag:$0x8], $0x80, s10, s15, $0xb8;
	[tilespmem:$0x1D800] =	vst v63  }
0x125: {  	_ =	swait.ge [sflag:s28], $0x200  }
0x126: {  	[sflag:s28] =	ssyncset.done $0x0  }
0x127: {  	[sflag:s28] =	ssyncadd.s32 $0xFFFFFE00  }
0x128: {  	_ =	swait.ge [sflag:s28], $0x200  }
0x129: {  	[sflag:s28] =	ssyncset.done $0x0  }
0x12a: {  	[sflag:s28] =	ssyncadd.s32 $0xFFFFFE00  }
0x12b: {  	_ =	swait.ge [sflag:s29], $0x2000  }
0x12c: {  	[sflag:s29] =	ssyncset.done $0x0  }
0x12d: {  	[sflag:s29] =	ssyncadd.s32 $0xFFFFE000  }
0x12e: {  	[tilespmem:s20], [sflag:$0x1] =	stream.indirect.gather [hbm4b:s1+s15], $0x80, s17, s15, $0xb8;
	[tilespmem:$0x1D800] =	vst v63  }
0x12f: {  	_ =	swait.ge [sflag:s30], $0x2000  }
0x130: {  	[sflag:s30] =	ssyncset.done $0x0  }
0x131: {  	s25 =	rddreg [dreg:$0xd];
	[sflag:s30] =	ssyncadd.s32 $0xFFFFE000  }
0x132: {  	[tilespmem:s22], [sflag:$0x2] =	stream.indirect.gather [hbm4b:s1+s15], $0x80, s25, s15, $0xb8;
	[tilespmem:$0x1D800] =	vst v63  }
0x133: {  	_ =	swait.ge [sflag:s31], $0x2000  }
0x134: {  	[sflag:s31] =	ssyncset.done $0x0  }
0x135: {  	s3 =	rddreg [dreg:$0xe];
	[sflag:s31] =	ssyncadd.s32 $0xFFFFE000  }
0x136: {  	[tilespmem:s24], [sflag:$0x3] =	stream.indirect.gather [hbm4b:s1+s15], $0x80, s3, s15, $0xb8;
	[tilespmem:$0x1D800] =	vst v63  }
0x137: {  	_ =	swait.ge [sflag:s0], $0x2000  }
0x138: {  	s6 =	rddreg [dreg:$0xf];
	[sflag:s0] =	ssyncset.done $0x0  }
0x139: {  	s7 =	rddreg [dreg:$0x6];
	[sflag:s0] =	ssyncadd.s32 $0xFFFFE000  }
0x13a: {  	[tilespmem:s16], [sflag:$0x4] =	stream.indirect.gather [hbm4b:s1+s15], $0x80, s6, s15, $0xb8;
	[tilespmem:$0x1D800] =	vst v63  }
0x13b: {  	s8 =	rddreg [dreg:$0x5];
	s6 =	sadd.s32 $0x0, s7  }
0x13c: {  	[tilespmem:s12], [sflag:$0x9] =	stream.linear.gather [hbm4b:s6+s4], $0x200, $0x38;
	[tilespmem:$0x1D800] =	vst v63  }
0x13d: {  	s5 =	sadd.s32 $0x0, s8  }
0x13e: {  	[tilespmem:s13], [sflag:$0x9] =	stream.linear.gather [hbm4b:s5+s4], $0x200, $0x38;
	[tilespmem:$0x1D800] =	vst v63  }
0x13f: {  	_ =	swait.ge [sflag:s19], $0x2000  }
0x140: {  	[sflag:s19] =	ssyncset.done $0x0  }
0x141: {  	[sflag:s19] =	ssyncadd.s32 $0xFFFFE000  }
0x142: {  	[spmem:s2] =	stream.indirect.scatter.add.f32 [tilespmem:s20], [sflag:$0x5], $0x80, s18, s15, $0xb8;
	[tilespmem:$0x1D800] =	vst v63  }
0x143: {  	_ =	swait.ge [sflag:s21], $0x2000  }
0x144: {  	[sflag:s21] =	ssyncset.done $0x0  }
0x145: {  	s10 =	rddreg [dreg:$0x10];
	[sflag:s21] =	ssyncadd.s32 $0xFFFFE000  }
0x146: {  	[spmem:s2] =	stream.indirect.scatter.add.f32 [tilespmem:s22], [sflag:$0x6], $0x80, s10, s15, $0xb8;
	[tilespmem:$0x1D800] =	vst v63  }
0x147: {  	_ =	swait.ge [sflag:s23], $0x2000  }
0x148: {  	[sflag:s23] =	ssyncset.done $0x0  }
0x149: {  	s25 =	rddreg [dreg:$0x11];
	[sflag:s23] =	ssyncadd.s32 $0xFFFFE000  }
0x14a: {  	[spmem:s2] =	stream.indirect.scatter.add.f32 [tilespmem:s24], [sflag:$0x7], $0x80, s25, s15, $0xb8;
	[tilespmem:$0x1D800] =	vst v63  }
0x14b: {  	_ =	swait.ge [sflag:s26], $0x2000  }
0x14c: {  	[sflag:s26] =	ssyncset.done $0x0  }
0x14d: {  	s5 =	simm.s32 $0x80;
	s7 =	rddreg [dreg:$0x12];
	[sflag:s26] =	ssyncadd.s32 $0xFFFFE000  }
.LBB2_4:
0x14e: {  	[spmem:s2] =	stream.indirect.scatter.add.f32 [tilespmem:s16], [sflag:$0x8], $0x80, s7, s15, $0xb8;
	[tilespmem:$0x1D800] =	vst v63  }
0x14f: {  	_ =	swait.ge [sflag:s14], $0x200  }
0x150: {  	[sflag:s14] =	ssyncset.done $0x0  }
0x151: {  	s6 =	smov.u32 s5;
	[sflag:s14] =	ssyncadd.s32 $0xFFFFFE00  }
0x152: {  	p1 =	seq.s32 s6, $0x0;
	_ =	swait.ge [sflag:s14], $0x200  }
0x153: {  	s7 =	simm.s32 @p1 $0x40;
	[sflag:s14] =	ssyncset.done $0x0  }
0x154: {  	s8 =	simm.s32 @p1 $0x14400;
	s25 =	simm.s32 @p1 $0x14C00;
	[sflag:s14] =	ssyncadd.s32 $0xFFFFFE00  }
0x155: {  	[tilespmem:s25], [sflag:$0x1] =	stream.indirect.gather @p1 [hbm4b:s1+s7], $0x80, s8, s7, $0xb8;
	[tilespmem:$0x1D800] =	vst v63  }
0x156: {  	s3 =	simm.s32 @p1 $0x14480;
	s10 =	simm.s32 @p1 $0x16C00  }
0x157: {  	[tilespmem:s10], [sflag:$0x2] =	stream.indirect.gather @p1 [hbm4b:s1+s7], $0x80, s3, s7, $0xb8;
	[tilespmem:$0x1D800] =	vst v63  }
0x158: {  	s8 =	simm.s32 @p1 $0x14500;
	s25 =	simm.s32 @p1 $0x18C00;
	s3 =	simm.s32 @!p1 $0x5  }
0x159: {  	[tilespmem:s25], [sflag:$0x3] =	stream.indirect.gather @p1 [hbm4b:s1+s7], $0x80, s8, s7, $0xb8;
	[tilespmem:$0x1D800] =	vst v63  }
0x15a: {  	_ =	swait.ge @!p1 [sflag:s3], $0x2000  }
0x15b: {  	s10 =	simm.s32 @!p1 $0x14400;
	s7 =	simm.s32 @!p1 $0x14C00;
	[sflag:s3] =	ssyncset.done @!p1 $0x0  }
0x15c: {  	s8 =	simm.s32 @!p1 $0x40;
	[sflag:s3] =	ssyncadd.s32 @!p1 $0xFFFFE000;
	s3 =	simm.s32 @!p1 $0x6  }
0x15d: {  	[tilespmem:s7], [sflag:$0x1] =	stream.indirect.gather @!p1 [hbm4b:s1+s8], $0x80, s10, s8, $0xb8;
	[tilespmem:$0x1D800] =	vst v63  }
0x15e: {  	_ =	swait.ge @!p1 [sflag:s3], $0x2000  }
0x15f: {  	s7 =	simm.s32 @!p1 $0x14480;
	[sflag:s3] =	ssyncset.done @!p1 $0x0  }
0x160: {  	s10 =	simm.s32 @!p1 $0x16C00;
	[sflag:s3] =	ssyncadd.s32 @!p1 $0xFFFFE000;
	s3 =	simm.s32 @!p1 $0x7  }
0x161: {  	[tilespmem:s10], [sflag:$0x2] =	stream.indirect.gather @!p1 [hbm4b:s1+s8], $0x80, s7, s8, $0xb8;
	[tilespmem:$0x1D800] =	vst v63  }
0x162: {  	_ =	swait.ge @!p1 [sflag:s3], $0x2000  }
0x163: {  	s7 =	simm.s32 @!p1 $0x14500;
	[sflag:s3] =	ssyncset.done @!p1 $0x0  }
0x164: {  	s10 =	simm.s32 @!p1 $0x18C00;
	[sflag:s3] =	ssyncadd.s32 @!p1 $0xFFFFE000;
	s3 =	simm.s32 @!p1 $0x8  }
0x165: {  	[tilespmem:s10], [sflag:$0x3] =	stream.indirect.gather @!p1 [hbm4b:s1+s8], $0x80, s7, s8, $0xb8;
	[tilespmem:$0x1D800] =	vst v63  }
0x166: {  	_ =	swait.ge @!p1 [sflag:s3], $0x2000  }
0x167: {  	[sflag:s3] =	ssyncset.done @!p1 $0x0;
	s25 =	rddreg [dreg:$0x9]  }
0x168: {  	s8 =	rddreg [dreg:$0x7];
	[sflag:s3] =	ssyncadd.s32 @!p1 $0xFFFFE000  }
0x169: {  	[tilespmem:s16], [sflag:$0x4] =	stream.indirect.gather [hbm4b:s1+s15], $0x80, s25, s15, $0xb8;
	[tilespmem:$0x1D800] =	vst v63  }
0x16a: {  	s10 =	rddreg [dreg:$0x8];
	s3 =	sadd.s32 s6, s8  }
0x16b: {  	[tilespmem:s17], [sflag:$0xA] =	stream.linear.gather [hbm4b:s3+s4], $0x200, $0x38;
	[tilespmem:$0x1D800] =	vst v63  }
0x16c: {  	s25 =	sadd.s32 s6, s10  }
0x16d: {  	[tilespmem:s18], [sflag:$0xA] =	stream.linear.gather [hbm4b:s25+s4], $0x200, $0x38;
	[tilespmem:$0x1D800] =	vst v63  }
0x16e: {  	_ =	swait.ge [sflag:s19], $0x2000  }
0x16f: {  	[sflag:s19] =	ssyncset.done $0x0  }
0x170: {  	[sflag:s19] =	ssyncadd.s32 $0xFFFFE000  }
0x171: {  	[spmem:s2] =	stream.indirect.scatter.add.f32 [tilespmem:s20], [sflag:$0x5], $0x80, s13, s15, $0xb8;
	[tilespmem:$0x1D800] =	vst v63  }
0x172: {  	_ =	swait.ge [sflag:s21], $0x2000  }
0x173: {  	[sflag:s21] =	ssyncset.done $0x0  }
0x174: {  	s7 =	rddreg [dreg:$0xa];
	[sflag:s21] =	ssyncadd.s32 $0xFFFFE000  }
0x175: {  	[spmem:s2] =	stream.indirect.scatter.add.f32 [tilespmem:s22], [sflag:$0x6], $0x80, s7, s15, $0xb8;
	[tilespmem:$0x1D800] =	vst v63  }
0x176: {  	_ =	swait.ge [sflag:s23], $0x2000  }
0x177: {  	[sflag:s23] =	ssyncset.done $0x0  }
0x178: {  	s8 =	rddreg [dreg:$0xb];
	[sflag:s23] =	ssyncadd.s32 $0xFFFFE000  }
0x179: {  	[spmem:s2] =	stream.indirect.scatter.add.f32 [tilespmem:s24], [sflag:$0x7], $0x80, s8, s15, $0xb8;
	[tilespmem:$0x1D800] =	vst v63  }
0x17a: {  	_ =	swait.ge [sflag:s26], $0x2000  }
0x17b: {  	[sflag:s26] =	ssyncset.done $0x0  }
0x17c: {  	s10 =	rddreg [dreg:$0xc];
	[sflag:s26] =	ssyncadd.s32 $0xFFFFE000  }
0x17d: {  	[spmem:s2] =	stream.indirect.scatter.add.f32 [tilespmem:s16], [sflag:$0x8], $0x80, s10, s15, $0xb8;
	[tilespmem:$0x1D800] =	vst v63  }
0x17e: {  	_ =	swait.ge [sflag:s28], $0x200  }
0x17f: {  	[sflag:s28] =	ssyncset.done $0x0  }
0x180: {  	[sflag:s28] =	ssyncadd.s32 $0xFFFFFE00  }
0x181: {  	_ =	swait.ge [sflag:s28], $0x200  }
0x182: {  	[sflag:s28] =	ssyncset.done $0x0  }
0x183: {  	[sflag:s28] =	ssyncadd.s32 $0xFFFFFE00  }
0x184: {  	_ =	swait.ge [sflag:s29], $0x2000  }
0x185: {  	[sflag:s29] =	ssyncset.done $0x0  }
0x186: {  	[sflag:s29] =	ssyncadd.s32 $0xFFFFE000  }
0x187: {  	[tilespmem:s20], [sflag:$0x1] =	stream.indirect.gather [hbm4b:s1+s15], $0x80, s17, s15, $0xb8;
	[tilespmem:$0x1D800] =	vst v63  }
0x188: {  	_ =	swait.ge [sflag:s30], $0x2000  }
0x189: {  	[sflag:s30] =	ssyncset.done $0x0  }
0x18a: {  	s25 =	rddreg [dreg:$0xd];
	[sflag:s30] =	ssyncadd.s32 $0xFFFFE000  }
0x18b: {  	[tilespmem:s22], [sflag:$0x2] =	stream.indirect.gather [hbm4b:s1+s15], $0x80, s25, s15, $0xb8;
	[tilespmem:$0x1D800] =	vst v63  }
0x18c: {  	_ =	swait.ge [sflag:s31], $0x2000  }
0x18d: {  	[sflag:s31] =	ssyncset.done $0x0  }
0x18e: {  	s7 =	rddreg [dreg:$0xe];
	[sflag:s31] =	ssyncadd.s32 $0xFFFFE000  }
0x18f: {  	[tilespmem:s24], [sflag:$0x3] =	stream.indirect.gather [hbm4b:s1+s15], $0x80, s7, s15, $0xb8;
	[tilespmem:$0x1D800] =	vst v63  }
0x190: {  	_ =	swait.ge [sflag:s0], $0x2000  }
0x191: {  	[sflag:s0] =	ssyncset.done $0x0;
	s8 =	rddreg [dreg:$0xf]  }
0x192: {  	s10 =	rddreg [dreg:$0x6];
	[sflag:s0] =	ssyncadd.s32 $0xFFFFE000  }
0x193: {  	[tilespmem:s16], [sflag:$0x4] =	stream.indirect.gather [hbm4b:s1+s15], $0x80, s8, s15, $0xb8;
	[tilespmem:$0x1D800] =	vst v63  }
0x194: {  	s25 =	rddreg [dreg:$0x5];
	s7 =	sadd.s32 s6, s10  }
0x195: {  	[tilespmem:s12], [sflag:$0x9] =	stream.linear.gather [hbm4b:s7+s4], $0x200, $0x38;
	[tilespmem:$0x1D800] =	vst v63  }
0x196: {  	s8 =	sadd.s32 s6, s25  }
0x197: {  	[tilespmem:s13], [sflag:$0x9] =	stream.linear.gather [hbm4b:s8+s4], $0x200, $0x38;
	[tilespmem:$0x1D800] =	vst v63  }
0x198: {  	_ =	swait.ge [sflag:s19], $0x2000  }
0x199: {  	[sflag:s19] =	ssyncset.done $0x0  }
0x19a: {  	[sflag:s19] =	ssyncadd.s32 $0xFFFFE000  }
0x19b: {  	[spmem:s2] =	stream.indirect.scatter.add.f32 [tilespmem:s20], [sflag:$0x5], $0x80, s18, s15, $0xb8;
	[tilespmem:$0x1D800] =	vst v63  }
0x19c: {  	_ =	swait.ge [sflag:s21], $0x2000  }
0x19d: {  	[sflag:s21] =	ssyncset.done $0x0  }
0x19e: {  	s10 =	rddreg [dreg:$0x10];
	[sflag:s21] =	ssyncadd.s32 $0xFFFFE000  }
0x19f: {  	[spmem:s2] =	stream.indirect.scatter.add.f32 [tilespmem:s22], [sflag:$0x6], $0x80, s10, s15, $0xb8;
	[tilespmem:$0x1D800] =	vst v63  }
0x1a0: {  	s5 =	sadd.s32 $0x80, s5;
	_ =	swait.ge [sflag:s23], $0x2000  }
0x1a1: {  	p0 =	sne.s32 s5, $0x1400;
	[sflag:s23] =	ssyncset.done $0x0  }
.Ltmp1:
0x1a2: {  	s25 =	rddreg [dreg:$0x11];
	[sflag:s23] =	ssyncadd.s32 $0xFFFFE000;
	(pc) =	sbr.rel @p0 .LBB2_4-.Ltmp1, $4  }
0x1a3: {  	[spmem:s2] =	stream.indirect.scatter.add.f32 [tilespmem:s24], [sflag:$0x7], $0x80, s25, s15, $0xb8;
	[tilespmem:$0x1D800] =	vst v63  }
0x1a4: {  	_ =	swait.ge [sflag:s26], $0x2000  }
0x1a5: {  	[sflag:s26] =	ssyncset.done $0x0  }
0x1a6: {  	s7 =	rddreg [dreg:$0x12];
	[sflag:s26] =	ssyncadd.s32 $0xFFFFE000  }
0x1a7: {  	[spmem:s2] =	stream.indirect.scatter.add.f32 [tilespmem:s16], [sflag:$0x8], $0x80, s7, s15, $0xb8;
	[tilespmem:$0x1D800] =	vst v63  }
0x1a8: {  	_ =	swait.ge [sflag:s29], $0x2000  }
0x1a9: {  	[sflag:s29] =	ssyncset.done $0x0  }
0x1aa: {  	[sflag:s29] =	ssyncadd.s32 $0xFFFFE000  }
0x1ab: {  	_ =	swait.ge [sflag:s30], $0x2000  }
0x1ac: {  	[sflag:s30] =	ssyncset.done $0x0  }
0x1ad: {  	[sflag:s30] =	ssyncadd.s32 $0xFFFFE000  }
0x1ae: {  	_ =	swait.ge [sflag:s31], $0x2000  }
0x1af: {  	[sflag:s31] =	ssyncset.done $0x0  }
0x1b0: {  	[sflag:s31] =	ssyncadd.s32 $0xFFFFE000  }
0x1b1: {  	_ =	swait.ge [sflag:s0], $0x2000  }
0x1b2: {  	[sflag:s0] =	ssyncset.done $0x0  }
0x1b3: {  	[sflag:s0] =	ssyncadd.s32 $0xFFFFE000  }
0x1b4: {  	_ =	swait.ge [sflag:s14], $0x200  }
0x1b5: {  	[sflag:s14] =	ssyncset.done $0x0  }
0x1b6: {  	[sflag:s14] =	ssyncadd.s32 $0xFFFFFE00  }
0x1b7: {  	_ =	swait.ge [sflag:s14], $0x200  }
0x1b8: {  	[sflag:s14] =	ssyncset.done $0x0  }
0x1b9: {  	[sflag:s14] =	ssyncadd.s32 $0xFFFFFE00  }
0x1ba: {  	s3 =	stileid.u32;
	[bflag:$0x0] =	sbarrier.arrive $0xFFFF  }
0x1bb: {  	s3 =	sshll.u32 s3, $0x6;
	s5 =	rddreg [dreg:$0x15]  }
0x1bc: {  	s3 =	sor.u32 $0x1C0B, s3;
	s6 =	rddreg [dreg:$0x17]  }
0x1bd: {  	[hbm:s5], [sflag:s3] =	dma.local [spmem:s6], $0x1400  }
0x1be: {  	_ =	swait.ge [sflag:s11], $0x1400  }
0x1bf: {  	s10 =	rddreg [dreg:$0x18]  }
0x1c0: {  	s25 =	rddreg [dreg:$0x16];
	s5 =	sadd.s32 $0x1, s10  }
0x1c1: {  	p0 =	sne.s32 s5, s25  }
.Ltmp2:
0x1c2: {  	_ = 	snop;
	(pc) =	sbr.rel @p0 .LBB2_1-.Ltmp2, $3  }
0x1c3: {  	_ =	sdelay $0x1  }
0x1c4: {  	[sflag:s11] =	ssyncset.done $0x0  }
0x1c5: {  	s7 =	simm.s32 $0x1CC00;
	[sflag:s11] =	ssyncadd.s32 $0xFFFFEC00  }
0x1c6: {  	_ =	sfence.sel $0x180000  }
0x1c7: {  	[bflag:$0x0] =	sbarrier.arrive $0xFFFF  }
0x1c8: {  	_ =	strace $0x90000047  }
0x1c9: {  	s0 =	stileid.u32;
	[bflag:$0x2] =	sbarrier.arrive $0xFFFF  }
0x1ca: {  	p0 =	sne.s32 s0, $0x0;
	s0 =	rddreg [dreg:$0x4]  }
0x1cb: {  	s0 =	sadd.s32 @!p0 $0x100000, s0  }
0x1cc: {  	[sflag:s0] =	ssyncadd.tile.s32 @!p0 $0x1;
	_ =	shalt  }
.Lfunc_end2:
_tile_overlayer_lowered:
.L_overlay_start_2:
0x1cd: {  	(tag) =	ssettag $0x2  }
0x1ce: {  	s0 =	rddreg [dreg:$0x0];
	s2 =	stileid.u32  }
0x1cf: {  	s1 =	rddreg [dreg:$0x1];
	p0 =	sne.s32 s2, $0x0  }
0x1d0: {  	s3 =	rddreg [dreg:$0x2];
	[bflag:$0x3] =	sbarrier.arrive $0xFFFF;
	s2 =	simm.s32 @!p0 $0x1C0B  }
0x1d1: {  	[timem:s3], [sflag:s2] =	dma.local @!p0 [hbm:s0], s1  }
0x1d2: {  	s0 =	simm.s32 @!p0 $0xB  }
0x1d3: {  	_ =	swait.ge @!p0 [sflag:s0], s1  }
0x1d4: {  	s1 =	ssub.s32 @!p0 $0x0, s1;
	[sflag:s0] =	ssyncset.done @!p0 $0x0  }
0x1d5: {  	[sflag:s0] =	ssyncadd.s32 @!p0 s1  }
0x1d6: {  	[bflag:$0x3] =	sbarrier.arrive $0xFFFF  }
0x1d7: {  	_ =	shalt  }

</sc_bundles>
